<compile_context>
chip_gen: v7x
topology: tpu7x:2x2x1
jax: 0.10.2.dev20260603
libtpu: 0.0.44.dev20260713+nightly
codegen_flags: <defaults>
</compile_context>

<pallas_src>
import functools

import jax
import jax.numpy as jnp
from jax import lax
from jax.experimental import pallas as pl
from jax.experimental.pallas import tpu as pltpu
from jax.experimental.pallas import tpu_sc as plsc

VOCAB = 100004
MAXLEN = 200
EMB = 50
HID = 128
B = 1024

N_ROWS = B * MAXLEN
PROJ_BLK = 4096
VPAD = 102400
SLABS = 4
SLAB_B = B // SLABS
SLAB_ROWS = SLAB_B * MAXLEN


def _proj_body(wtt_ref, w_ref, b_ref, out_ref):
    out_ref[...] = lax.dot_general(
        wtt_ref[...], w_ref[...],
        (((0,), (0,)), ((), ())),
        preferred_element_type=jnp.float32,
    ) + b_ref[...]


def _make_proj(interpret: bool = False):
    return pl.pallas_call(
        _proj_body,
        grid=(VPAD // PROJ_BLK,),
        in_specs=[
            pl.BlockSpec((EMB, PROJ_BLK), lambda i: (0, i)),
            pl.BlockSpec((EMB, HID), lambda i: (0, 0)),
            pl.BlockSpec((1, HID), lambda i: (0, 0)),
        ],
        out_specs=pl.BlockSpec((PROJ_BLK, HID), lambda i: (i, 0)),
        out_shape=jax.ShapeDtypeStruct((VPAD, HID), jnp.float32),
        interpret=interpret,
    )


_proj = _make_proj()


def _make_sc_gather(n_rows: int, width: int, chunk: int = 128):
    info = plsc.get_sparse_core_info()
    nc, ns = info.num_cores, info.num_subcores
    nw = nc * ns
    assert n_rows % nw == 0
    rpw = n_rows // nw
    assert rpw % chunk == 0
    n_chunks = rpw // chunk

    mesh = plsc.VectorSubcoreMesh(core_axis_name="c", subcore_axis_name="s",
                                  num_cores=nc, num_subcores=ns)

    @functools.partial(
        pl.kernel,
        out_type=jax.ShapeDtypeStruct((n_rows, width), jnp.float32),
        mesh=mesh,
        scratch_types=[
            pltpu.VMEM((n_chunks, chunk), jnp.int32),
            pltpu.VMEM((3, chunk, width), jnp.float32),
            pltpu.SemaphoreType.DMA((3,)),
            pltpu.SemaphoreType.DMA((3,)),
        ],
        compiler_params=pltpu.CompilerParams(use_tc_tiling_on_sc=False),
    )
    def sc_gather(table_hbm, idx_hbm, out_hbm, idx_v, rows_v, gsem, osem):
        wid = lax.axis_index("s") * nc + lax.axis_index("c")
        cbase = wid * n_chunks

        pltpu.sync_copy(idx_hbm.at[pl.ds(cbase, n_chunks)], idx_v)

        def start_gather(i, slot):
            pltpu.async_copy(table_hbm.at[idx_v.at[i]], rows_v.at[slot],
                             gsem.at[slot])

        def wait_out(i, slot):
            pltpu.make_async_copy(
                rows_v.at[slot],
                out_hbm.at[pl.ds((cbase + i) * chunk, chunk)],
                osem.at[slot]).wait()

        start_gather(0, 0)
        if n_chunks >= 2:
            start_gather(1, 1)

        def body(i, carry):
            slot = lax.rem(i, 3)

            @pl.when(i + 2 < n_chunks)
            def _():
                nslot = lax.rem(i + 2, 3)

                @pl.when(i >= 1)
                def _():
                    wait_out(i - 1, nslot)
                start_gather(i + 2, nslot)

            pltpu.make_async_copy(table_hbm.at[idx_v.at[i]],
                                  rows_v.at[slot], gsem.at[slot]).wait()
            pltpu.async_copy(rows_v.at[slot],
                             out_hbm.at[pl.ds((cbase + i) * chunk, chunk)],
                             osem.at[slot])
            return carry

        lax.fori_loop(0, n_chunks, body, 0)
        for i in range(max(0, n_chunks - 3), n_chunks):
            wait_out(i, i % 3)

    return sc_gather


_sc_gather_cache = {}


def _sc_gather(table, idx):
    chunk = 80
    if "k" not in _sc_gather_cache:
        _sc_gather_cache["k"] = _make_sc_gather(SLAB_ROWS, HID, chunk=chunk)
    return _sc_gather_cache["k"](table, idx.reshape(-1, chunk))


def _fin_body(g_ref, tt_ref, pos_ref, tok_ref, w_ref, gam_ref, bet_ref,
              out_ref, *, bb):
    _fin_compute(g_ref, tt_ref, pos_ref, tok_ref, w_ref, gam_ref, bet_ref,
                 out_ref, bb)


def _fin_body_alias(g_ref, tt_ref, pos_ref, tok_ref, w_ref, gam_ref, bet_ref,
                    prev_ref, out_ref, *, bb):
    del prev_ref
    _fin_compute(g_ref, tt_ref, pos_ref, tok_ref, w_ref, gam_ref, bet_ref,
                 out_ref, bb)


def _fin_compute(g_ref, tt_ref, pos_ref, tok_ref, w_ref, gam_ref, bet_ref,
                 out_ref, bb):
    posp = lax.dot_general(
        pos_ref[...] + tok_ref[0:1, :], w_ref[...],
        (((1,), (0,)), ((), ())),
        preferred_element_type=jnp.float32,
    )
    tokd = lax.dot_general(
        tok_ref[1:2, :] - tok_ref[0:1, :], w_ref[...],
        (((1,), (0,)), ((), ())),
        preferred_element_type=jnp.float32,
    )
    tt = tt_ref[...].astype(jnp.float32)
    x = (g_ref[...] + posp[None]
         + tt[..., None] * tokd[None])
    mean = jnp.mean(x, axis=-1, keepdims=True)
    xc = x - mean
    var = jnp.mean(xc * xc, axis=-1, keepdims=True)
    out_ref[...] = (xc * lax.rsqrt(var + 1e-5) * gam_ref[...]
                    + bet_ref[...])


def _make_fin(slab: int, bb: int = 16, interpret: bool = False):
    off = slab * (SLAB_B // bb)
    in_specs = [
        pl.BlockSpec((bb, MAXLEN, HID), lambda i: (i, 0, 0)),
        pl.BlockSpec((bb, MAXLEN), lambda i, _o=off: (i + _o, 0)),
        pl.BlockSpec((MAXLEN, EMB), lambda i: (0, 0)),
        pl.BlockSpec((2, EMB), lambda i: (0, 0)),
        pl.BlockSpec((EMB, HID), lambda i: (0, 0)),
        pl.BlockSpec((1, HID), lambda i: (0, 0)),
        pl.BlockSpec((1, HID), lambda i: (0, 0)),
    ]
    if slab == 0:
        body = functools.partial(_fin_body, bb=bb)
        aliases = {}
    else:
        body = functools.partial(_fin_body_alias, bb=bb)
        in_specs = in_specs + [pl.BlockSpec(memory_space=pl.ANY)]
        aliases = {7: 0}
    return pl.pallas_call(
        body,
        grid=(SLAB_B // bb,),
        in_specs=in_specs,
        out_specs=pl.BlockSpec((bb, MAXLEN, HID),
                               lambda i, _o=off: (i + _o, 0, 0)),
        out_shape=jax.ShapeDtypeStruct((B, MAXLEN, HID), jnp.float32),
        input_output_aliases=aliases,
        interpret=interpret,
    )


_fins = [_make_fin(s) for s in range(SLABS)]


def kernel(word_id, token_type, word_table, pos_table, tok_table, W, b,
           gamma, beta):
    proj = _proj(word_table.T, W, b.reshape(1, HID))
    idx = word_id.reshape(-1).astype(jnp.int32)
    tt = token_type.astype(jnp.int32)
    gs = [_sc_gather(proj, idx[s * SLAB_ROWS:(s + 1) * SLAB_ROWS])
          .reshape(SLAB_B, MAXLEN, HID) for s in range(SLABS)]
    gamma2 = gamma.reshape(1, HID)
    beta2 = beta.reshape(1, HID)
    y = _fins[0](gs[0], tt, pos_table, tok_table, W, gamma2, beta2)
    for s in range(1, SLABS):
        y = _fins[s](gs[s], tt, pos_table, tok_table, W, gamma2, beta2, y)
    return y

# --- scband reference (transcript-rebuilt; emitter-appended) ---
"""Pipeline reference for scband-bert-embedding-79130477461630 (READ-ONLY COPY).

The authoritative reference and input builder live on the scoring server;
editing this copy changes nothing except your own understanding.
"""

import jax, jax.numpy as jnp
import numpy as np

VOCAB = 100004  # vect_len + 4 with vect_len = 100000
MAXLEN = 200
EMB = 50
HID = 128
B = 1024


def setup_inputs(seed: int = 0) -> dict:
    key = jax.random.key(seed)
    ks = jax.random.split(key, 8)
    word_id = jax.random.randint(ks[0], (B, MAXLEN), 0, VOCAB)
    token_type = jax.random.randint(ks[1], (B, MAXLEN), 0, 2)
    word_table = jax.random.normal(ks[2], (VOCAB, EMB), dtype=jnp.float32) * 0.02
    pos_table = jax.random.normal(ks[3], (MAXLEN, EMB), dtype=jnp.float32) * 0.02
    tok_table = jax.random.normal(ks[4], (2, EMB), dtype=jnp.float32) * 0.02
    W = jax.random.normal(ks[5], (EMB, HID), dtype=jnp.float32) * (1.0 / np.sqrt(EMB))
    b = jnp.zeros((HID,), dtype=jnp.float32)
    gamma = jnp.ones((HID,), dtype=jnp.float32)
    beta = jnp.zeros((HID,), dtype=jnp.float32)
    return {
        "word_id": word_id,
        "token_type": token_type,
        "word_table": word_table,
        "pos_table": pos_table,
        "tok_table": tok_table,
        "W": W,
        "b": b,
        "gamma": gamma,
        "beta": beta,
    }


def reference(word_id, token_type, word_table, pos_table, tok_table, W, b, gamma, beta):
    # word embedding lookup: gather rows
    we = jnp.take(word_table, word_id, axis=0)           # [B, L, EMB]
    # positional embedding: pos buffer is arange(max_len) expanded to [1, L]
    pos = jnp.arange(MAXLEN)
    pe = jnp.take(pos_table, pos, axis=0)[None, :, :]    # [1, L, EMB]
    # token type embedding lookup
    te = jnp.take(tok_table, token_type, axis=0)         # [B, L, EMB]
    emb = we + pe + te
    # linear projection 50 -> hidden_size
    x = emb @ W + b                                      # [B, L, HID]
    # LayerNorm over last dim (eps=1e-5, elementwise affine)
    mean = jnp.mean(x, axis=-1, keepdims=True)
    var = jnp.mean((x - mean) ** 2, axis=-1, keepdims=True)
    out = (x - mean) / jnp.sqrt(var + 1e-5) * gamma + beta
    # Dropout(0.3) acts as identity in eval mode
    return out

if __name__ == "__main__":
    import jax
    _d = setup_inputs()
    print(jax.jit(kernel)(*tuple(_d.values())))

</pallas_src>

<mosaic_0001>
#map = affine_map<(d0, d1) -> (0, 0)>
module attributes {stable_mosaic.version = 14 : i64} {
  func.func @sc_gather(%arg0: i32, %arg1: i32, %arg2: memref<102400x128xf32, #tpu.memory_space<hbm>>, %arg3: memref<640x80xi32, #tpu.memory_space<hbm>>, %arg4: memref<51200x128xf32, #tpu.memory_space<hbm>>, %arg5: memref<20x80xi32, #tpu.memory_space<vmem>>, %arg6: memref<3x80x128xf32, #tpu.memory_space<vmem>>, %arg7: memref<3x!tpu.dma_semaphore, #tpu.memory_space<semaphore_mem>>, %arg8: memref<3x!tpu.dma_semaphore, #tpu.memory_space<semaphore_mem>>) attributes {dimension_semantics = [#tpu.dimension_semantics<core_parallel>, #tpu.dimension_semantics<subcore_parallel>], iteration_bounds = array<i64: 2, 16>, scalar_prefetch = 0 : i64, scratch_operands = 4 : i64, tpu.core_type = #tpu.core_type<sc_vector_subcore>, window_params = [{transform_indices = #map}, {transform_indices = #map}, {transform_indices = #map}]} {
    %mul3A = arith.constant 2 : i32
    %mul3A_0 = arith.muli %arg1, %mul3A : i32
    %add3A = arith.addi %mul3A_0, %arg0 : i32
    %mul3A_1 = arith.constant 20 : i32
    %mul3A_2 = arith.muli %add3A, %mul3A_1 : i32
    "tpu.region"() ({
      %run_scoped3A = tpu.sem_alloc : memref<!tpu.dma_semaphore, #tpu.memory_space<semaphore_mem>>
      %dma_start3A_96 = arith.constant 0 : i32
      %dma_start3A_97 = tpu.memref_slice %arg3[%mul3A_2, %dma_start3A_96] : memref<640x80xi32, #tpu.memory_space<hbm>> -> memref<20x80xi32, #tpu.memory_space<hbm>>
      %dma_start3A_98 = arith.constant 0 : i32
      %dma_start3A_99 = tpu.memref_slice %arg3[%mul3A_2, %dma_start3A_98] : memref<640x80xi32, #tpu.memory_space<hbm>> -> memref<20x80xi32, #tpu.memory_space<hbm>>
      tpu.enqueue_dma source(%dma_start3A_99 : memref<20x80xi32, #tpu.memory_space<hbm>>) target(%arg5 : memref<20x80xi32, #tpu.memory_space<vmem>>) target_semaphore(%run_scoped3A : memref<!tpu.dma_semaphore, #tpu.memory_space<semaphore_mem>>)
      %dma_wait3A_100 = arith.constant 0 : i32
      %dma_wait3A_101 = tpu.memref_slice %arg3[%mul3A_2, %dma_wait3A_100] : memref<640x80xi32, #tpu.memory_space<hbm>> -> memref<20x80xi32, #tpu.memory_space<hbm>>
      %dma_wait3A_102 = arith.constant 0 : i32
      %dma_wait3A_103 = tpu.memref_slice %arg3[%mul3A_2, %dma_wait3A_102] : memref<640x80xi32, #tpu.memory_space<hbm>> -> memref<20x80xi32, #tpu.memory_space<hbm>>
      tpu.wait_dma2 semaphore(%run_scoped3A : memref<!tpu.dma_semaphore, #tpu.memory_space<semaphore_mem>>) src(%dma_wait3A_103 : memref<20x80xi32, #tpu.memory_space<hbm>>) dst(%arg5 : memref<20x80xi32, #tpu.memory_space<vmem>>)
      tpu.yield
    }) : () -> ()
    %dma_start3A = arith.constant 0 : i32
    %dma_start3A_3 = arith.constant 0 : i32
    %dma_start3A_4 = arith.constant 0 : i32
    %dma_start3A_5 = arith.constant 0 : i32
    %dma_start3A_6 = arith.constant 0 : i32
    %dma_start3A_7 = tpu.memref_slice %arg6[%dma_start3A_3, %dma_start3A_5, %dma_start3A_6] : memref<3x80x128xf32, #tpu.memory_space<vmem>> -> memref<1x80x128xf32, #tpu.memory_space<vmem>>
    %dma_start3A_8 = tpu.memref_squeeze %dma_start3A_7 : memref<1x80x128xf32, #tpu.memory_space<vmem>> -> memref<80x128xf32, #tpu.memory_space<vmem>>
    %dma_start3A_9 = arith.constant 0 : i32
    %dma_start3A_10 = tpu.memref_slice %arg5[%dma_start3A, %dma_start3A_9] : memref<20x80xi32, #tpu.memory_space<vmem>> -> memref<1x80xi32, #tpu.memory_space<vmem>>
    %dma_start3A_11 = tpu.memref_squeeze %dma_start3A_10 : memref<1x80xi32, #tpu.memory_space<vmem>> -> memref<80xi32, #tpu.memory_space<vmem>>
    %dma_start3A_12 = arith.constant 0 : i32
    %dma_start3A_13 = arith.constant 0 : i32
    %dma_start3A_14 = tpu.memref_slice %arg2[%dma_start3A_12, %dma_start3A_13] : memref<102400x128xf32, #tpu.memory_space<hbm>> -> memref<102400x128xf32, #tpu.memory_space<hbm>>
    %dma_start3A_15 = tpu.memref_slice %arg7[%dma_start3A_4] : memref<3x!tpu.dma_semaphore, #tpu.memory_space<semaphore_mem>> -> memref<1x!tpu.dma_semaphore, #tpu.memory_space<semaphore_mem>>
    %dma_start3A_16 = tpu.memref_squeeze %dma_start3A_15 : memref<1x!tpu.dma_semaphore, #tpu.memory_space<semaphore_mem>> -> memref<!tpu.dma_semaphore, #tpu.memory_space<semaphore_mem>>
    tpu.enqueue_indirect_dma source(%dma_start3A_14 : memref<102400x128xf32, #tpu.memory_space<hbm>>) target(%dma_start3A_8 : memref<80x128xf32, #tpu.memory_space<vmem>>) offsets(%dma_start3A_11 : memref<80xi32, #tpu.memory_space<vmem>>) semaphore(%dma_start3A_16 : memref<!tpu.dma_semaphore, #tpu.memory_space<semaphore_mem>>)
    %dma_start3A_17 = arith.constant 1 : i32
    %dma_start3A_18 = arith.constant 1 : i32
    %dma_start3A_19 = arith.constant 1 : i32
    %dma_start3A_20 = arith.constant 0 : i32
    %dma_start3A_21 = arith.constant 0 : i32
    %dma_start3A_22 = tpu.memref_slice %arg6[%dma_start3A_18, %dma_start3A_20, %dma_start3A_21] : memref<3x80x128xf32, #tpu.memory_space<vmem>> -> memref<1x80x128xf32, #tpu.memory_space<vmem>>
    %dma_start3A_23 = tpu.memref_squeeze %dma_start3A_22 : memref<1x80x128xf32, #tpu.memory_space<vmem>> -> memref<80x128xf32, #tpu.memory_space<vmem>>
    %dma_start3A_24 = arith.constant 0 : i32
    %dma_start3A_25 = tpu.memref_slice %arg5[%dma_start3A_17, %dma_start3A_24] : memref<20x80xi32, #tpu.memory_space<vmem>> -> memref<1x80xi32, #tpu.memory_space<vmem>>
    %dma_start3A_26 = tpu.memref_squeeze %dma_start3A_25 : memref<1x80xi32, #tpu.memory_space<vmem>> -> memref<80xi32, #tpu.memory_space<vmem>>
    %dma_start3A_27 = arith.constant 0 : i32
    %dma_start3A_28 = arith.constant 0 : i32
    %dma_start3A_29 = tpu.memref_slice %arg2[%dma_start3A_27, %dma_start3A_28] : memref<102400x128xf32, #tpu.memory_space<hbm>> -> memref<102400x128xf32, #tpu.memory_space<hbm>>
    %dma_start3A_30 = tpu.memref_slice %arg7[%dma_start3A_19] : memref<3x!tpu.dma_semaphore, #tpu.memory_space<semaphore_mem>> -> memref<1x!tpu.dma_semaphore, #tpu.memory_space<semaphore_mem>>
    %dma_start3A_31 = tpu.memref_squeeze %dma_start3A_30 : memref<1x!tpu.dma_semaphore, #tpu.memory_space<semaphore_mem>> -> memref<!tpu.dma_semaphore, #tpu.memory_space<semaphore_mem>>
    tpu.enqueue_indirect_dma source(%dma_start3A_29 : memref<102400x128xf32, #tpu.memory_space<hbm>>) target(%dma_start3A_23 : memref<80x128xf32, #tpu.memory_space<vmem>>) offsets(%dma_start3A_26 : memref<80xi32, #tpu.memory_space<vmem>>) semaphore(%dma_start3A_31 : memref<!tpu.dma_semaphore, #tpu.memory_space<semaphore_mem>>)
    %scan3A = arith.constant 0 : i32
    %scan3A_32 = arith.constant 0 : i32
    %scan3A_33 = arith.constant 20 : i32
    %scan3A_34 = arith.addi %scan3A_32, %scan3A_33 : i32
    %scan3A_35 = arith.constant 1 : i32
    scf.for %scan3A_96 = %scan3A_32 to %scan3A_34 step %scan3A_35  : i32 {
      %rem3A = arith.constant 3 : i32
      %rem3A_97 = arith.remsi %scan3A_96, %rem3A : i32
      %add3A_98 = arith.constant 2 : i32
      %add3A_99 = arith.addi %scan3A_96, %add3A_98 : i32
      %lt3A = arith.constant 20 : i32
      %lt3A_100 = arith.cmpi slt, %add3A_99, %lt3A : i32
      %convert_element_type3A = arith.extui %lt3A_100 : i1 to i32
      %cond3A = arith.constant 0 : i32
      %cond3A_101 = arith.cmpi ne, %convert_element_type3A, %cond3A : i32
      scf.if %cond3A_101 {
        %add3A_131 = arith.constant 2 : i32
        %add3A_132 = arith.addi %scan3A_96, %add3A_131 : i32
        %rem3A_133 = arith.constant 3 : i32
        %rem3A_134 = arith.remsi %add3A_132, %rem3A_133 : i32
        %ge3A = arith.constant 1 : i32
        %ge3A_135 = arith.cmpi sge, %scan3A_96, %ge3A : i32
        %convert_element_type3A_136 = arith.extui %ge3A_135 : i1 to i32
        %cond3A_137 = arith.constant 0 : i32
        %cond3A_138 = arith.cmpi ne, %convert_element_type3A_136, %cond3A_137 : i32
        scf.if %cond3A_138 {
          %sub3A = arith.constant 1 : i32
          %sub3A_153 = arith.subi %scan3A_96, %sub3A : i32
          %add3A_154 = arith.addi %mul3A_2, %sub3A_153 : i32
          %mul3A_155 = arith.constant 80 : i32
          %mul3A_156 = arith.muli %add3A_154, %mul3A_155 : i32
          %dma_wait3A_157 = arith.constant 0 : i32
          %dma_wait3A_158 = arith.constant 0 : i32
          %dma_wait3A_159 = tpu.memref_slice %arg6[%rem3A_134, %dma_wait3A_157, %dma_wait3A_158] : memref<3x80x128xf32, #tpu.memory_space<vmem>> -> memref<1x80x128xf32, #tpu.memory_space<vmem>>
          %dma_wait3A_160 = tpu.memref_squeeze %dma_wait3A_159 : memref<1x80x128xf32, #tpu.memory_space<vmem>> -> memref<80x128xf32, #tpu.memory_space<vmem>>
          %dma_wait3A_161 = arith.constant 0 : i32
          %dma_wait3A_162 = tpu.memref_slice %arg4[%mul3A_156, %dma_wait3A_161] : memref<51200x128xf32, #tpu.memory_space<hbm>> -> memref<80x128xf32, #tpu.memory_space<hbm>>
          %dma_wait3A_163 = tpu.memref_slice %arg8[%rem3A_134] : memref<3x!tpu.dma_semaphore, #tpu.memory_space<semaphore_mem>> -> memref<1x!tpu.dma_semaphore, #tpu.memory_space<semaphore_mem>>
          %dma_wait3A_164 = tpu.memref_squeeze %dma_wait3A_163 : memref<1x!tpu.dma_semaphore, #tpu.memory_space<semaphore_mem>> -> memref<!tpu.dma_semaphore, #tpu.memory_space<semaphore_mem>>
          %dma_wait3A_165 = arith.constant 0 : i32
          %dma_wait3A_166 = tpu.memref_slice %arg4[%mul3A_156, %dma_wait3A_165] : memref<51200x128xf32, #tpu.memory_space<hbm>> -> memref<80x128xf32, #tpu.memory_space<hbm>>
          %dma_wait3A_167 = arith.constant 0 : i32
          %dma_wait3A_168 = arith.constant 0 : i32
          %dma_wait3A_169 = tpu.memref_slice %arg6[%rem3A_134, %dma_wait3A_167, %dma_wait3A_168] : memref<3x80x128xf32, #tpu.memory_space<vmem>> -> memref<1x80x128xf32, #tpu.memory_space<vmem>>
          %dma_wait3A_170 = tpu.memref_squeeze %dma_wait3A_169 : memref<1x80x128xf32, #tpu.memory_space<vmem>> -> memref<80x128xf32, #tpu.memory_space<vmem>>
          tpu.wait_dma2 semaphore(%dma_wait3A_164 : memref<!tpu.dma_semaphore, #tpu.memory_space<semaphore_mem>>) src(%dma_wait3A_170 : memref<80x128xf32, #tpu.memory_space<vmem>>) dst(%dma_wait3A_166 : memref<80x128xf32, #tpu.memory_space<hbm>>)
        } else {
        }
        %add3A_139 = arith.constant 2 : i32
        %add3A_140 = arith.addi %scan3A_96, %add3A_139 : i32
        %dma_start3A_141 = arith.constant 0 : i32
        %dma_start3A_142 = arith.constant 0 : i32
        %dma_start3A_143 = tpu.memref_slice %arg6[%rem3A_134, %dma_start3A_141, %dma_start3A_142] : memref<3x80x128xf32, #tpu.memory_space<vmem>> -> memref<1x80x128xf32, #tpu.memory_space<vmem>>
        %dma_start3A_144 = tpu.memref_squeeze %dma_start3A_143 : memref<1x80x128xf32, #tpu.memory_space<vmem>> -> memref<80x128xf32, #tpu.memory_space<vmem>>
        %dma_start3A_145 = arith.constant 0 : i32
        %dma_start3A_146 = tpu.memref_slice %arg5[%add3A_140, %dma_start3A_145] : memref<20x80xi32, #tpu.memory_space<vmem>> -> memref<1x80xi32, #tpu.memory_space<vmem>>
        %dma_start3A_147 = tpu.memref_squeeze %dma_start3A_146 : memref<1x80xi32, #tpu.memory_space<vmem>> -> memref<80xi32, #tpu.memory_space<vmem>>
        %dma_start3A_148 = arith.constant 0 : i32
        %dma_start3A_149 = arith.constant 0 : i32
        %dma_start3A_150 = tpu.memref_slice %arg2[%dma_start3A_148, %dma_start3A_149] : memref<102400x128xf32, #tpu.memory_space<hbm>> -> memref<102400x128xf32, #tpu.memory_space<hbm>>
        %dma_start3A_151 = tpu.memref_slice %arg7[%rem3A_134] : memref<3x!tpu.dma_semaphore, #tpu.memory_space<semaphore_mem>> -> memref<1x!tpu.dma_semaphore, #tpu.memory_space<semaphore_mem>>
        %dma_start3A_152 = tpu.memref_squeeze %dma_start3A_151 : memref<1x!tpu.dma_semaphore, #tpu.memory_space<semaphore_mem>> -> memref<!tpu.dma_semaphore, #tpu.memory_space<semaphore_mem>>
        tpu.enqueue_indirect_dma source(%dma_start3A_150 : memref<102400x128xf32, #tpu.memory_space<hbm>>) target(%dma_start3A_144 : memref<80x128xf32, #tpu.memory_space<vmem>>) offsets(%dma_start3A_147 : memref<80xi32, #tpu.memory_space<vmem>>) semaphore(%dma_start3A_152 : memref<!tpu.dma_semaphore, #tpu.memory_space<semaphore_mem>>)
      } else {
      }
      %dma_wait3A_102 = arith.constant 0 : i32
      %dma_wait3A_103 = arith.constant 0 : i32
      %dma_wait3A_104 = tpu.memref_slice %arg6[%rem3A_97, %dma_wait3A_102, %dma_wait3A_103] : memref<3x80x128xf32, #tpu.memory_space<vmem>> -> memref<1x80x128xf32, #tpu.memory_space<vmem>>
      %dma_wait3A_105 = tpu.memref_squeeze %dma_wait3A_104 : memref<1x80x128xf32, #tpu.memory_space<vmem>> -> memref<80x128xf32, #tpu.memory_space<vmem>>
      %dma_wait3A_106 = arith.constant 0 : i32
      %dma_wait3A_107 = tpu.memref_slice %arg5[%scan3A_96, %dma_wait3A_106] : memref<20x80xi32, #tpu.memory_space<vmem>> -> memref<1x80xi32, #tpu.memory_space<vmem>>
      %dma_wait3A_108 = tpu.memref_squeeze %dma_wait3A_107 : memref<1x80xi32, #tpu.memory_space<vmem>> -> memref<80xi32, #tpu.memory_space<vmem>>
      %dma_wait3A_109 = arith.constant 0 : i32
      %dma_wait3A_110 = arith.constant 0 : i32
      %dma_wait3A_111 = tpu.memref_slice %arg2[%dma_wait3A_109, %dma_wait3A_110] : memref<102400x128xf32, #tpu.memory_space<hbm>> -> memref<102400x128xf32, #tpu.memory_space<hbm>>
      %dma_wait3A_112 = tpu.memref_slice %arg7[%rem3A_97] : memref<3x!tpu.dma_semaphore, #tpu.memory_space<semaphore_mem>> -> memref<1x!tpu.dma_semaphore, #tpu.memory_space<semaphore_mem>>
      %dma_wait3A_113 = tpu.memref_squeeze %dma_wait3A_112 : memref<1x!tpu.dma_semaphore, #tpu.memory_space<semaphore_mem>> -> memref<!tpu.dma_semaphore, #tpu.memory_space<semaphore_mem>>
      tpu.wait_indirect_dma semaphore(%dma_wait3A_113 : memref<!tpu.dma_semaphore, #tpu.memory_space<semaphore_mem>>) src(%dma_wait3A_111 : memref<102400x128xf32, #tpu.memory_space<hbm>>) dst(%dma_wait3A_105 : memref<80x128xf32, #tpu.memory_space<vmem>>)
      %add3A_114 = arith.addi %mul3A_2, %scan3A_96 : i32
      %mul3A_115 = arith.constant 80 : i32
      %mul3A_116 = arith.muli %add3A_114, %mul3A_115 : i32
      %dma_start3A_117 = arith.constant 0 : i32
      %dma_start3A_118 = arith.constant 0 : i32
      %dma_start3A_119 = tpu.memref_slice %arg6[%rem3A_97, %dma_start3A_117, %dma_start3A_118] : memref<3x80x128xf32, #tpu.memory_space<vmem>> -> memref<1x80x128xf32, #tpu.memory_space<vmem>>
      %dma_start3A_120 = tpu.memref_squeeze %dma_start3A_119 : memref<1x80x128xf32, #tpu.memory_space<vmem>> -> memref<80x128xf32, #tpu.memory_space<vmem>>
      %dma_start3A_121 = arith.constant 0 : i32
      %dma_start3A_122 = tpu.memref_slice %arg4[%mul3A_116, %dma_start3A_121] : memref<51200x128xf32, #tpu.memory_space<hbm>> -> memref<80x128xf32, #tpu.memory_space<hbm>>
      %dma_start3A_123 = tpu.memref_slice %arg8[%rem3A_97] : memref<3x!tpu.dma_semaphore, #tpu.memory_space<semaphore_mem>> -> memref<1x!tpu.dma_semaphore, #tpu.memory_space<semaphore_mem>>
      %dma_start3A_124 = tpu.memref_squeeze %dma_start3A_123 : memref<1x!tpu.dma_semaphore, #tpu.memory_space<semaphore_mem>> -> memref<!tpu.dma_semaphore, #tpu.memory_space<semaphore_mem>>
      %dma_start3A_125 = arith.constant 0 : i32
      %dma_start3A_126 = tpu.memref_slice %arg4[%mul3A_116, %dma_start3A_125] : memref<51200x128xf32, #tpu.memory_space<hbm>> -> memref<80x128xf32, #tpu.memory_space<hbm>>
      %dma_start3A_127 = arith.constant 0 : i32
      %dma_start3A_128 = arith.constant 0 : i32
      %dma_start3A_129 = tpu.memref_slice %arg6[%rem3A_97, %dma_start3A_127, %dma_start3A_128] : memref<3x80x128xf32, #tpu.memory_space<vmem>> -> memref<1x80x128xf32, #tpu.memory_space<vmem>>
      %dma_start3A_130 = tpu.memref_squeeze %dma_start3A_129 : memref<1x80x128xf32, #tpu.memory_space<vmem>> -> memref<80x128xf32, #tpu.memory_space<vmem>>
      tpu.enqueue_dma source(%dma_start3A_130 : memref<80x128xf32, #tpu.memory_space<vmem>>) target(%dma_start3A_126 : memref<80x128xf32, #tpu.memory_space<hbm>>) target_semaphore(%dma_start3A_124 : memref<!tpu.dma_semaphore, #tpu.memory_space<semaphore_mem>>)
    }
    %scan3A_36 = arith.constant 20 : i32
    %add3A_37 = arith.constant 17 : i32
    %add3A_38 = arith.addi %mul3A_2, %add3A_37 : i32
    %mul3A_39 = arith.constant 80 : i32
    %mul3A_40 = arith.muli %add3A_38, %mul3A_39 : i32
    %dma_wait3A = arith.constant 2 : i32
    %dma_wait3A_41 = arith.constant 2 : i32
    %dma_wait3A_42 = arith.constant 0 : i32
    %dma_wait3A_43 = arith.constant 0 : i32
    %dma_wait3A_44 = tpu.memref_slice %arg6[%dma_wait3A, %dma_wait3A_42, %dma_wait3A_43] : memref<3x80x128xf32, #tpu.memory_space<vmem>> -> memref<1x80x128xf32, #tpu.memory_space<vmem>>
    %dma_wait3A_45 = tpu.memref_squeeze %dma_wait3A_44 : memref<1x80x128xf32, #tpu.memory_space<vmem>> -> memref<80x128xf32, #tpu.memory_space<vmem>>
    %dma_wait3A_46 = arith.constant 0 : i32
    %dma_wait3A_47 = tpu.memref_slice %arg4[%mul3A_40, %dma_wait3A_46] : memref<51200x128xf32, #tpu.memory_space<hbm>> -> memref<80x128xf32, #tpu.memory_space<hbm>>
    %dma_wait3A_48 = tpu.memref_slice %arg8[%dma_wait3A_41] : memref<3x!tpu.dma_semaphore, #tpu.memory_space<semaphore_mem>> -> memref<1x!tpu.dma_semaphore, #tpu.memory_space<semaphore_mem>>
    %dma_wait3A_49 = tpu.memref_squeeze %dma_wait3A_48 : memref<1x!tpu.dma_semaphore, #tpu.memory_space<semaphore_mem>> -> memref<!tpu.dma_semaphore, #tpu.memory_space<semaphore_mem>>
    %dma_wait3A_50 = arith.constant 0 : i32
    %dma_wait3A_51 = tpu.memref_slice %arg4[%mul3A_40, %dma_wait3A_50] : memref<51200x128xf32, #tpu.memory_space<hbm>> -> memref<80x128xf32, #tpu.memory_space<hbm>>
    %dma_wait3A_52 = arith.constant 0 : i32
    %dma_wait3A_53 = arith.constant 0 : i32
    %dma_wait3A_54 = tpu.memref_slice %arg6[%dma_wait3A, %dma_wait3A_52, %dma_wait3A_53] : memref<3x80x128xf32, #tpu.memory_space<vmem>> -> memref<1x80x128xf32, #tpu.memory_space<vmem>>
    %dma_wait3A_55 = tpu.memref_squeeze %dma_wait3A_54 : memref<1x80x128xf32, #tpu.memory_space<vmem>> -> memref<80x128xf32, #tpu.memory_space<vmem>>
    tpu.wait_dma2 semaphore(%dma_wait3A_49 : memref<!tpu.dma_semaphore, #tpu.memory_space<semaphore_mem>>) src(%dma_wait3A_55 : memref<80x128xf32, #tpu.memory_space<vmem>>) dst(%dma_wait3A_51 : memref<80x128xf32, #tpu.memory_space<hbm>>)
    %add3A_56 = arith.constant 18 : i32
    %add3A_57 = arith.addi %mul3A_2, %add3A_56 : i32
    %mul3A_58 = arith.constant 80 : i32
    %mul3A_59 = arith.muli %add3A_57, %mul3A_58 : i32
    %dma_wait3A_60 = arith.constant 0 : i32
    %dma_wait3A_61 = arith.constant 0 : i32
    %dma_wait3A_62 = arith.constant 0 : i32
    %dma_wait3A_63 = arith.constant 0 : i32
    %dma_wait3A_64 = tpu.memref_slice %arg6[%dma_wait3A_60, %dma_wait3A_62, %dma_wait3A_63] : memref<3x80x128xf32, #tpu.memory_space<vmem>> -> memref<1x80x128xf32, #tpu.memory_space<vmem>>
    %dma_wait3A_65 = tpu.memref_squeeze %dma_wait3A_64 : memref<1x80x128xf32, #tpu.memory_space<vmem>> -> memref<80x128xf32, #tpu.memory_space<vmem>>
    %dma_wait3A_66 = arith.constant 0 : i32
    %dma_wait3A_67 = tpu.memref_slice %arg4[%mul3A_59, %dma_wait3A_66] : memref<51200x128xf32, #tpu.memory_space<hbm>> -> memref<80x128xf32, #tpu.memory_space<hbm>>
    %dma_wait3A_68 = tpu.memref_slice %arg8[%dma_wait3A_61] : memref<3x!tpu.dma_semaphore, #tpu.memory_space<semaphore_mem>> -> memref<1x!tpu.dma_semaphore, #tpu.memory_space<semaphore_mem>>
    %dma_wait3A_69 = tpu.memref_squeeze %dma_wait3A_68 : memref<1x!tpu.dma_semaphore, #tpu.memory_space<semaphore_mem>> -> memref<!tpu.dma_semaphore, #tpu.memory_space<semaphore_mem>>
    %dma_wait3A_70 = arith.constant 0 : i32
    %dma_wait3A_71 = tpu.memref_slice %arg4[%mul3A_59, %dma_wait3A_70] : memref<51200x128xf32, #tpu.memory_space<hbm>> -> memref<80x128xf32, #tpu.memory_space<hbm>>
    %dma_wait3A_72 = arith.constant 0 : i32
    %dma_wait3A_73 = arith.constant 0 : i32
    %dma_wait3A_74 = tpu.memref_slice %arg6[%dma_wait3A_60, %dma_wait3A_72, %dma_wait3A_73] : memref<3x80x128xf32, #tpu.memory_space<vmem>> -> memref<1x80x128xf32, #tpu.memory_space<vmem>>
    %dma_wait3A_75 = tpu.memref_squeeze %dma_wait3A_74 : memref<1x80x128xf32, #tpu.memory_space<vmem>> -> memref<80x128xf32, #tpu.memory_space<vmem>>
    tpu.wait_dma2 semaphore(%dma_wait3A_69 : memref<!tpu.dma_semaphore, #tpu.memory_space<semaphore_mem>>) src(%dma_wait3A_75 : memref<80x128xf32, #tpu.memory_space<vmem>>) dst(%dma_wait3A_71 : memref<80x128xf32, #tpu.memory_space<hbm>>)
    %add3A_76 = arith.constant 19 : i32
    %add3A_77 = arith.addi %mul3A_2, %add3A_76 : i32
    %mul3A_78 = arith.constant 80 : i32
    %mul3A_79 = arith.muli %add3A_77, %mul3A_78 : i32
    %dma_wait3A_80 = arith.constant 1 : i32
    %dma_wait3A_81 = arith.constant 1 : i32
    %dma_wait3A_82 = arith.constant 0 : i32
    %dma_wait3A_83 = arith.constant 0 : i32
    %dma_wait3A_84 = tpu.memref_slice %arg6[%dma_wait3A_80, %dma_wait3A_82, %dma_wait3A_83] : memref<3x80x128xf32, #tpu.memory_space<vmem>> -> memref<1x80x128xf32, #tpu.memory_space<vmem>>
    %dma_wait3A_85 = tpu.memref_squeeze %dma_wait3A_84 : memref<1x80x128xf32, #tpu.memory_space<vmem>> -> memref<80x128xf32, #tpu.memory_space<vmem>>
    %dma_wait3A_86 = arith.constant 0 : i32
    %dma_wait3A_87 = tpu.memref_slice %arg4[%mul3A_79, %dma_wait3A_86] : memref<51200x128xf32, #tpu.memory_space<hbm>> -> memref<80x128xf32, #tpu.memory_space<hbm>>
    %dma_wait3A_88 = tpu.memref_slice %arg8[%dma_wait3A_81] : memref<3x!tpu.dma_semaphore, #tpu.memory_space<semaphore_mem>> -> memref<1x!tpu.dma_semaphore, #tpu.memory_space<semaphore_mem>>
    %dma_wait3A_89 = tpu.memref_squeeze %dma_wait3A_88 : memref<1x!tpu.dma_semaphore, #tpu.memory_space<semaphore_mem>> -> memref<!tpu.dma_semaphore, #tpu.memory_space<semaphore_mem>>
    %dma_wait3A_90 = arith.constant 0 : i32
    %dma_wait3A_91 = tpu.memref_slice %arg4[%mul3A_79, %dma_wait3A_90] : memref<51200x128xf32, #tpu.memory_space<hbm>> -> memref<80x128xf32, #tpu.memory_space<hbm>>
    %dma_wait3A_92 = arith.constant 0 : i32
    %dma_wait3A_93 = arith.constant 0 : i32
    %dma_wait3A_94 = tpu.memref_slice %arg6[%dma_wait3A_80, %dma_wait3A_92, %dma_wait3A_93] : memref<3x80x128xf32, #tpu.memory_space<vmem>> -> memref<1x80x128xf32, #tpu.memory_space<vmem>>
    %dma_wait3A_95 = tpu.memref_squeeze %dma_wait3A_94 : memref<1x80x128xf32, #tpu.memory_space<vmem>> -> memref<80x128xf32, #tpu.memory_space<vmem>>
    tpu.wait_dma2 semaphore(%dma_wait3A_89 : memref<!tpu.dma_semaphore, #tpu.memory_space<semaphore_mem>>) src(%dma_wait3A_95 : memref<80x128xf32, #tpu.memory_space<vmem>>) dst(%dma_wait3A_91 : memref<80x128xf32, #tpu.memory_space<hbm>>)
    return
  }
}

#map = affine_map<(d0, d1) -> (0, 0)>
module attributes {stable_mosaic.version = 14 : i64} {
  func.func @sc_gather(%arg0: i32, %arg1: i32, %arg2: memref<102400x128xf32, #tpu.memory_space<hbm>>, %arg3: memref<640x80xi32, #tpu.memory_space<hbm>>, %arg4: memref<51200x128xf32, #tpu.memory_space<hbm>>, %arg5: memref<20x80xi32, #tpu.memory_space<vmem>>, %arg6: memref<3x80x128xf32, #tpu.memory_space<vmem>>, %arg7: memref<3x!tpu.dma_semaphore, #tpu.memory_space<semaphore_mem>>, %arg8: memref<3x!tpu.dma_semaphore, #tpu.memory_space<semaphore_mem>>) attributes {dimension_semantics = [#tpu.dimension_semantics<core_parallel>, #tpu.dimension_semantics<subcore_parallel>], iteration_bounds = array<i64: 2, 16>, scalar_prefetch = 0 : i64, scratch_operands = 4 : i64, tpu.core_type = #tpu.core_type<sc_vector_subcore>, window_params = [{transform_indices = #map}, {transform_indices = #map}, {transform_indices = #map}]} {
    %mul3A = arith.constant 2 : i32
    %mul3A_0 = arith.muli %arg1, %mul3A : i32
    %add3A = arith.addi %mul3A_0, %arg0 : i32
    %mul3A_1 = arith.constant 20 : i32
    %mul3A_2 = arith.muli %add3A, %mul3A_1 : i32
    "tpu.region"() ({
      %run_scoped3A = tpu.sem_alloc : memref<!tpu.dma_semaphore, #tpu.memory_space<semaphore_mem>>
      %dma_start3A_96 = arith.constant 0 : i32
      %dma_start3A_97 = tpu.memref_slice %arg3[%mul3A_2, %dma_start3A_96] : memref<640x80xi32, #tpu.memory_space<hbm>> -> memref<20x80xi32, #tpu.memory_space<hbm>>
      %dma_start3A_98 = arith.constant 0 : i32
      %dma_start3A_99 = tpu.memref_slice %arg3[%mul3A_2, %dma_start3A_98] : memref<640x80xi32, #tpu.memory_space<hbm>> -> memref<20x80xi32, #tpu.memory_space<hbm>>
      tpu.enqueue_dma source(%dma_start3A_99 : memref<20x80xi32, #tpu.memory_space<hbm>>) target(%arg5 : memref<20x80xi32, #tpu.memory_space<vmem>>) target_semaphore(%run_scoped3A : memref<!tpu.dma_semaphore, #tpu.memory_space<semaphore_mem>>)
      %dma_wait3A_100 = arith.constant 0 : i32
      %dma_wait3A_101 = tpu.memref_slice %arg3[%mul3A_2, %dma_wait3A_100] : memref<640x80xi32, #tpu.memory_space<hbm>> -> memref<20x80xi32, #tpu.memory_space<hbm>>
      %dma_wait3A_102 = arith.constant 0 : i32
      %dma_wait3A_103 = tpu.memref_slice %arg3[%mul3A_2, %dma_wait3A_102] : memref<640x80xi32, #tpu.memory_space<hbm>> -> memref<20x80xi32, #tpu.memory_space<hbm>>
      tpu.wait_dma2 semaphore(%run_scoped3A : memref<!tpu.dma_semaphore, #tpu.memory_space<semaphore_mem>>) src(%dma_wait3A_103 : memref<20x80xi32, #tpu.memory_space<hbm>>) dst(%arg5 : memref<20x80xi32, #tpu.memory_space<vmem>>)
      tpu.yield
    }) : () -> ()
    %dma_start3A = arith.constant 0 : i32
    %dma_start3A_3 = arith.constant 0 : i32
    %dma_start3A_4 = arith.constant 0 : i32
    %dma_start3A_5 = arith.constant 0 : i32
    %dma_start3A_6 = arith.constant 0 : i32
    %dma_start3A_7 = tpu.memref_slice %arg6[%dma_start3A_3, %dma_start3A_5, %dma_start3A_6] : memref<3x80x128xf32, #tpu.memory_space<vmem>> -> memref<1x80x128xf32, #tpu.memory_space<vmem>>
    %dma_start3A_8 = tpu.memref_squeeze %dma_start3A_7 : memref<1x80x128xf32, #tpu.memory_space<vmem>> -> memref<80x128xf32, #tpu.memory_space<vmem>>
    %dma_start3A_9 = arith.constant 0 : i32
    %dma_start3A_10 = tpu.memref_slice %arg5[%dma_start3A, %dma_start3A_9] : memref<20x80xi32, #tpu.memory_space<vmem>> -> memref<1x80xi32, #tpu.memory_space<vmem>>
    %dma_start3A_11 = tpu.memref_squeeze %dma_start3A_10 : memref<1x80xi32, #tpu.memory_space<vmem>> -> memref<80xi32, #tpu.memory_space<vmem>>
    %dma_start3A_12 = arith.constant 0 : i32
    %dma_start3A_13 = arith.constant 0 : i32
    %dma_start3A_14 = tpu.memref_slice %arg2[%dma_start3A_12, %dma_start3A_13] : memref<102400x128xf32, #tpu.memory_space<hbm>> -> memref<102400x128xf32, #tpu.memory_space<hbm>>
    %dma_start3A_15 = tpu.memref_slice %arg7[%dma_start3A_4] : memref<3x!tpu.dma_semaphore, #tpu.memory_space<semaphore_mem>> -> memref<1x!tpu.dma_semaphore, #tpu.memory_space<semaphore_mem>>
    %dma_start3A_16 = tpu.memref_squeeze %dma_start3A_15 : memref<1x!tpu.dma_semaphore, #tpu.memory_space<semaphore_mem>> -> memref<!tpu.dma_semaphore, #tpu.memory_space<semaphore_mem>>
    tpu.enqueue_indirect_dma source(%dma_start3A_14 : memref<102400x128xf32, #tpu.memory_space<hbm>>) target(%dma_start3A_8 : memref<80x128xf32, #tpu.memory_space<vmem>>) offsets(%dma_start3A_11 : memref<80xi32, #tpu.memory_space<vmem>>) semaphore(%dma_start3A_16 : memref<!tpu.dma_semaphore, #tpu.memory_space<semaphore_mem>>)
    %dma_start3A_17 = arith.constant 1 : i32
    %dma_start3A_18 = arith.constant 1 : i32
    %dma_start3A_19 = arith.constant 1 : i32
    %dma_start3A_20 = arith.constant 0 : i32
    %dma_start3A_21 = arith.constant 0 : i32
    %dma_start3A_22 = tpu.memref_slice %arg6[%dma_start3A_18, %dma_start3A_20, %dma_start3A_21] : memref<3x80x128xf32, #tpu.memory_space<vmem>> -> memref<1x80x128xf32, #tpu.memory_space<vmem>>
    %dma_start3A_23 = tpu.memref_squeeze %dma_start3A_22 : memref<1x80x128xf32, #tpu.memory_space<vmem>> -> memref<80x128xf32, #tpu.memory_space<vmem>>
    %dma_start3A_24 = arith.constant 0 : i32
    %dma_start3A_25 = tpu.memref_slice %arg5[%dma_start3A_17, %dma_start3A_24] : memref<20x80xi32, #tpu.memory_space<vmem>> -> memref<1x80xi32, #tpu.memory_space<vmem>>
    %dma_start3A_26 = tpu.memref_squeeze %dma_start3A_25 : memref<1x80xi32, #tpu.memory_space<vmem>> -> memref<80xi32, #tpu.memory_space<vmem>>
    %dma_start3A_27 = arith.constant 0 : i32
    %dma_start3A_28 = arith.constant 0 : i32
    %dma_start3A_29 = tpu.memref_slice %arg2[%dma_start3A_27, %dma_start3A_28] : memref<102400x128xf32, #tpu.memory_space<hbm>> -> memref<102400x128xf32, #tpu.memory_space<hbm>>
    %dma_start3A_30 = tpu.memref_slice %arg7[%dma_start3A_19] : memref<3x!tpu.dma_semaphore, #tpu.memory_space<semaphore_mem>> -> memref<1x!tpu.dma_semaphore, #tpu.memory_space<semaphore_mem>>
    %dma_start3A_31 = tpu.memref_squeeze %dma_start3A_30 : memref<1x!tpu.dma_semaphore, #tpu.memory_space<semaphore_mem>> -> memref<!tpu.dma_semaphore, #tpu.memory_space<semaphore_mem>>
    tpu.enqueue_indirect_dma source(%dma_start3A_29 : memref<102400x128xf32, #tpu.memory_space<hbm>>) target(%dma_start3A_23 : memref<80x128xf32, #tpu.memory_space<vmem>>) offsets(%dma_start3A_26 : memref<80xi32, #tpu.memory_space<vmem>>) semaphore(%dma_start3A_31 : memref<!tpu.dma_semaphore, #tpu.memory_space<semaphore_mem>>)
    %scan3A = arith.constant 0 : i32
    %scan3A_32 = arith.constant 0 : i32
    %scan3A_33 = arith.constant 20 : i32
    %scan3A_34 = arith.addi %scan3A_32, %scan3A_33 : i32
    %scan3A_35 = arith.constant 1 : i32
    scf.for %scan3A_96 = %scan3A_32 to %scan3A_34 step %scan3A_35  : i32 {
      %rem3A = arith.constant 3 : i32
      %rem3A_97 = arith.remsi %scan3A_96, %rem3A : i32
      %add3A_98 = arith.constant 2 : i32
      %add3A_99 = arith.addi %scan3A_96, %add3A_98 : i32
      %lt3A = arith.constant 20 : i32
      %lt3A_100 = arith.cmpi slt, %add3A_99, %lt3A : i32
      %convert_element_type3A = arith.extui %lt3A_100 : i1 to i32
      %cond3A = arith.constant 0 : i32
      %cond3A_101 = arith.cmpi ne, %convert_element_type3A, %cond3A : i32
      scf.if %cond3A_101 {
        %add3A_131 = arith.constant 2 : i32
        %add3A_132 = arith.addi %scan3A_96, %add3A_131 : i32
        %rem3A_133 = arith.constant 3 : i32
        %rem3A_134 = arith.remsi %add3A_132, %rem3A_133 : i32
        %ge3A = arith.constant 1 : i32
        %ge3A_135 = arith.cmpi sge, %scan3A_96, %ge3A : i32
        %convert_element_type3A_136 = arith.extui %ge3A_135 : i1 to i32
        %cond3A_137 = arith.constant 0 : i32
        %cond3A_138 = arith.cmpi ne, %convert_element_type3A_136, %cond3A_137 : i32
        scf.if %cond3A_138 {
          %sub3A = arith.constant 1 : i32
          %sub3A_153 = arith.subi %scan3A_96, %sub3A : i32
          %add3A_154 = arith.addi %mul3A_2, %sub3A_153 : i32
          %mul3A_155 = arith.constant 80 : i32
          %mul3A_156 = arith.muli %add3A_154, %mul3A_155 : i32
          %dma_wait3A_157 = arith.constant 0 : i32
          %dma_wait3A_158 = arith.constant 0 : i32
          %dma_wait3A_159 = tpu.memref_slice %arg6[%rem3A_134, %dma_wait3A_157, %dma_wait3A_158] : memref<3x80x128xf32, #tpu.memory_space<vmem>> -> memref<1x80x128xf32, #tpu.memory_space<vmem>>
          %dma_wait3A_160 = tpu.memref_squeeze %dma_wait3A_159 : memref<1x80x128xf32, #tpu.memory_space<vmem>> -> memref<80x128xf32, #tpu.memory_space<vmem>>
          %dma_wait3A_161 = arith.constant 0 : i32
          %dma_wait3A_162 = tpu.memref_slice %arg4[%mul3A_156, %dma_wait3A_161] : memref<51200x128xf32, #tpu.memory_space<hbm>> -> memref<80x128xf32, #tpu.memory_space<hbm>>
          %dma_wait3A_163 = tpu.memref_slice %arg8[%rem3A_134] : memref<3x!tpu.dma_semaphore, #tpu.memory_space<semaphore_mem>> -> memref<1x!tpu.dma_semaphore, #tpu.memory_space<semaphore_mem>>
          %dma_wait3A_164 = tpu.memref_squeeze %dma_wait3A_163 : memref<1x!tpu.dma_semaphore, #tpu.memory_space<semaphore_mem>> -> memref<!tpu.dma_semaphore, #tpu.memory_space<semaphore_mem>>
          %dma_wait3A_165 = arith.constant 0 : i32
          %dma_wait3A_166 = tpu.memref_slice %arg4[%mul3A_156, %dma_wait3A_165] : memref<51200x128xf32, #tpu.memory_space<hbm>> -> memref<80x128xf32, #tpu.memory_space<hbm>>
          %dma_wait3A_167 = arith.constant 0 : i32
          %dma_wait3A_168 = arith.constant 0 : i32
          %dma_wait3A_169 = tpu.memref_slice %arg6[%rem3A_134, %dma_wait3A_167, %dma_wait3A_168] : memref<3x80x128xf32, #tpu.memory_space<vmem>> -> memref<1x80x128xf32, #tpu.memory_space<vmem>>
          %dma_wait3A_170 = tpu.memref_squeeze %dma_wait3A_169 : memref<1x80x128xf32, #tpu.memory_space<vmem>> -> memref<80x128xf32, #tpu.memory_space<vmem>>
          tpu.wait_dma2 semaphore(%dma_wait3A_164 : memref<!tpu.dma_semaphore, #tpu.memory_space<semaphore_mem>>) src(%dma_wait3A_170 : memref<80x128xf32, #tpu.memory_space<vmem>>) dst(%dma_wait3A_166 : memref<80x128xf32, #tpu.memory_space<hbm>>)
        } else {
        }
        %add3A_139 = arith.constant 2 : i32
        %add3A_140 = arith.addi %scan3A_96, %add3A_139 : i32
        %dma_start3A_141 = arith.constant 0 : i32
        %dma_start3A_142 = arith.constant 0 : i32
        %dma_start3A_143 = tpu.memref_slice %arg6[%rem3A_134, %dma_start3A_141, %dma_start3A_142] : memref<3x80x128xf32, #tpu.memory_space<vmem>> -> memref<1x80x128xf32, #tpu.memory_space<vmem>>
        %dma_start3A_144 = tpu.memref_squeeze %dma_start3A_143 : memref<1x80x128xf32, #tpu.memory_space<vmem>> -> memref<80x128xf32, #tpu.memory_space<vmem>>
        %dma_start3A_145 = arith.constant 0 : i32
        %dma_start3A_146 = tpu.memref_slice %arg5[%add3A_140, %dma_start3A_145] : memref<20x80xi32, #tpu.memory_space<vmem>> -> memref<1x80xi32, #tpu.memory_space<vmem>>
        %dma_start3A_147 = tpu.memref_squeeze %dma_start3A_146 : memref<1x80xi32, #tpu.memory_space<vmem>> -> memref<80xi32, #tpu.memory_space<vmem>>
        %dma_start3A_148 = arith.constant 0 : i32
        %dma_start3A_149 = arith.constant 0 : i32
        %dma_start3A_150 = tpu.memref_slice %arg2[%dma_start3A_148, %dma_start3A_149] : memref<102400x128xf32, #tpu.memory_space<hbm>> -> memref<102400x128xf32, #tpu.memory_space<hbm>>
        %dma_start3A_151 = tpu.memref_slice %arg7[%rem3A_134] : memref<3x!tpu.dma_semaphore, #tpu.memory_space<semaphore_mem>> -> memref<1x!tpu.dma_semaphore, #tpu.memory_space<semaphore_mem>>
        %dma_start3A_152 = tpu.memref_squeeze %dma_start3A_151 : memref<1x!tpu.dma_semaphore, #tpu.memory_space<semaphore_mem>> -> memref<!tpu.dma_semaphore, #tpu.memory_space<semaphore_mem>>
        tpu.enqueue_indirect_dma source(%dma_start3A_150 : memref<102400x128xf32, #tpu.memory_space<hbm>>) target(%dma_start3A_144 : memref<80x128xf32, #tpu.memory_space<vmem>>) offsets(%dma_start3A_147 : memref<80xi32, #tpu.memory_space<vmem>>) semaphore(%dma_start3A_152 : memref<!tpu.dma_semaphore, #tpu.memory_space<semaphore_mem>>)
      } else {
      }
      %dma_wait3A_102 = arith.constant 0 : i32
      %dma_wait3A_103 = arith.constant 0 : i32
      %dma_wait3A_104 = tpu.memref_slice %arg6[%rem3A_97, %dma_wait3A_102, %dma_wait3A_103] : memref<3x80x128xf32, #tpu.memory_space<vmem>> -> memref<1x80x128xf32, #tpu.memory_space<vmem>>
      %dma_wait3A_105 = tpu.memref_squeeze %dma_wait3A_104 : memref<1x80x128xf32, #tpu.memory_space<vmem>> -> memref<80x128xf32, #tpu.memory_space<vmem>>
      %dma_wait3A_106 = arith.constant 0 : i32
      %dma_wait3A_107 = tpu.memref_slice %arg5[%scan3A_96, %dma_wait3A_106] : memref<20x80xi32, #tpu.memory_space<vmem>> -> memref<1x80xi32, #tpu.memory_space<vmem>>
      %dma_wait3A_108 = tpu.memref_squeeze %dma_wait3A_107 : memref<1x80xi32, #tpu.memory_space<vmem>> -> memref<80xi32, #tpu.memory_space<vmem>>
      %dma_wait3A_109 = arith.constant 0 : i32
      %dma_wait3A_110 = arith.constant 0 : i32
      %dma_wait3A_111 = tpu.memref_slice %arg2[%dma_wait3A_109, %dma_wait3A_110] : memref<102400x128xf32, #tpu.memory_space<hbm>> -> memref<102400x128xf32, #tpu.memory_space<hbm>>
      %dma_wait3A_112 = tpu.memref_slice %arg7[%rem3A_97] : memref<3x!tpu.dma_semaphore, #tpu.memory_space<semaphore_mem>> -> memref<1x!tpu.dma_semaphore, #tpu.memory_space<semaphore_mem>>
      %dma_wait3A_113 = tpu.memref_squeeze %dma_wait3A_112 : memref<1x!tpu.dma_semaphore, #tpu.memory_space<semaphore_mem>> -> memref<!tpu.dma_semaphore, #tpu.memory_space<semaphore_mem>>
      tpu.wait_indirect_dma semaphore(%dma_wait3A_113 : memref<!tpu.dma_semaphore, #tpu.memory_space<semaphore_mem>>) src(%dma_wait3A_111 : memref<102400x128xf32, #tpu.memory_space<hbm>>) dst(%dma_wait3A_105 : memref<80x128xf32, #tpu.memory_space<vmem>>)
      %add3A_114 = arith.addi %mul3A_2, %scan3A_96 : i32
      %mul3A_115 = arith.constant 80 : i32
      %mul3A_116 = arith.muli %add3A_114, %mul3A_115 : i32
      %dma_start3A_117 = arith.constant 0 : i32
      %dma_start3A_118 = arith.constant 0 : i32
      %dma_start3A_119 = tpu.memref_slice %arg6[%rem3A_97, %dma_start3A_117, %dma_start3A_118] : memref<3x80x128xf32, #tpu.memory_space<vmem>> -> memref<1x80x128xf32, #tpu.memory_space<vmem>>
      %dma_start3A_120 = tpu.memref_squeeze %dma_start3A_119 : memref<1x80x128xf32, #tpu.memory_space<vmem>> -> memref<80x128xf32, #tpu.memory_space<vmem>>
      %dma_start3A_121 = arith.constant 0 : i32
      %dma_start3A_122 = tpu.memref_slice %arg4[%mul3A_116, %dma_start3A_121] : memref<51200x128xf32, #tpu.memory_space<hbm>> -> memref<80x128xf32, #tpu.memory_space<hbm>>
      %dma_start3A_123 = tpu.memref_slice %arg8[%rem3A_97] : memref<3x!tpu.dma_semaphore, #tpu.memory_space<semaphore_mem>> -> memref<1x!tpu.dma_semaphore, #tpu.memory_space<semaphore_mem>>
      %dma_start3A_124 = tpu.memref_squeeze %dma_start3A_123 : memref<1x!tpu.dma_semaphore, #tpu.memory_space<semaphore_mem>> -> memref<!tpu.dma_semaphore, #tpu.memory_space<semaphore_mem>>
      %dma_start3A_125 = arith.constant 0 : i32
      %dma_start3A_126 = tpu.memref_slice %arg4[%mul3A_116, %dma_start3A_125] : memref<51200x128xf32, #tpu.memory_space<hbm>> -> memref<80x128xf32, #tpu.memory_space<hbm>>
      %dma_start3A_127 = arith.constant 0 : i32
      %dma_start3A_128 = arith.constant 0 : i32
      %dma_start3A_129 = tpu.memref_slice %arg6[%rem3A_97, %dma_start3A_127, %dma_start3A_128] : memref<3x80x128xf32, #tpu.memory_space<vmem>> -> memref<1x80x128xf32, #tpu.memory_space<vmem>>
      %dma_start3A_130 = tpu.memref_squeeze %dma_start3A_129 : memref<1x80x128xf32, #tpu.memory_space<vmem>> -> memref<80x128xf32, #tpu.memory_space<vmem>>
      tpu.enqueue_dma source(%dma_start3A_130 : memref<80x128xf32, #tpu.memory_space<vmem>>) target(%dma_start3A_126 : memref<80x128xf32, #tpu.memory_space<hbm>>) target_semaphore(%dma_start3A_124 : memref<!tpu.dma_semaphore, #tpu.memory_space<semaphore_mem>>)
    }
    %scan3A_36 = arith.constant 20 : i32
    %add3A_37 = arith.constant 17 : i32
    %add3A_38 = arith.addi %mul3A_2, %add3A_37 : i32
    %mul3A_39 = arith.constant 80 : i32
    %mul3A_40 = arith.muli %add3A_38, %mul3A_39 : i32
    %dma_wait3A = arith.constant 2 : i32
    %dma_wait3A_41 = arith.constant 2 : i32
    %dma_wait3A_42 = arith.constant 0 : i32
    %dma_wait3A_43 = arith.constant 0 : i32
    %dma_wait3A_44 = tpu.memref_slice %arg6[%dma_wait3A, %dma_wait3A_42, %dma_wait3A_43] : memref<3x80x128xf32, #tpu.memory_space<vmem>> -> memref<1x80x128xf32, #tpu.memory_space<vmem>>
    %dma_wait3A_45 = tpu.memref_squeeze %dma_wait3A_44 : memref<1x80x128xf32, #tpu.memory_space<vmem>> -> memref<80x128xf32, #tpu.memory_space<vmem>>
    %dma_wait3A_46 = arith.constant 0 : i32
    %dma_wait3A_47 = tpu.memref_slice %arg4[%mul3A_40, %dma_wait3A_46] : memref<51200x128xf32, #tpu.memory_space<hbm>> -> memref<80x128xf32, #tpu.memory_space<hbm>>
    %dma_wait3A_48 = tpu.memref_slice %arg8[%dma_wait3A_41] : memref<3x!tpu.dma_semaphore, #tpu.memory_space<semaphore_mem>> -> memref<1x!tpu.dma_semaphore, #tpu.memory_space<semaphore_mem>>
    %dma_wait3A_49 = tpu.memref_squeeze %dma_wait3A_48 : memref<1x!tpu.dma_semaphore, #tpu.memory_space<semaphore_mem>> -> memref<!tpu.dma_semaphore, #tpu.memory_space<semaphore_mem>>
    %dma_wait3A_50 = arith.constant 0 : i32
    %dma_wait3A_51 = tpu.memref_slice %arg4[%mul3A_40, %dma_wait3A_50] : memref<51200x128xf32, #tpu.memory_space<hbm>> -> memref<80x128xf32, #tpu.memory_space<hbm>>
    %dma_wait3A_52 = arith.constant 0 : i32
    %dma_wait3A_53 = arith.constant 0 : i32
    %dma_wait3A_54 = tpu.memref_slice %arg6[%dma_wait3A, %dma_wait3A_52, %dma_wait3A_53] : memref<3x80x128xf32, #tpu.memory_space<vmem>> -> memref<1x80x128xf32, #tpu.memory_space<vmem>>
    %dma_wait3A_55 = tpu.memref_squeeze %dma_wait3A_54 : memref<1x80x128xf32, #tpu.memory_space<vmem>> -> memref<80x128xf32, #tpu.memory_space<vmem>>
    tpu.wait_dma2 semaphore(%dma_wait3A_49 : memref<!tpu.dma_semaphore, #tpu.memory_space<semaphore_mem>>) src(%dma_wait3A_55 : memref<80x128xf32, #tpu.memory_space<vmem>>) dst(%dma_wait3A_51 : memref<80x128xf32, #tpu.memory_space<hbm>>)
    %add3A_56 = arith.constant 18 : i32
    %add3A_57 = arith.addi %mul3A_2, %add3A_56 : i32
    %mul3A_58 = arith.constant 80 : i32
    %mul3A_59 = arith.muli %add3A_57, %mul3A_58 : i32
    %dma_wait3A_60 = arith.constant 0 : i32
    %dma_wait3A_61 = arith.constant 0 : i32
    %dma_wait3A_62 = arith.constant 0 : i32
    %dma_wait3A_63 = arith.constant 0 : i32
    %dma_wait3A_64 = tpu.memref_slice %arg6[%dma_wait3A_60, %dma_wait3A_62, %dma_wait3A_63] : memref<3x80x128xf32, #tpu.memory_space<vmem>> -> memref<1x80x128xf32, #tpu.memory_space<vmem>>
    %dma_wait3A_65 = tpu.memref_squeeze %dma_wait3A_64 : memref<1x80x128xf32, #tpu.memory_space<vmem>> -> memref<80x128xf32, #tpu.memory_space<vmem>>
    %dma_wait3A_66 = arith.constant 0 : i32
    %dma_wait3A_67 = tpu.memref_slice %arg4[%mul3A_59, %dma_wait3A_66] : memref<51200x128xf32, #tpu.memory_space<hbm>> -> memref<80x128xf32, #tpu.memory_space<hbm>>
    %dma_wait3A_68 = tpu.memref_slice %arg8[%dma_wait3A_61] : memref<3x!tpu.dma_semaphore, #tpu.memory_space<semaphore_mem>> -> memref<1x!tpu.dma_semaphore, #tpu.memory_space<semaphore_mem>>
    %dma_wait3A_69 = tpu.memref_squeeze %dma_wait3A_68 : memref<1x!tpu.dma_semaphore, #tpu.memory_space<semaphore_mem>> -> memref<!tpu.dma_semaphore, #tpu.memory_space<semaphore_mem>>
    %dma_wait3A_70 = arith.constant 0 : i32
    %dma_wait3A_71 = tpu.memref_slice %arg4[%mul3A_59, %dma_wait3A_70] : memref<51200x128xf32, #tpu.memory_space<hbm>> -> memref<80x128xf32, #tpu.memory_space<hbm>>
    %dma_wait3A_72 = arith.constant 0 : i32
    %dma_wait3A_73 = arith.constant 0 : i32
    %dma_wait3A_74 = tpu.memref_slice %arg6[%dma_wait3A_60, %dma_wait3A_72, %dma_wait3A_73] : memref<3x80x128xf32, #tpu.memory_space<vmem>> -> memref<1x80x128xf32, #tpu.memory_space<vmem>>
    %dma_wait3A_75 = tpu.memref_squeeze %dma_wait3A_74 : memref<1x80x128xf32, #tpu.memory_space<vmem>> -> memref<80x128xf32, #tpu.memory_space<vmem>>
    tpu.wait_dma2 semaphore(%dma_wait3A_69 : memref<!tpu.dma_semaphore, #tpu.memory_space<semaphore_mem>>) src(%dma_wait3A_75 : memref<80x128xf32, #tpu.memory_space<vmem>>) dst(%dma_wait3A_71 : memref<80x128xf32, #tpu.memory_space<hbm>>)
    %add3A_76 = arith.constant 19 : i32
    %add3A_77 = arith.addi %mul3A_2, %add3A_76 : i32
    %mul3A_78 = arith.constant 80 : i32
    %mul3A_79 = arith.muli %add3A_77, %mul3A_78 : i32
    %dma_wait3A_80 = arith.constant 1 : i32
    %dma_wait3A_81 = arith.constant 1 : i32
    %dma_wait3A_82 = arith.constant 0 : i32
    %dma_wait3A_83 = arith.constant 0 : i32
    %dma_wait3A_84 = tpu.memref_slice %arg6[%dma_wait3A_80, %dma_wait3A_82, %dma_wait3A_83] : memref<3x80x128xf32, #tpu.memory_space<vmem>> -> memref<1x80x128xf32, #tpu.memory_space<vmem>>
    %dma_wait3A_85 = tpu.memref_squeeze %dma_wait3A_84 : memref<1x80x128xf32, #tpu.memory_space<vmem>> -> memref<80x128xf32, #tpu.memory_space<vmem>>
    %dma_wait3A_86 = arith.constant 0 : i32
    %dma_wait3A_87 = tpu.memref_slice %arg4[%mul3A_79, %dma_wait3A_86] : memref<51200x128xf32, #tpu.memory_space<hbm>> -> memref<80x128xf32, #tpu.memory_space<hbm>>
    %dma_wait3A_88 = tpu.memref_slice %arg8[%dma_wait3A_81] : memref<3x!tpu.dma_semaphore, #tpu.memory_space<semaphore_mem>> -> memref<1x!tpu.dma_semaphore, #tpu.memory_space<semaphore_mem>>
    %dma_wait3A_89 = tpu.memref_squeeze %dma_wait3A_88 : memref<1x!tpu.dma_semaphore, #tpu.memory_space<semaphore_mem>> -> memref<!tpu.dma_semaphore, #tpu.memory_space<semaphore_mem>>
    %dma_wait3A_90 = arith.constant 0 : i32
    %dma_wait3A_91 = tpu.memref_slice %arg4[%mul3A_79, %dma_wait3A_90] : memref<51200x128xf32, #tpu.memory_space<hbm>> -> memref<80x128xf32, #tpu.memory_space<hbm>>
    %dma_wait3A_92 = arith.constant 0 : i32
    %dma_wait3A_93 = arith.constant 0 : i32
    %dma_wait3A_94 = tpu.memref_slice %arg6[%dma_wait3A_80, %dma_wait3A_92, %dma_wait3A_93] : memref<3x80x128xf32, #tpu.memory_space<vmem>> -> memref<1x80x128xf32, #tpu.memory_space<vmem>>
    %dma_wait3A_95 = tpu.memref_squeeze %dma_wait3A_94 : memref<1x80x128xf32, #tpu.memory_space<vmem>> -> memref<80x128xf32, #tpu.memory_space<vmem>>
    tpu.wait_dma2 semaphore(%dma_wait3A_89 : memref<!tpu.dma_semaphore, #tpu.memory_space<semaphore_mem>>) src(%dma_wait3A_95 : memref<80x128xf32, #tpu.memory_space<vmem>>) dst(%dma_wait3A_91 : memref<80x128xf32, #tpu.memory_space<hbm>>)
    return
  }
}

#map = affine_map<(d0, d1) -> (0, 0)>
module attributes {stable_mosaic.version = 14 : i64} {
  func.func @sc_gather(%arg0: i32, %arg1: i32, %arg2: memref<102400x128xf32, #tpu.memory_space<hbm>>, %arg3: memref<640x80xi32, #tpu.memory_space<hbm>>, %arg4: memref<51200x128xf32, #tpu.memory_space<hbm>>, %arg5: memref<20x80xi32, #tpu.memory_space<vmem>>, %arg6: memref<3x80x128xf32, #tpu.memory_space<vmem>>, %arg7: memref<3x!tpu.dma_semaphore, #tpu.memory_space<semaphore_mem>>, %arg8: memref<3x!tpu.dma_semaphore, #tpu.memory_space<semaphore_mem>>) attributes {dimension_semantics = [#tpu.dimension_semantics<core_parallel>, #tpu.dimension_semantics<subcore_parallel>], iteration_bounds = array<i64: 2, 16>, scalar_prefetch = 0 : i64, scratch_operands = 4 : i64, tpu.core_type = #tpu.core_type<sc_vector_subcore>, window_params = [{transform_indices = #map}, {transform_indices = #map}, {transform_indices = #map}]} {
    %mul3A = arith.constant 2 : i32
    %mul3A_0 = arith.muli %arg1, %mul3A : i32
    %add3A = arith.addi %mul3A_0, %arg0 : i32
    %mul3A_1 = arith.constant 20 : i32
    %mul3A_2 = arith.muli %add3A, %mul3A_1 : i32
    "tpu.region"() ({
      %run_scoped3A = tpu.sem_alloc : memref<!tpu.dma_semaphore, #tpu.memory_space<semaphore_mem>>
      %dma_start3A_96 = arith.constant 0 : i32
      %dma_start3A_97 = tpu.memref_slice %arg3[%mul3A_2, %dma_start3A_96] : memref<640x80xi32, #tpu.memory_space<hbm>> -> memref<20x80xi32, #tpu.memory_space<hbm>>
      %dma_start3A_98 = arith.constant 0 : i32
      %dma_start3A_99 = tpu.memref_slice %arg3[%mul3A_2, %dma_start3A_98] : memref<640x80xi32, #tpu.memory_space<hbm>> -> memref<20x80xi32, #tpu.memory_space<hbm>>
      tpu.enqueue_dma source(%dma_start3A_99 : memref<20x80xi32, #tpu.memory_space<hbm>>) target(%arg5 : memref<20x80xi32, #tpu.memory_space<vmem>>) target_semaphore(%run_scoped3A : memref<!tpu.dma_semaphore, #tpu.memory_space<semaphore_mem>>)
      %dma_wait3A_100 = arith.constant 0 : i32
      %dma_wait3A_101 = tpu.memref_slice %arg3[%mul3A_2, %dma_wait3A_100] : memref<640x80xi32, #tpu.memory_space<hbm>> -> memref<20x80xi32, #tpu.memory_space<hbm>>
      %dma_wait3A_102 = arith.constant 0 : i32
      %dma_wait3A_103 = tpu.memref_slice %arg3[%mul3A_2, %dma_wait3A_102] : memref<640x80xi32, #tpu.memory_space<hbm>> -> memref<20x80xi32, #tpu.memory_space<hbm>>
      tpu.wait_dma2 semaphore(%run_scoped3A : memref<!tpu.dma_semaphore, #tpu.memory_space<semaphore_mem>>) src(%dma_wait3A_103 : memref<20x80xi32, #tpu.memory_space<hbm>>) dst(%arg5 : memref<20x80xi32, #tpu.memory_space<vmem>>)
      tpu.yield
    }) : () -> ()
    %dma_start3A = arith.constant 0 : i32
    %dma_start3A_3 = arith.constant 0 : i32
    %dma_start3A_4 = arith.constant 0 : i32
    %dma_start3A_5 = arith.constant 0 : i32
    %dma_start3A_6 = arith.constant 0 : i32
    %dma_start3A_7 = tpu.memref_slice %arg6[%dma_start3A_3, %dma_start3A_5, %dma_start3A_6] : memref<3x80x128xf32, #tpu.memory_space<vmem>> -> memref<1x80x128xf32, #tpu.memory_space<vmem>>
    %dma_start3A_8 = tpu.memref_squeeze %dma_start3A_7 : memref<1x80x128xf32, #tpu.memory_space<vmem>> -> memref<80x128xf32, #tpu.memory_space<vmem>>
    %dma_start3A_9 = arith.constant 0 : i32
    %dma_start3A_10 = tpu.memref_slice %arg5[%dma_start3A, %dma_start3A_9] : memref<20x80xi32, #tpu.memory_space<vmem>> -> memref<1x80xi32, #tpu.memory_space<vmem>>
    %dma_start3A_11 = tpu.memref_squeeze %dma_start3A_10 : memref<1x80xi32, #tpu.memory_space<vmem>> -> memref<80xi32, #tpu.memory_space<vmem>>
    %dma_start3A_12 = arith.constant 0 : i32
    %dma_start3A_13 = arith.constant 0 : i32
    %dma_start3A_14 = tpu.memref_slice %arg2[%dma_start3A_12, %dma_start3A_13] : memref<102400x128xf32, #tpu.memory_space<hbm>> -> memref<102400x128xf32, #tpu.memory_space<hbm>>
    %dma_start3A_15 = tpu.memref_slice %arg7[%dma_start3A_4] : memref<3x!tpu.dma_semaphore, #tpu.memory_space<semaphore_mem>> -> memref<1x!tpu.dma_semaphore, #tpu.memory_space<semaphore_mem>>
    %dma_start3A_16 = tpu.memref_squeeze %dma_start3A_15 : memref<1x!tpu.dma_semaphore, #tpu.memory_space<semaphore_mem>> -> memref<!tpu.dma_semaphore, #tpu.memory_space<semaphore_mem>>
    tpu.enqueue_indirect_dma source(%dma_start3A_14 : memref<102400x128xf32, #tpu.memory_space<hbm>>) target(%dma_start3A_8 : memref<80x128xf32, #tpu.memory_space<vmem>>) offsets(%dma_start3A_11 : memref<80xi32, #tpu.memory_space<vmem>>) semaphore(%dma_start3A_16 : memref<!tpu.dma_semaphore, #tpu.memory_space<semaphore_mem>>)
    %dma_start3A_17 = arith.constant 1 : i32
    %dma_start3A_18 = arith.constant 1 : i32
    %dma_start3A_19 = arith.constant 1 : i32
    %dma_start3A_20 = arith.constant 0 : i32
    %dma_start3A_21 = arith.constant 0 : i32
    %dma_start3A_22 = tpu.memref_slice %arg6[%dma_start3A_18, %dma_start3A_20, %dma_start3A_21] : memref<3x80x128xf32, #tpu.memory_space<vmem>> -> memref<1x80x128xf32, #tpu.memory_space<vmem>>
    %dma_start3A_23 = tpu.memref_squeeze %dma_start3A_22 : memref<1x80x128xf32, #tpu.memory_space<vmem>> -> memref<80x128xf32, #tpu.memory_space<vmem>>
    %dma_start3A_24 = arith.constant 0 : i32
    %dma_start3A_25 = tpu.memref_slice %arg5[%dma_start3A_17, %dma_start3A_24] : memref<20x80xi32, #tpu.memory_space<vmem>> -> memref<1x80xi32, #tpu.memory_space<vmem>>
    %dma_start3A_26 = tpu.memref_squeeze %dma_start3A_25 : memref<1x80xi32, #tpu.memory_space<vmem>> -> memref<80xi32, #tpu.memory_space<vmem>>
    %dma_start3A_27 = arith.constant 0 : i32
    %dma_start3A_28 = arith.constant 0 : i32
    %dma_start3A_29 = tpu.memref_slice %arg2[%dma_start3A_27, %dma_start3A_28] : memref<102400x128xf32, #tpu.memory_space<hbm>> -> memref<102400x128xf32, #tpu.memory_space<hbm>>
    %dma_start3A_30 = tpu.memref_slice %arg7[%dma_start3A_19] : memref<3x!tpu.dma_semaphore, #tpu.memory_space<semaphore_mem>> -> memref<1x!tpu.dma_semaphore, #tpu.memory_space<semaphore_mem>>
    %dma_start3A_31 = tpu.memref_squeeze %dma_start3A_30 : memref<1x!tpu.dma_semaphore, #tpu.memory_space<semaphore_mem>> -> memref<!tpu.dma_semaphore, #tpu.memory_space<semaphore_mem>>
    tpu.enqueue_indirect_dma source(%dma_start3A_29 : memref<102400x128xf32, #tpu.memory_space<hbm>>) target(%dma_start3A_23 : memref<80x128xf32, #tpu.memory_space<vmem>>) offsets(%dma_start3A_26 : memref<80xi32, #tpu.memory_space<vmem>>) semaphore(%dma_start3A_31 : memref<!tpu.dma_semaphore, #tpu.memory_space<semaphore_mem>>)
    %scan3A = arith.constant 0 : i32
    %scan3A_32 = arith.constant 0 : i32
    %scan3A_33 = arith.constant 20 : i32
    %scan3A_34 = arith.addi %scan3A_32, %scan3A_33 : i32
    %scan3A_35 = arith.constant 1 : i32
    scf.for %scan3A_96 = %scan3A_32 to %scan3A_34 step %scan3A_35  : i32 {
      %rem3A = arith.constant 3 : i32
      %rem3A_97 = arith.remsi %scan3A_96, %rem3A : i32
      %add3A_98 = arith.constant 2 : i32
      %add3A_99 = arith.addi %scan3A_96, %add3A_98 : i32
      %lt3A = arith.constant 20 : i32
      %lt3A_100 = arith.cmpi slt, %add3A_99, %lt3A : i32
      %convert_element_type3A = arith.extui %lt3A_100 : i1 to i32
      %cond3A = arith.constant 0 : i32
      %cond3A_101 = arith.cmpi ne, %convert_element_type3A, %cond3A : i32
      scf.if %cond3A_101 {
        %add3A_131 = arith.constant 2 : i32
        %add3A_132 = arith.addi %scan3A_96, %add3A_131 : i32
        %rem3A_133 = arith.constant 3 : i32
        %rem3A_134 = arith.remsi %add3A_132, %rem3A_133 : i32
        %ge3A = arith.constant 1 : i32
        %ge3A_135 = arith.cmpi sge, %scan3A_96, %ge3A : i32
        %convert_element_type3A_136 = arith.extui %ge3A_135 : i1 to i32
        %cond3A_137 = arith.constant 0 : i32
        %cond3A_138 = arith.cmpi ne, %convert_element_type3A_136, %cond3A_137 : i32
        scf.if %cond3A_138 {
          %sub3A = arith.constant 1 : i32
          %sub3A_153 = arith.subi %scan3A_96, %sub3A : i32
          %add3A_154 = arith.addi %mul3A_2, %sub3A_153 : i32
          %mul3A_155 = arith.constant 80 : i32
          %mul3A_156 = arith.muli %add3A_154, %mul3A_155 : i32
          %dma_wait3A_157 = arith.constant 0 : i32
          %dma_wait3A_158 = arith.constant 0 : i32
          %dma_wait3A_159 = tpu.memref_slice %arg6[%rem3A_134, %dma_wait3A_157, %dma_wait3A_158] : memref<3x80x128xf32, #tpu.memory_space<vmem>> -> memref<1x80x128xf32, #tpu.memory_space<vmem>>
          %dma_wait3A_160 = tpu.memref_squeeze %dma_wait3A_159 : memref<1x80x128xf32, #tpu.memory_space<vmem>> -> memref<80x128xf32, #tpu.memory_space<vmem>>
          %dma_wait3A_161 = arith.constant 0 : i32
          %dma_wait3A_162 = tpu.memref_slice %arg4[%mul3A_156, %dma_wait3A_161] : memref<51200x128xf32, #tpu.memory_space<hbm>> -> memref<80x128xf32, #tpu.memory_space<hbm>>
          %dma_wait3A_163 = tpu.memref_slice %arg8[%rem3A_134] : memref<3x!tpu.dma_semaphore, #tpu.memory_space<semaphore_mem>> -> memref<1x!tpu.dma_semaphore, #tpu.memory_space<semaphore_mem>>
          %dma_wait3A_164 = tpu.memref_squeeze %dma_wait3A_163 : memref<1x!tpu.dma_semaphore, #tpu.memory_space<semaphore_mem>> -> memref<!tpu.dma_semaphore, #tpu.memory_space<semaphore_mem>>
          %dma_wait3A_165 = arith.constant 0 : i32
          %dma_wait3A_166 = tpu.memref_slice %arg4[%mul3A_156, %dma_wait3A_165] : memref<51200x128xf32, #tpu.memory_space<hbm>> -> memref<80x128xf32, #tpu.memory_space<hbm>>
          %dma_wait3A_167 = arith.constant 0 : i32
          %dma_wait3A_168 = arith.constant 0 : i32
          %dma_wait3A_169 = tpu.memref_slice %arg6[%rem3A_134, %dma_wait3A_167, %dma_wait3A_168] : memref<3x80x128xf32, #tpu.memory_space<vmem>> -> memref<1x80x128xf32, #tpu.memory_space<vmem>>
          %dma_wait3A_170 = tpu.memref_squeeze %dma_wait3A_169 : memref<1x80x128xf32, #tpu.memory_space<vmem>> -> memref<80x128xf32, #tpu.memory_space<vmem>>
          tpu.wait_dma2 semaphore(%dma_wait3A_164 : memref<!tpu.dma_semaphore, #tpu.memory_space<semaphore_mem>>) src(%dma_wait3A_170 : memref<80x128xf32, #tpu.memory_space<vmem>>) dst(%dma_wait3A_166 : memref<80x128xf32, #tpu.memory_space<hbm>>)
        } else {
        }
        %add3A_139 = arith.constant 2 : i32
        %add3A_140 = arith.addi %scan3A_96, %add3A_139 : i32
        %dma_start3A_141 = arith.constant 0 : i32
        %dma_start3A_142 = arith.constant 0 : i32
        %dma_start3A_143 = tpu.memref_slice %arg6[%rem3A_134, %dma_start3A_141, %dma_start3A_142] : memref<3x80x128xf32, #tpu.memory_space<vmem>> -> memref<1x80x128xf32, #tpu.memory_space<vmem>>
        %dma_start3A_144 = tpu.memref_squeeze %dma_start3A_143 : memref<1x80x128xf32, #tpu.memory_space<vmem>> -> memref<80x128xf32, #tpu.memory_space<vmem>>
        %dma_start3A_145 = arith.constant 0 : i32
        %dma_start3A_146 = tpu.memref_slice %arg5[%add3A_140, %dma_start3A_145] : memref<20x80xi32, #tpu.memory_space<vmem>> -> memref<1x80xi32, #tpu.memory_space<vmem>>
        %dma_start3A_147 = tpu.memref_squeeze %dma_start3A_146 : memref<1x80xi32, #tpu.memory_space<vmem>> -> memref<80xi32, #tpu.memory_space<vmem>>
        %dma_start3A_148 = arith.constant 0 : i32
        %dma_start3A_149 = arith.constant 0 : i32
        %dma_start3A_150 = tpu.memref_slice %arg2[%dma_start3A_148, %dma_start3A_149] : memref<102400x128xf32, #tpu.memory_space<hbm>> -> memref<102400x128xf32, #tpu.memory_space<hbm>>
        %dma_start3A_151 = tpu.memref_slice %arg7[%rem3A_134] : memref<3x!tpu.dma_semaphore, #tpu.memory_space<semaphore_mem>> -> memref<1x!tpu.dma_semaphore, #tpu.memory_space<semaphore_mem>>
        %dma_start3A_152 = tpu.memref_squeeze %dma_start3A_151 : memref<1x!tpu.dma_semaphore, #tpu.memory_space<semaphore_mem>> -> memref<!tpu.dma_semaphore, #tpu.memory_space<semaphore_mem>>
        tpu.enqueue_indirect_dma source(%dma_start3A_150 : memref<102400x128xf32, #tpu.memory_space<hbm>>) target(%dma_start3A_144 : memref<80x128xf32, #tpu.memory_space<vmem>>) offsets(%dma_start3A_147 : memref<80xi32, #tpu.memory_space<vmem>>) semaphore(%dma_start3A_152 : memref<!tpu.dma_semaphore, #tpu.memory_space<semaphore_mem>>)
      } else {
      }
      %dma_wait3A_102 = arith.constant 0 : i32
      %dma_wait3A_103 = arith.constant 0 : i32
      %dma_wait3A_104 = tpu.memref_slice %arg6[%rem3A_97, %dma_wait3A_102, %dma_wait3A_103] : memref<3x80x128xf32, #tpu.memory_space<vmem>> -> memref<1x80x128xf32, #tpu.memory_space<vmem>>
      %dma_wait3A_105 = tpu.memref_squeeze %dma_wait3A_104 : memref<1x80x128xf32, #tpu.memory_space<vmem>> -> memref<80x128xf32, #tpu.memory_space<vmem>>
      %dma_wait3A_106 = arith.constant 0 : i32
      %dma_wait3A_107 = tpu.memref_slice %arg5[%scan3A_96, %dma_wait3A_106] : memref<20x80xi32, #tpu.memory_space<vmem>> -> memref<1x80xi32, #tpu.memory_space<vmem>>
      %dma_wait3A_108 = tpu.memref_squeeze %dma_wait3A_107 : memref<1x80xi32, #tpu.memory_space<vmem>> -> memref<80xi32, #tpu.memory_space<vmem>>
      %dma_wait3A_109 = arith.constant 0 : i32
      %dma_wait3A_110 = arith.constant 0 : i32
      %dma_wait3A_111 = tpu.memref_slice %arg2[%dma_wait3A_109, %dma_wait3A_110] : memref<102400x128xf32, #tpu.memory_space<hbm>> -> memref<102400x128xf32, #tpu.memory_space<hbm>>
      %dma_wait3A_112 = tpu.memref_slice %arg7[%rem3A_97] : memref<3x!tpu.dma_semaphore, #tpu.memory_space<semaphore_mem>> -> memref<1x!tpu.dma_semaphore, #tpu.memory_space<semaphore_mem>>
      %dma_wait3A_113 = tpu.memref_squeeze %dma_wait3A_112 : memref<1x!tpu.dma_semaphore, #tpu.memory_space<semaphore_mem>> -> memref<!tpu.dma_semaphore, #tpu.memory_space<semaphore_mem>>
      tpu.wait_indirect_dma semaphore(%dma_wait3A_113 : memref<!tpu.dma_semaphore, #tpu.memory_space<semaphore_mem>>) src(%dma_wait3A_111 : memref<102400x128xf32, #tpu.memory_space<hbm>>) dst(%dma_wait3A_105 : memref<80x128xf32, #tpu.memory_space<vmem>>)
      %add3A_114 = arith.addi %mul3A_2, %scan3A_96 : i32
      %mul3A_115 = arith.constant 80 : i32
      %mul3A_116 = arith.muli %add3A_114, %mul3A_115 : i32
      %dma_start3A_117 = arith.constant 0 : i32
      %dma_start3A_118 = arith.constant 0 : i32
      %dma_start3A_119 = tpu.memref_slice %arg6[%rem3A_97, %dma_start3A_117, %dma_start3A_118] : memref<3x80x128xf32, #tpu.memory_space<vmem>> -> memref<1x80x128xf32, #tpu.memory_space<vmem>>
      %dma_start3A_120 = tpu.memref_squeeze %dma_start3A_119 : memref<1x80x128xf32, #tpu.memory_space<vmem>> -> memref<80x128xf32, #tpu.memory_space<vmem>>
      %dma_start3A_121 = arith.constant 0 : i32
      %dma_start3A_122 = tpu.memref_slice %arg4[%mul3A_116, %dma_start3A_121] : memref<51200x128xf32, #tpu.memory_space<hbm>> -> memref<80x128xf32, #tpu.memory_space<hbm>>
      %dma_start3A_123 = tpu.memref_slice %arg8[%rem3A_97] : memref<3x!tpu.dma_semaphore, #tpu.memory_space<semaphore_mem>> -> memref<1x!tpu.dma_semaphore, #tpu.memory_space<semaphore_mem>>
      %dma_start3A_124 = tpu.memref_squeeze %dma_start3A_123 : memref<1x!tpu.dma_semaphore, #tpu.memory_space<semaphore_mem>> -> memref<!tpu.dma_semaphore, #tpu.memory_space<semaphore_mem>>
      %dma_start3A_125 = arith.constant 0 : i32
      %dma_start3A_126 = tpu.memref_slice %arg4[%mul3A_116, %dma_start3A_125] : memref<51200x128xf32, #tpu.memory_space<hbm>> -> memref<80x128xf32, #tpu.memory_space<hbm>>
      %dma_start3A_127 = arith.constant 0 : i32
      %dma_start3A_128 = arith.constant 0 : i32
      %dma_start3A_129 = tpu.memref_slice %arg6[%rem3A_97, %dma_start3A_127, %dma_start3A_128] : memref<3x80x128xf32, #tpu.memory_space<vmem>> -> memref<1x80x128xf32, #tpu.memory_space<vmem>>
      %dma_start3A_130 = tpu.memref_squeeze %dma_start3A_129 : memref<1x80x128xf32, #tpu.memory_space<vmem>> -> memref<80x128xf32, #tpu.memory_space<vmem>>
      tpu.enqueue_dma source(%dma_start3A_130 : memref<80x128xf32, #tpu.memory_space<vmem>>) target(%dma_start3A_126 : memref<80x128xf32, #tpu.memory_space<hbm>>) target_semaphore(%dma_start3A_124 : memref<!tpu.dma_semaphore, #tpu.memory_space<semaphore_mem>>)
    }
    %scan3A_36 = arith.constant 20 : i32
    %add3A_37 = arith.constant 17 : i32
    %add3A_38 = arith.addi %mul3A_2, %add3A_37 : i32
    %mul3A_39 = arith.constant 80 : i32
    %mul3A_40 = arith.muli %add3A_38, %mul3A_39 : i32
    %dma_wait3A = arith.constant 2 : i32
    %dma_wait3A_41 = arith.constant 2 : i32
    %dma_wait3A_42 = arith.constant 0 : i32
    %dma_wait3A_43 = arith.constant 0 : i32
    %dma_wait3A_44 = tpu.memref_slice %arg6[%dma_wait3A, %dma_wait3A_42, %dma_wait3A_43] : memref<3x80x128xf32, #tpu.memory_space<vmem>> -> memref<1x80x128xf32, #tpu.memory_space<vmem>>
    %dma_wait3A_45 = tpu.memref_squeeze %dma_wait3A_44 : memref<1x80x128xf32, #tpu.memory_space<vmem>> -> memref<80x128xf32, #tpu.memory_space<vmem>>
    %dma_wait3A_46 = arith.constant 0 : i32
    %dma_wait3A_47 = tpu.memref_slice %arg4[%mul3A_40, %dma_wait3A_46] : memref<51200x128xf32, #tpu.memory_space<hbm>> -> memref<80x128xf32, #tpu.memory_space<hbm>>
    %dma_wait3A_48 = tpu.memref_slice %arg8[%dma_wait3A_41] : memref<3x!tpu.dma_semaphore, #tpu.memory_space<semaphore_mem>> -> memref<1x!tpu.dma_semaphore, #tpu.memory_space<semaphore_mem>>
    %dma_wait3A_49 = tpu.memref_squeeze %dma_wait3A_48 : memref<1x!tpu.dma_semaphore, #tpu.memory_space<semaphore_mem>> -> memref<!tpu.dma_semaphore, #tpu.memory_space<semaphore_mem>>
    %dma_wait3A_50 = arith.constant 0 : i32
    %dma_wait3A_51 = tpu.memref_slice %arg4[%mul3A_40, %dma_wait3A_50] : memref<51200x128xf32, #tpu.memory_space<hbm>> -> memref<80x128xf32, #tpu.memory_space<hbm>>
    %dma_wait3A_52 = arith.constant 0 : i32
    %dma_wait3A_53 = arith.constant 0 : i32
    %dma_wait3A_54 = tpu.memref_slice %arg6[%dma_wait3A, %dma_wait3A_52, %dma_wait3A_53] : memref<3x80x128xf32, #tpu.memory_space<vmem>> -> memref<1x80x128xf32, #tpu.memory_space<vmem>>
    %dma_wait3A_55 = tpu.memref_squeeze %dma_wait3A_54 : memref<1x80x128xf32, #tpu.memory_space<vmem>> -> memref<80x128xf32, #tpu.memory_space<vmem>>
    tpu.wait_dma2 semaphore(%dma_wait3A_49 : memref<!tpu.dma_semaphore, #tpu.memory_space<semaphore_mem>>) src(%dma_wait3A_55 : memref<80x128xf32, #tpu.memory_space<vmem>>) dst(%dma_wait3A_51 : memref<80x128xf32, #tpu.memory_space<hbm>>)
    %add3A_56 = arith.constant 18 : i32
    %add3A_57 = arith.addi %mul3A_2, %add3A_56 : i32
    %mul3A_58 = arith.constant 80 : i32
    %mul3A_59 = arith.muli %add3A_57, %mul3A_58 : i32
    %dma_wait3A_60 = arith.constant 0 : i32
    %dma_wait3A_61 = arith.constant 0 : i32
    %dma_wait3A_62 = arith.constant 0 : i32
    %dma_wait3A_63 = arith.constant 0 : i32
    %dma_wait3A_64 = tpu.memref_slice %arg6[%dma_wait3A_60, %dma_wait3A_62, %dma_wait3A_63] : memref<3x80x128xf32, #tpu.memory_space<vmem>> -> memref<1x80x128xf32, #tpu.memory_space<vmem>>
    %dma_wait3A_65 = tpu.memref_squeeze %dma_wait3A_64 : memref<1x80x128xf32, #tpu.memory_space<vmem>> -> memref<80x128xf32, #tpu.memory_space<vmem>>
    %dma_wait3A_66 = arith.constant 0 : i32
    %dma_wait3A_67 = tpu.memref_slice %arg4[%mul3A_59, %dma_wait3A_66] : memref<51200x128xf32, #tpu.memory_space<hbm>> -> memref<80x128xf32, #tpu.memory_space<hbm>>
    %dma_wait3A_68 = tpu.memref_slice %arg8[%dma_wait3A_61] : memref<3x!tpu.dma_semaphore, #tpu.memory_space<semaphore_mem>> -> memref<1x!tpu.dma_semaphore, #tpu.memory_space<semaphore_mem>>
    %dma_wait3A_69 = tpu.memref_squeeze %dma_wait3A_68 : memref<1x!tpu.dma_semaphore, #tpu.memory_space<semaphore_mem>> -> memref<!tpu.dma_semaphore, #tpu.memory_space<semaphore_mem>>
    %dma_wait3A_70 = arith.constant 0 : i32
    %dma_wait3A_71 = tpu.memref_slice %arg4[%mul3A_59, %dma_wait3A_70] : memref<51200x128xf32, #tpu.memory_space<hbm>> -> memref<80x128xf32, #tpu.memory_space<hbm>>
    %dma_wait3A_72 = arith.constant 0 : i32
    %dma_wait3A_73 = arith.constant 0 : i32
    %dma_wait3A_74 = tpu.memref_slice %arg6[%dma_wait3A_60, %dma_wait3A_72, %dma_wait3A_73] : memref<3x80x128xf32, #tpu.memory_space<vmem>> -> memref<1x80x128xf32, #tpu.memory_space<vmem>>
    %dma_wait3A_75 = tpu.memref_squeeze %dma_wait3A_74 : memref<1x80x128xf32, #tpu.memory_space<vmem>> -> memref<80x128xf32, #tpu.memory_space<vmem>>
    tpu.wait_dma2 semaphore(%dma_wait3A_69 : memref<!tpu.dma_semaphore, #tpu.memory_space<semaphore_mem>>) src(%dma_wait3A_75 : memref<80x128xf32, #tpu.memory_space<vmem>>) dst(%dma_wait3A_71 : memref<80x128xf32, #tpu.memory_space<hbm>>)
    %add3A_76 = arith.constant 19 : i32
    %add3A_77 = arith.addi %mul3A_2, %add3A_76 : i32
    %mul3A_78 = arith.constant 80 : i32
    %mul3A_79 = arith.muli %add3A_77, %mul3A_78 : i32
    %dma_wait3A_80 = arith.constant 1 : i32
    %dma_wait3A_81 = arith.constant 1 : i32
    %dma_wait3A_82 = arith.constant 0 : i32
    %dma_wait3A_83 = arith.constant 0 : i32
    %dma_wait3A_84 = tpu.memref_slice %arg6[%dma_wait3A_80, %dma_wait3A_82, %dma_wait3A_83] : memref<3x80x128xf32, #tpu.memory_space<vmem>> -> memref<1x80x128xf32, #tpu.memory_space<vmem>>
    %dma_wait3A_85 = tpu.memref_squeeze %dma_wait3A_84 : memref<1x80x128xf32, #tpu.memory_space<vmem>> -> memref<80x128xf32, #tpu.memory_space<vmem>>
    %dma_wait3A_86 = arith.constant 0 : i32
    %dma_wait3A_87 = tpu.memref_slice %arg4[%mul3A_79, %dma_wait3A_86] : memref<51200x128xf32, #tpu.memory_space<hbm>> -> memref<80x128xf32, #tpu.memory_space<hbm>>
    %dma_wait3A_88 = tpu.memref_slice %arg8[%dma_wait3A_81] : memref<3x!tpu.dma_semaphore, #tpu.memory_space<semaphore_mem>> -> memref<1x!tpu.dma_semaphore, #tpu.memory_space<semaphore_mem>>
    %dma_wait3A_89 = tpu.memref_squeeze %dma_wait3A_88 : memref<1x!tpu.dma_semaphore, #tpu.memory_space<semaphore_mem>> -> memref<!tpu.dma_semaphore, #tpu.memory_space<semaphore_mem>>
    %dma_wait3A_90 = arith.constant 0 : i32
    %dma_wait3A_91 = tpu.memref_slice %arg4[%mul3A_79, %dma_wait3A_90] : memref<51200x128xf32, #tpu.memory_space<hbm>> -> memref<80x128xf32, #tpu.memory_space<hbm>>
    %dma_wait3A_92 = arith.constant 0 : i32
    %dma_wait3A_93 = arith.constant 0 : i32
    %dma_wait3A_94 = tpu.memref_slice %arg6[%dma_wait3A_80, %dma_wait3A_92, %dma_wait3A_93] : memref<3x80x128xf32, #tpu.memory_space<vmem>> -> memref<1x80x128xf32, #tpu.memory_space<vmem>>
    %dma_wait3A_95 = tpu.memref_squeeze %dma_wait3A_94 : memref<1x80x128xf32, #tpu.memory_space<vmem>> -> memref<80x128xf32, #tpu.memory_space<vmem>>
    tpu.wait_dma2 semaphore(%dma_wait3A_89 : memref<!tpu.dma_semaphore, #tpu.memory_space<semaphore_mem>>) src(%dma_wait3A_95 : memref<80x128xf32, #tpu.memory_space<vmem>>) dst(%dma_wait3A_91 : memref<80x128xf32, #tpu.memory_space<hbm>>)
    return
  }
}

#map = affine_map<(d0, d1) -> (0, 0)>
module attributes {stable_mosaic.version = 14 : i64} {
  func.func @sc_gather(%arg0: i32, %arg1: i32, %arg2: memref<102400x128xf32, #tpu.memory_space<hbm>>, %arg3: memref<640x80xi32, #tpu.memory_space<hbm>>, %arg4: memref<51200x128xf32, #tpu.memory_space<hbm>>, %arg5: memref<20x80xi32, #tpu.memory_space<vmem>>, %arg6: memref<3x80x128xf32, #tpu.memory_space<vmem>>, %arg7: memref<3x!tpu.dma_semaphore, #tpu.memory_space<semaphore_mem>>, %arg8: memref<3x!tpu.dma_semaphore, #tpu.memory_space<semaphore_mem>>) attributes {dimension_semantics = [#tpu.dimension_semantics<core_parallel>, #tpu.dimension_semantics<subcore_parallel>], iteration_bounds = array<i64: 2, 16>, scalar_prefetch = 0 : i64, scratch_operands = 4 : i64, tpu.core_type = #tpu.core_type<sc_vector_subcore>, window_params = [{transform_indices = #map}, {transform_indices = #map}, {transform_indices = #map}]} {
    %mul3A = arith.constant 2 : i32
    %mul3A_0 = arith.muli %arg1, %mul3A : i32
    %add3A = arith.addi %mul3A_0, %arg0 : i32
    %mul3A_1 = arith.constant 20 : i32
    %mul3A_2 = arith.muli %add3A, %mul3A_1 : i32
    "tpu.region"() ({
      %run_scoped3A = tpu.sem_alloc : memref<!tpu.dma_semaphore, #tpu.memory_space<semaphore_mem>>
      %dma_start3A_96 = arith.constant 0 : i32
      %dma_start3A_97 = tpu.memref_slice %arg3[%mul3A_2, %dma_start3A_96] : memref<640x80xi32, #tpu.memory_space<hbm>> -> memref<20x80xi32, #tpu.memory_space<hbm>>
      %dma_start3A_98 = arith.constant 0 : i32
      %dma_start3A_99 = tpu.memref_slice %arg3[%mul3A_2, %dma_start3A_98] : memref<640x80xi32, #tpu.memory_space<hbm>> -> memref<20x80xi32, #tpu.memory_space<hbm>>
      tpu.enqueue_dma source(%dma_start3A_99 : memref<20x80xi32, #tpu.memory_space<hbm>>) target(%arg5 : memref<20x80xi32, #tpu.memory_space<vmem>>) target_semaphore(%run_scoped3A : memref<!tpu.dma_semaphore, #tpu.memory_space<semaphore_mem>>)
      %dma_wait3A_100 = arith.constant 0 : i32
      %dma_wait3A_101 = tpu.memref_slice %arg3[%mul3A_2, %dma_wait3A_100] : memref<640x80xi32, #tpu.memory_space<hbm>> -> memref<20x80xi32, #tpu.memory_space<hbm>>
      %dma_wait3A_102 = arith.constant 0 : i32
      %dma_wait3A_103 = tpu.memref_slice %arg3[%mul3A_2, %dma_wait3A_102] : memref<640x80xi32, #tpu.memory_space<hbm>> -> memref<20x80xi32, #tpu.memory_space<hbm>>
      tpu.wait_dma2 semaphore(%run_scoped3A : memref<!tpu.dma_semaphore, #tpu.memory_space<semaphore_mem>>) src(%dma_wait3A_103 : memref<20x80xi32, #tpu.memory_space<hbm>>) dst(%arg5 : memref<20x80xi32, #tpu.memory_space<vmem>>)
      tpu.yield
    }) : () -> ()
    %dma_start3A = arith.constant 0 : i32
    %dma_start3A_3 = arith.constant 0 : i32
    %dma_start3A_4 = arith.constant 0 : i32
    %dma_start3A_5 = arith.constant 0 : i32
    %dma_start3A_6 = arith.constant 0 : i32
    %dma_start3A_7 = tpu.memref_slice %arg6[%dma_start3A_3, %dma_start3A_5, %dma_start3A_6] : memref<3x80x128xf32, #tpu.memory_space<vmem>> -> memref<1x80x128xf32, #tpu.memory_space<vmem>>
    %dma_start3A_8 = tpu.memref_squeeze %dma_start3A_7 : memref<1x80x128xf32, #tpu.memory_space<vmem>> -> memref<80x128xf32, #tpu.memory_space<vmem>>
    %dma_start3A_9 = arith.constant 0 : i32
    %dma_start3A_10 = tpu.memref_slice %arg5[%dma_start3A, %dma_start3A_9] : memref<20x80xi32, #tpu.memory_space<vmem>> -> memref<1x80xi32, #tpu.memory_space<vmem>>
    %dma_start3A_11 = tpu.memref_squeeze %dma_start3A_10 : memref<1x80xi32, #tpu.memory_space<vmem>> -> memref<80xi32, #tpu.memory_space<vmem>>
    %dma_start3A_12 = arith.constant 0 : i32
    %dma_start3A_13 = arith.constant 0 : i32
    %dma_start3A_14 = tpu.memref_slice %arg2[%dma_start3A_12, %dma_start3A_13] : memref<102400x128xf32, #tpu.memory_space<hbm>> -> memref<102400x128xf32, #tpu.memory_space<hbm>>
    %dma_start3A_15 = tpu.memref_slice %arg7[%dma_start3A_4] : memref<3x!tpu.dma_semaphore, #tpu.memory_space<semaphore_mem>> -> memref<1x!tpu.dma_semaphore, #tpu.memory_space<semaphore_mem>>
    %dma_start3A_16 = tpu.memref_squeeze %dma_start3A_15 : memref<1x!tpu.dma_semaphore, #tpu.memory_space<semaphore_mem>> -> memref<!tpu.dma_semaphore, #tpu.memory_space<semaphore_mem>>
    tpu.enqueue_indirect_dma source(%dma_start3A_14 : memref<102400x128xf32, #tpu.memory_space<hbm>>) target(%dma_start3A_8 : memref<80x128xf32, #tpu.memory_space<vmem>>) offsets(%dma_start3A_11 : memref<80xi32, #tpu.memory_space<vmem>>) semaphore(%dma_start3A_16 : memref<!tpu.dma_semaphore, #tpu.memory_space<semaphore_mem>>)
    %dma_start3A_17 = arith.constant 1 : i32
    %dma_start3A_18 = arith.constant 1 : i32
    %dma_start3A_19 = arith.constant 1 : i32
    %dma_start3A_20 = arith.constant 0 : i32
    %dma_start3A_21 = arith.constant 0 : i32
    %dma_start3A_22 = tpu.memref_slice %arg6[%dma_start3A_18, %dma_start3A_20, %dma_start3A_21] : memref<3x80x128xf32, #tpu.memory_space<vmem>> -> memref<1x80x128xf32, #tpu.memory_space<vmem>>
    %dma_start3A_23 = tpu.memref_squeeze %dma_start3A_22 : memref<1x80x128xf32, #tpu.memory_space<vmem>> -> memref<80x128xf32, #tpu.memory_space<vmem>>
    %dma_start3A_24 = arith.constant 0 : i32
    %dma_start3A_25 = tpu.memref_slice %arg5[%dma_start3A_17, %dma_start3A_24] : memref<20x80xi32, #tpu.memory_space<vmem>> -> memref<1x80xi32, #tpu.memory_space<vmem>>
    %dma_start3A_26 = tpu.memref_squeeze %dma_start3A_25 : memref<1x80xi32, #tpu.memory_space<vmem>> -> memref<80xi32, #tpu.memory_space<vmem>>
    %dma_start3A_27 = arith.constant 0 : i32
    %dma_start3A_28 = arith.constant 0 : i32
    %dma_start3A_29 = tpu.memref_slice %arg2[%dma_start3A_27, %dma_start3A_28] : memref<102400x128xf32, #tpu.memory_space<hbm>> -> memref<102400x128xf32, #tpu.memory_space<hbm>>
    %dma_start3A_30 = tpu.memref_slice %arg7[%dma_start3A_19] : memref<3x!tpu.dma_semaphore, #tpu.memory_space<semaphore_mem>> -> memref<1x!tpu.dma_semaphore, #tpu.memory_space<semaphore_mem>>
    %dma_start3A_31 = tpu.memref_squeeze %dma_start3A_30 : memref<1x!tpu.dma_semaphore, #tpu.memory_space<semaphore_mem>> -> memref<!tpu.dma_semaphore, #tpu.memory_space<semaphore_mem>>
    tpu.enqueue_indirect_dma source(%dma_start3A_29 : memref<102400x128xf32, #tpu.memory_space<hbm>>) target(%dma_start3A_23 : memref<80x128xf32, #tpu.memory_space<vmem>>) offsets(%dma_start3A_26 : memref<80xi32, #tpu.memory_space<vmem>>) semaphore(%dma_start3A_31 : memref<!tpu.dma_semaphore, #tpu.memory_space<semaphore_mem>>)
    %scan3A = arith.constant 0 : i32
    %scan3A_32 = arith.constant 0 : i32
    %scan3A_33 = arith.constant 20 : i32
    %scan3A_34 = arith.addi %scan3A_32, %scan3A_33 : i32
    %scan3A_35 = arith.constant 1 : i32
    scf.for %scan3A_96 = %scan3A_32 to %scan3A_34 step %scan3A_35  : i32 {
      %rem3A = arith.constant 3 : i32
      %rem3A_97 = arith.remsi %scan3A_96, %rem3A : i32
      %add3A_98 = arith.constant 2 : i32
      %add3A_99 = arith.addi %scan3A_96, %add3A_98 : i32
      %lt3A = arith.constant 20 : i32
      %lt3A_100 = arith.cmpi slt, %add3A_99, %lt3A : i32
      %convert_element_type3A = arith.extui %lt3A_100 : i1 to i32
      %cond3A = arith.constant 0 : i32
      %cond3A_101 = arith.cmpi ne, %convert_element_type3A, %cond3A : i32
      scf.if %cond3A_101 {
        %add3A_131 = arith.constant 2 : i32
        %add3A_132 = arith.addi %scan3A_96, %add3A_131 : i32
        %rem3A_133 = arith.constant 3 : i32
        %rem3A_134 = arith.remsi %add3A_132, %rem3A_133 : i32
        %ge3A = arith.constant 1 : i32
        %ge3A_135 = arith.cmpi sge, %scan3A_96, %ge3A : i32
        %convert_element_type3A_136 = arith.extui %ge3A_135 : i1 to i32
        %cond3A_137 = arith.constant 0 : i32
        %cond3A_138 = arith.cmpi ne, %convert_element_type3A_136, %cond3A_137 : i32
        scf.if %cond3A_138 {
          %sub3A = arith.constant 1 : i32
          %sub3A_153 = arith.subi %scan3A_96, %sub3A : i32
          %add3A_154 = arith.addi %mul3A_2, %sub3A_153 : i32
          %mul3A_155 = arith.constant 80 : i32
          %mul3A_156 = arith.muli %add3A_154, %mul3A_155 : i32
          %dma_wait3A_157 = arith.constant 0 : i32
          %dma_wait3A_158 = arith.constant 0 : i32
          %dma_wait3A_159 = tpu.memref_slice %arg6[%rem3A_134, %dma_wait3A_157, %dma_wait3A_158] : memref<3x80x128xf32, #tpu.memory_space<vmem>> -> memref<1x80x128xf32, #tpu.memory_space<vmem>>
          %dma_wait3A_160 = tpu.memref_squeeze %dma_wait3A_159 : memref<1x80x128xf32, #tpu.memory_space<vmem>> -> memref<80x128xf32, #tpu.memory_space<vmem>>
          %dma_wait3A_161 = arith.constant 0 : i32
          %dma_wait3A_162 = tpu.memref_slice %arg4[%mul3A_156, %dma_wait3A_161] : memref<51200x128xf32, #tpu.memory_space<hbm>> -> memref<80x128xf32, #tpu.memory_space<hbm>>
          %dma_wait3A_163 = tpu.memref_slice %arg8[%rem3A_134] : memref<3x!tpu.dma_semaphore, #tpu.memory_space<semaphore_mem>> -> memref<1x!tpu.dma_semaphore, #tpu.memory_space<semaphore_mem>>
          %dma_wait3A_164 = tpu.memref_squeeze %dma_wait3A_163 : memref<1x!tpu.dma_semaphore, #tpu.memory_space<semaphore_mem>> -> memref<!tpu.dma_semaphore, #tpu.memory_space<semaphore_mem>>
          %dma_wait3A_165 = arith.constant 0 : i32
          %dma_wait3A_166 = tpu.memref_slice %arg4[%mul3A_156, %dma_wait3A_165] : memref<51200x128xf32, #tpu.memory_space<hbm>> -> memref<80x128xf32, #tpu.memory_space<hbm>>
          %dma_wait3A_167 = arith.constant 0 : i32
          %dma_wait3A_168 = arith.constant 0 : i32
          %dma_wait3A_169 = tpu.memref_slice %arg6[%rem3A_134, %dma_wait3A_167, %dma_wait3A_168] : memref<3x80x128xf32, #tpu.memory_space<vmem>> -> memref<1x80x128xf32, #tpu.memory_space<vmem>>
          %dma_wait3A_170 = tpu.memref_squeeze %dma_wait3A_169 : memref<1x80x128xf32, #tpu.memory_space<vmem>> -> memref<80x128xf32, #tpu.memory_space<vmem>>
          tpu.wait_dma2 semaphore(%dma_wait3A_164 : memref<!tpu.dma_semaphore, #tpu.memory_space<semaphore_mem>>) src(%dma_wait3A_170 : memref<80x128xf32, #tpu.memory_space<vmem>>) dst(%dma_wait3A_166 : memref<80x128xf32, #tpu.memory_space<hbm>>)
        } else {
        }
        %add3A_139 = arith.constant 2 : i32
        %add3A_140 = arith.addi %scan3A_96, %add3A_139 : i32
        %dma_start3A_141 = arith.constant 0 : i32
        %dma_start3A_142 = arith.constant 0 : i32
        %dma_start3A_143 = tpu.memref_slice %arg6[%rem3A_134, %dma_start3A_141, %dma_start3A_142] : memref<3x80x128xf32, #tpu.memory_space<vmem>> -> memref<1x80x128xf32, #tpu.memory_space<vmem>>
        %dma_start3A_144 = tpu.memref_squeeze %dma_start3A_143 : memref<1x80x128xf32, #tpu.memory_space<vmem>> -> memref<80x128xf32, #tpu.memory_space<vmem>>
        %dma_start3A_145 = arith.constant 0 : i32
        %dma_start3A_146 = tpu.memref_slice %arg5[%add3A_140, %dma_start3A_145] : memref<20x80xi32, #tpu.memory_space<vmem>> -> memref<1x80xi32, #tpu.memory_space<vmem>>
        %dma_start3A_147 = tpu.memref_squeeze %dma_start3A_146 : memref<1x80xi32, #tpu.memory_space<vmem>> -> memref<80xi32, #tpu.memory_space<vmem>>
        %dma_start3A_148 = arith.constant 0 : i32
        %dma_start3A_149 = arith.constant 0 : i32
        %dma_start3A_150 = tpu.memref_slice %arg2[%dma_start3A_148, %dma_start3A_149] : memref<102400x128xf32, #tpu.memory_space<hbm>> -> memref<102400x128xf32, #tpu.memory_space<hbm>>
        %dma_start3A_151 = tpu.memref_slice %arg7[%rem3A_134] : memref<3x!tpu.dma_semaphore, #tpu.memory_space<semaphore_mem>> -> memref<1x!tpu.dma_semaphore, #tpu.memory_space<semaphore_mem>>
        %dma_start3A_152 = tpu.memref_squeeze %dma_start3A_151 : memref<1x!tpu.dma_semaphore, #tpu.memory_space<semaphore_mem>> -> memref<!tpu.dma_semaphore, #tpu.memory_space<semaphore_mem>>
        tpu.enqueue_indirect_dma source(%dma_start3A_150 : memref<102400x128xf32, #tpu.memory_space<hbm>>) target(%dma_start3A_144 : memref<80x128xf32, #tpu.memory_space<vmem>>) offsets(%dma_start3A_147 : memref<80xi32, #tpu.memory_space<vmem>>) semaphore(%dma_start3A_152 : memref<!tpu.dma_semaphore, #tpu.memory_space<semaphore_mem>>)
      } else {
      }
      %dma_wait3A_102 = arith.constant 0 : i32
      %dma_wait3A_103 = arith.constant 0 : i32
      %dma_wait3A_104 = tpu.memref_slice %arg6[%rem3A_97, %dma_wait3A_102, %dma_wait3A_103] : memref<3x80x128xf32, #tpu.memory_space<vmem>> -> memref<1x80x128xf32, #tpu.memory_space<vmem>>
      %dma_wait3A_105 = tpu.memref_squeeze %dma_wait3A_104 : memref<1x80x128xf32, #tpu.memory_space<vmem>> -> memref<80x128xf32, #tpu.memory_space<vmem>>
      %dma_wait3A_106 = arith.constant 0 : i32
      %dma_wait3A_107 = tpu.memref_slice %arg5[%scan3A_96, %dma_wait3A_106] : memref<20x80xi32, #tpu.memory_space<vmem>> -> memref<1x80xi32, #tpu.memory_space<vmem>>
      %dma_wait3A_108 = tpu.memref_squeeze %dma_wait3A_107 : memref<1x80xi32, #tpu.memory_space<vmem>> -> memref<80xi32, #tpu.memory_space<vmem>>
      %dma_wait3A_109 = arith.constant 0 : i32
      %dma_wait3A_110 = arith.constant 0 : i32
      %dma_wait3A_111 = tpu.memref_slice %arg2[%dma_wait3A_109, %dma_wait3A_110] : memref<102400x128xf32, #tpu.memory_space<hbm>> -> memref<102400x128xf32, #tpu.memory_space<hbm>>
      %dma_wait3A_112 = tpu.memref_slice %arg7[%rem3A_97] : memref<3x!tpu.dma_semaphore, #tpu.memory_space<semaphore_mem>> -> memref<1x!tpu.dma_semaphore, #tpu.memory_space<semaphore_mem>>
      %dma_wait3A_113 = tpu.memref_squeeze %dma_wait3A_112 : memref<1x!tpu.dma_semaphore, #tpu.memory_space<semaphore_mem>> -> memref<!tpu.dma_semaphore, #tpu.memory_space<semaphore_mem>>
      tpu.wait_indirect_dma semaphore(%dma_wait3A_113 : memref<!tpu.dma_semaphore, #tpu.memory_space<semaphore_mem>>) src(%dma_wait3A_111 : memref<102400x128xf32, #tpu.memory_space<hbm>>) dst(%dma_wait3A_105 : memref<80x128xf32, #tpu.memory_space<vmem>>)
      %add3A_114 = arith.addi %mul3A_2, %scan3A_96 : i32
      %mul3A_115 = arith.constant 80 : i32
      %mul3A_116 = arith.muli %add3A_114, %mul3A_115 : i32
      %dma_start3A_117 = arith.constant 0 : i32
      %dma_start3A_118 = arith.constant 0 : i32
      %dma_start3A_119 = tpu.memref_slice %arg6[%rem3A_97, %dma_start3A_117, %dma_start3A_118] : memref<3x80x128xf32, #tpu.memory_space<vmem>> -> memref<1x80x128xf32, #tpu.memory_space<vmem>>
      %dma_start3A_120 = tpu.memref_squeeze %dma_start3A_119 : memref<1x80x128xf32, #tpu.memory_space<vmem>> -> memref<80x128xf32, #tpu.memory_space<vmem>>
      %dma_start3A_121 = arith.constant 0 : i32
      %dma_start3A_122 = tpu.memref_slice %arg4[%mul3A_116, %dma_start3A_121] : memref<51200x128xf32, #tpu.memory_space<hbm>> -> memref<80x128xf32, #tpu.memory_space<hbm>>
      %dma_start3A_123 = tpu.memref_slice %arg8[%rem3A_97] : memref<3x!tpu.dma_semaphore, #tpu.memory_space<semaphore_mem>> -> memref<1x!tpu.dma_semaphore, #tpu.memory_space<semaphore_mem>>
      %dma_start3A_124 = tpu.memref_squeeze %dma_start3A_123 : memref<1x!tpu.dma_semaphore, #tpu.memory_space<semaphore_mem>> -> memref<!tpu.dma_semaphore, #tpu.memory_space<semaphore_mem>>
      %dma_start3A_125 = arith.constant 0 : i32
      %dma_start3A_126 = tpu.memref_slice %arg4[%mul3A_116, %dma_start3A_125] : memref<51200x128xf32, #tpu.memory_space<hbm>> -> memref<80x128xf32, #tpu.memory_space<hbm>>
      %dma_start3A_127 = arith.constant 0 : i32
      %dma_start3A_128 = arith.constant 0 : i32
      %dma_start3A_129 = tpu.memref_slice %arg6[%rem3A_97, %dma_start3A_127, %dma_start3A_128] : memref<3x80x128xf32, #tpu.memory_space<vmem>> -> memref<1x80x128xf32, #tpu.memory_space<vmem>>
      %dma_start3A_130 = tpu.memref_squeeze %dma_start3A_129 : memref<1x80x128xf32, #tpu.memory_space<vmem>> -> memref<80x128xf32, #tpu.memory_space<vmem>>
      tpu.enqueue_dma source(%dma_start3A_130 : memref<80x128xf32, #tpu.memory_space<vmem>>) target(%dma_start3A_126 : memref<80x128xf32, #tpu.memory_space<hbm>>) target_semaphore(%dma_start3A_124 : memref<!tpu.dma_semaphore, #tpu.memory_space<semaphore_mem>>)
    }
    %scan3A_36 = arith.constant 20 : i32
    %add3A_37 = arith.constant 17 : i32
    %add3A_38 = arith.addi %mul3A_2, %add3A_37 : i32
    %mul3A_39 = arith.constant 80 : i32
    %mul3A_40 = arith.muli %add3A_38, %mul3A_39 : i32
    %dma_wait3A = arith.constant 2 : i32
    %dma_wait3A_41 = arith.constant 2 : i32
    %dma_wait3A_42 = arith.constant 0 : i32
    %dma_wait3A_43 = arith.constant 0 : i32
    %dma_wait3A_44 = tpu.memref_slice %arg6[%dma_wait3A, %dma_wait3A_42, %dma_wait3A_43] : memref<3x80x128xf32, #tpu.memory_space<vmem>> -> memref<1x80x128xf32, #tpu.memory_space<vmem>>
    %dma_wait3A_45 = tpu.memref_squeeze %dma_wait3A_44 : memref<1x80x128xf32, #tpu.memory_space<vmem>> -> memref<80x128xf32, #tpu.memory_space<vmem>>
    %dma_wait3A_46 = arith.constant 0 : i32
    %dma_wait3A_47 = tpu.memref_slice %arg4[%mul3A_40, %dma_wait3A_46] : memref<51200x128xf32, #tpu.memory_space<hbm>> -> memref<80x128xf32, #tpu.memory_space<hbm>>
    %dma_wait3A_48 = tpu.memref_slice %arg8[%dma_wait3A_41] : memref<3x!tpu.dma_semaphore, #tpu.memory_space<semaphore_mem>> -> memref<1x!tpu.dma_semaphore, #tpu.memory_space<semaphore_mem>>
    %dma_wait3A_49 = tpu.memref_squeeze %dma_wait3A_48 : memref<1x!tpu.dma_semaphore, #tpu.memory_space<semaphore_mem>> -> memref<!tpu.dma_semaphore, #tpu.memory_space<semaphore_mem>>
    %dma_wait3A_50 = arith.constant 0 : i32
    %dma_wait3A_51 = tpu.memref_slice %arg4[%mul3A_40, %dma_wait3A_50] : memref<51200x128xf32, #tpu.memory_space<hbm>> -> memref<80x128xf32, #tpu.memory_space<hbm>>
    %dma_wait3A_52 = arith.constant 0 : i32
    %dma_wait3A_53 = arith.constant 0 : i32
    %dma_wait3A_54 = tpu.memref_slice %arg6[%dma_wait3A, %dma_wait3A_52, %dma_wait3A_53] : memref<3x80x128xf32, #tpu.memory_space<vmem>> -> memref<1x80x128xf32, #tpu.memory_space<vmem>>
    %dma_wait3A_55 = tpu.memref_squeeze %dma_wait3A_54 : memref<1x80x128xf32, #tpu.memory_space<vmem>> -> memref<80x128xf32, #tpu.memory_space<vmem>>
    tpu.wait_dma2 semaphore(%dma_wait3A_49 : memref<!tpu.dma_semaphore, #tpu.memory_space<semaphore_mem>>) src(%dma_wait3A_55 : memref<80x128xf32, #tpu.memory_space<vmem>>) dst(%dma_wait3A_51 : memref<80x128xf32, #tpu.memory_space<hbm>>)
    %add3A_56 = arith.constant 18 : i32
    %add3A_57 = arith.addi %mul3A_2, %add3A_56 : i32
    %mul3A_58 = arith.constant 80 : i32
    %mul3A_59 = arith.muli %add3A_57, %mul3A_58 : i32
    %dma_wait3A_60 = arith.constant 0 : i32
    %dma_wait3A_61 = arith.constant 0 : i32
    %dma_wait3A_62 = arith.constant 0 : i32
    %dma_wait3A_63 = arith.constant 0 : i32
    %dma_wait3A_64 = tpu.memref_slice %arg6[%dma_wait3A_60, %dma_wait3A_62, %dma_wait3A_63] : memref<3x80x128xf32, #tpu.memory_space<vmem>> -> memref<1x80x128xf32, #tpu.memory_space<vmem>>
    %dma_wait3A_65 = tpu.memref_squeeze %dma_wait3A_64 : memref<1x80x128xf32, #tpu.memory_space<vmem>> -> memref<80x128xf32, #tpu.memory_space<vmem>>
    %dma_wait3A_66 = arith.constant 0 : i32
    %dma_wait3A_67 = tpu.memref_slice %arg4[%mul3A_59, %dma_wait3A_66] : memref<51200x128xf32, #tpu.memory_space<hbm>> -> memref<80x128xf32, #tpu.memory_space<hbm>>
    %dma_wait3A_68 = tpu.memref_slice %arg8[%dma_wait3A_61] : memref<3x!tpu.dma_semaphore, #tpu.memory_space<semaphore_mem>> -> memref<1x!tpu.dma_semaphore, #tpu.memory_space<semaphore_mem>>
    %dma_wait3A_69 = tpu.memref_squeeze %dma_wait3A_68 : memref<1x!tpu.dma_semaphore, #tpu.memory_space<semaphore_mem>> -> memref<!tpu.dma_semaphore, #tpu.memory_space<semaphore_mem>>
    %dma_wait3A_70 = arith.constant 0 : i32
    %dma_wait3A_71 = tpu.memref_slice %arg4[%mul3A_59, %dma_wait3A_70] : memref<51200x128xf32, #tpu.memory_space<hbm>> -> memref<80x128xf32, #tpu.memory_space<hbm>>
    %dma_wait3A_72 = arith.constant 0 : i32
    %dma_wait3A_73 = arith.constant 0 : i32
    %dma_wait3A_74 = tpu.memref_slice %arg6[%dma_wait3A_60, %dma_wait3A_72, %dma_wait3A_73] : memref<3x80x128xf32, #tpu.memory_space<vmem>> -> memref<1x80x128xf32, #tpu.memory_space<vmem>>
    %dma_wait3A_75 = tpu.memref_squeeze %dma_wait3A_74 : memref<1x80x128xf32, #tpu.memory_space<vmem>> -> memref<80x128xf32, #tpu.memory_space<vmem>>
    tpu.wait_dma2 semaphore(%dma_wait3A_69 : memref<!tpu.dma_semaphore, #tpu.memory_space<semaphore_mem>>) src(%dma_wait3A_75 : memref<80x128xf32, #tpu.memory_space<vmem>>) dst(%dma_wait3A_71 : memref<80x128xf32, #tpu.memory_space<hbm>>)
    %add3A_76 = arith.constant 19 : i32
    %add3A_77 = arith.addi %mul3A_2, %add3A_76 : i32
    %mul3A_78 = arith.constant 80 : i32
    %mul3A_79 = arith.muli %add3A_77, %mul3A_78 : i32
    %dma_wait3A_80 = arith.constant 1 : i32
    %dma_wait3A_81 = arith.constant 1 : i32
    %dma_wait3A_82 = arith.constant 0 : i32
    %dma_wait3A_83 = arith.constant 0 : i32
    %dma_wait3A_84 = tpu.memref_slice %arg6[%dma_wait3A_80, %dma_wait3A_82, %dma_wait3A_83] : memref<3x80x128xf32, #tpu.memory_space<vmem>> -> memref<1x80x128xf32, #tpu.memory_space<vmem>>
    %dma_wait3A_85 = tpu.memref_squeeze %dma_wait3A_84 : memref<1x80x128xf32, #tpu.memory_space<vmem>> -> memref<80x128xf32, #tpu.memory_space<vmem>>
    %dma_wait3A_86 = arith.constant 0 : i32
    %dma_wait3A_87 = tpu.memref_slice %arg4[%mul3A_79, %dma_wait3A_86] : memref<51200x128xf32, #tpu.memory_space<hbm>> -> memref<80x128xf32, #tpu.memory_space<hbm>>
    %dma_wait3A_88 = tpu.memref_slice %arg8[%dma_wait3A_81] : memref<3x!tpu.dma_semaphore, #tpu.memory_space<semaphore_mem>> -> memref<1x!tpu.dma_semaphore, #tpu.memory_space<semaphore_mem>>
    %dma_wait3A_89 = tpu.memref_squeeze %dma_wait3A_88 : memref<1x!tpu.dma_semaphore, #tpu.memory_space<semaphore_mem>> -> memref<!tpu.dma_semaphore, #tpu.memory_space<semaphore_mem>>
    %dma_wait3A_90 = arith.constant 0 : i32
    %dma_wait3A_91 = tpu.memref_slice %arg4[%mul3A_79, %dma_wait3A_90] : memref<51200x128xf32, #tpu.memory_space<hbm>> -> memref<80x128xf32, #tpu.memory_space<hbm>>
    %dma_wait3A_92 = arith.constant 0 : i32
    %dma_wait3A_93 = arith.constant 0 : i32
    %dma_wait3A_94 = tpu.memref_slice %arg6[%dma_wait3A_80, %dma_wait3A_92, %dma_wait3A_93] : memref<3x80x128xf32, #tpu.memory_space<vmem>> -> memref<1x80x128xf32, #tpu.memory_space<vmem>>
    %dma_wait3A_95 = tpu.memref_squeeze %dma_wait3A_94 : memref<1x80x128xf32, #tpu.memory_space<vmem>> -> memref<80x128xf32, #tpu.memory_space<vmem>>
    tpu.wait_dma2 semaphore(%dma_wait3A_89 : memref<!tpu.dma_semaphore, #tpu.memory_space<semaphore_mem>>) src(%dma_wait3A_95 : memref<80x128xf32, #tpu.memory_space<vmem>>) dst(%dma_wait3A_91 : memref<80x128xf32, #tpu.memory_space<hbm>>)
    return
  }
}

module attributes {stable_mosaic.version = 14 : i64} {
  func.func @_proj_body(%arg0: i32, %arg1: memref<50x4096xf32, #tpu.memory_space<vmem>>, %arg2: memref<50x128xf32, #tpu.memory_space<vmem>>, %arg3: memref<1x128xf32, #tpu.memory_space<vmem>>, %arg4: memref<4096x128xf32, #tpu.memory_space<vmem>>) attributes {dimension_semantics = [#tpu.dimension_semantics<arbitrary>], iteration_bounds = array<i64: 25>, scalar_prefetch = 0 : i64, scratch_operands = 0 : i64, tpu.core_type = #tpu.core_type<tc>, window_params = [{transform_indices = @transform_0, window_bounds = array<i64: 50, 4096>}, {pipeline_mode = #tpu.pipeline_mode<synchronous>, transform_indices = @transform_1, window_bounds = array<i64: 50, 128>}, {pipeline_mode = #tpu.pipeline_mode<synchronous>, transform_indices = @transform_2, window_bounds = array<i64: 1, 128>}, {transform_indices = @transform_3, window_bounds = array<i64: 4096, 128>}]} {
    %get3A = arith.constant 0 : index
    %get3A_0 = arith.constant 0 : index
    %get3A_1 = vector.load %arg1[%get3A, %get3A_0] : memref<50x4096xf32, #tpu.memory_space<vmem>>, vector<50x4096xf32>
    %get3A_2 = arith.constant 0 : index
    %get3A_3 = arith.constant 0 : index
    %get3A_4 = vector.load %arg2[%get3A_2, %get3A_3] : memref<50x128xf32, #tpu.memory_space<vmem>>, vector<50x128xf32>
    %dot_general3A = arith.constant dense<0.000000e+00> : vector<4096x128xf32>
    %dot_general3A_5 = tpu.matmul %get3A_1, %get3A_4, %dot_general3A {dimension_numbers = #tpu.dot_dimension_numbers<[0], [0], [1], [1], [0, 1, 1, 1], [], []>, transpose_lhs_hint = false} : vector<50x4096xf32>, vector<50x128xf32>, vector<4096x128xf32> -> vector<4096x128xf32>
    %get3A_6 = arith.constant 0 : index
    %get3A_7 = arith.constant 0 : index
    %get3A_8 = vector.load %arg3[%get3A_6, %get3A_7] : memref<1x128xf32, #tpu.memory_space<vmem>>, vector<1x128xf32>
    %add3A = vector.broadcast %get3A_8 : vector<1x128xf32> to vector<4096x128xf32>
    %add3A_9 = arith.addf %dot_general3A_5, %add3A : vector<4096x128xf32>
    %swap3A = arith.constant 0 : index
    %swap3A_10 = arith.constant 0 : index
    %swap3A_11 = vector.load %arg4[%swap3A, %swap3A_10] : memref<4096x128xf32, #tpu.memory_space<vmem>>, vector<4096x128xf32>
    tpu.vector_store %arg4[%swap3A, %swap3A_10], %add3A_9 {strides = array<i32>} : memref<4096x128xf32, #tpu.memory_space<vmem>>, vector<4096x128xf32>,
    return
  }
  func.func @transform_0(%arg0: i32) -> (i32, i32) {
    %c0_i32 = arith.constant 0 : i32
    %c0_i32_0 = arith.constant 0 : i32
    return %c0_i32, %arg0 : i32, i32
  }
  func.func @transform_1(%arg0: i32) -> (i32, i32) {
    %c0_i32 = arith.constant 0 : i32
    %c0_i32_0 = arith.constant 0 : i32
    %c0_i32_1 = arith.constant 0 : i32
    return %c0_i32, %c0_i32_0 : i32, i32
  }
  func.func @transform_2(%arg0: i32) -> (i32, i32) {
    %c0_i32 = arith.constant 0 : i32
    %c0_i32_0 = arith.constant 0 : i32
    %c0_i32_1 = arith.constant 0 : i32
    return %c0_i32, %c0_i32_0 : i32, i32
  }
  func.func @transform_3(%arg0: i32) -> (i32, i32) {
    %c0_i32 = arith.constant 0 : i32
    %c0_i32_0 = arith.constant 0 : i32
    return %arg0, %c0_i32 : i32, i32
  }
}

module attributes {stable_mosaic.version = 14 : i64} {
  func.func @_fin_body(%arg0: i32, %arg1: memref<16x200x128xf32, #tpu.memory_space<vmem>>, %arg2: memref<16x200xi32, #tpu.memory_space<vmem>>, %arg3: memref<200x50xf32, #tpu.memory_space<vmem>>, %arg4: memref<2x50xf32, #tpu.memory_space<vmem>>, %arg5: memref<50x128xf32, #tpu.memory_space<vmem>>, %arg6: memref<1x128xf32, #tpu.memory_space<vmem>>, %arg7: memref<1x128xf32, #tpu.memory_space<vmem>>, %arg8: memref<16x200x128xf32, #tpu.memory_space<vmem>>) attributes {dimension_semantics = [#tpu.dimension_semantics<arbitrary>], iteration_bounds = array<i64: 16>, scalar_prefetch = 0 : i64, scratch_operands = 0 : i64, tpu.core_type = #tpu.core_type<tc>, window_params = [{transform_indices = @transform_0, window_bounds = array<i64: 16, 200, 128>}, {transform_indices = @transform_1, window_bounds = array<i64: 16, 200>}, {pipeline_mode = #tpu.pipeline_mode<synchronous>, transform_indices = @transform_2, window_bounds = array<i64: 200, 50>}, {pipeline_mode = #tpu.pipeline_mode<synchronous>, transform_indices = @transform_3, window_bounds = array<i64: 2, 50>}, {pipeline_mode = #tpu.pipeline_mode<synchronous>, transform_indices = @transform_4, window_bounds = array<i64: 50, 128>}, {pipeline_mode = #tpu.pipeline_mode<synchronous>, transform_indices = @transform_5, window_bounds = array<i64: 1, 128>}, {pipeline_mode = #tpu.pipeline_mode<synchronous>, transform_indices = @transform_6, window_bounds = array<i64: 1, 128>}, {transform_indices = @transform_7, window_bounds = array<i64: 16, 200, 128>}]} {
    %get3A = arith.constant 0 : index
    %get3A_0 = arith.constant 0 : index
    %get3A_1 = vector.load %arg3[%get3A, %get3A_0] : memref<200x50xf32, #tpu.memory_space<vmem>>, vector<200x50xf32>
    %get3A_2 = arith.constant 0 : index
    %get3A_3 = arith.constant 0 : index
    %get3A_4 = vector.load %arg4[%get3A_2, %get3A_3] : memref<2x50xf32, #tpu.memory_space<vmem>>, vector<1x50xf32>
    %add3A = vector.broadcast %get3A_4 : vector<1x50xf32> to vector<200x50xf32>
    %add3A_5 = arith.addf %get3A_1, %add3A : vector<200x50xf32>
    %get3A_6 = arith.constant 0 : index
    %get3A_7 = arith.constant 0 : index
    %get3A_8 = vector.load %arg5[%get3A_6, %get3A_7] : memref<50x128xf32, #tpu.memory_space<vmem>>, vector<50x128xf32>
    %dot_general3A = arith.constant dense<0.000000e+00> : vector<200x128xf32>
    %dot_general3A_9 = tpu.matmul %add3A_5, %get3A_8, %dot_general3A {dimension_numbers = #tpu.dot_dimension_numbers<[1], [0], [0], [1], [0, 0, 1, 1], [], []>, transpose_lhs_hint = false} : vector<200x50xf32>, vector<50x128xf32>, vector<200x128xf32> -> vector<200x128xf32>
    %get3A_10 = arith.constant 1 : index
    %get3A_11 = arith.constant 0 : index
    %get3A_12 = vector.load %arg4[%get3A_10, %get3A_11] : memref<2x50xf32, #tpu.memory_space<vmem>>, vector<1x50xf32>
    %get3A_13 = arith.constant 0 : index
    %get3A_14 = arith.constant 0 : index
    %get3A_15 = vector.load %arg4[%get3A_13, %get3A_14] : memref<2x50xf32, #tpu.memory_space<vmem>>, vector<1x50xf32>
    %sub3A = arith.subf %get3A_12, %get3A_15 : vector<1x50xf32>
    %get3A_16 = arith.constant 0 : index
    %get3A_17 = arith.constant 0 : index
    %get3A_18 = vector.load %arg5[%get3A_16, %get3A_17] : memref<50x128xf32, #tpu.memory_space<vmem>>, vector<50x128xf32>
    %dot_general3A_19 = arith.constant dense<0.000000e+00> : vector<1x128xf32>
    %dot_general3A_20 = tpu.matmul %sub3A, %get3A_18, %dot_general3A_19 {dimension_numbers = #tpu.dot_dimension_numbers<[1], [0], [0], [1], [0, 0, 1, 1], [], []>, transpose_lhs_hint = false} : vector<1x50xf32>, vector<50x128xf32>, vector<1x128xf32> -> vector<1x128xf32>
    %get3A_21 = arith.constant 0 : index
    %get3A_22 = arith.constant 0 : index
    %get3A_23 = vector.load %arg2[%get3A_21, %get3A_22] : memref<16x200xi32, #tpu.memory_space<vmem>>, vector<16x200xi32>
    %convert_element_type3A = arith.sitofp %get3A_23 : vector<16x200xi32> to vector<16x200xf32>
    %get3A_24 = arith.constant 0 : index
    %get3A_25 = arith.constant 0 : index
    %get3A_26 = arith.constant 0 : index
    %get3A_27 = vector.load %arg1[%get3A_24, %get3A_25, %get3A_26] : memref<16x200x128xf32, #tpu.memory_space<vmem>>, vector<16x200x128xf32>
    %broadcast_in_dim3A = vector.shape_cast %dot_general3A_9 : vector<200x128xf32> to vector<1x200x128xf32>
    %add3A_28 = vector.broadcast %broadcast_in_dim3A : vector<1x200x128xf32> to vector<16x200x128xf32>
    %add3A_29 = arith.addf %get3A_27, %add3A_28 : vector<16x200x128xf32>
    %broadcast_in_dim3A_30 = vector.shape_cast %convert_element_type3A : vector<16x200xf32> to vector<16x200x1xf32>
    %broadcast_in_dim3A_31 = vector.shape_cast %dot_general3A_20 : vector<1x128xf32> to vector<1x1x128xf32>
    %mul3A = vector.broadcast %broadcast_in_dim3A_30 : vector<16x200x1xf32> to vector<16x200x128xf32>
    %mul3A_32 = vector.broadcast %broadcast_in_dim3A_31 : vector<1x1x128xf32> to vector<16x200x128xf32>
    %mul3A_33 = arith.mulf %mul3A, %mul3A_32 : vector<16x200x128xf32>
    %add3A_34 = arith.addf %add3A_29, %mul3A_33 : vector<16x200x128xf32>
    %reduce_sum3A = arith.constant dense<0.000000e+00> : vector<16x200xf32>
    %reduce_sum3A_35 = vector.multi_reduction <add>, %add3A_34, %reduce_sum3A [2] : vector<16x200x128xf32> to vector<16x200xf32>
    %broadcast_in_dim3A_36 = vector.shape_cast %reduce_sum3A_35 : vector<16x200xf32> to vector<16x200x1xf32>
    %div3A = arith.constant 1.280000e+02 : f32
    %div3A_37 = vector.broadcast %div3A : f32 to vector<16x200x1xf32>
    %div3A_38 = arith.divf %broadcast_in_dim3A_36, %div3A_37 : vector<16x200x1xf32>
    %sub3A_39 = vector.broadcast %div3A_38 : vector<16x200x1xf32> to vector<16x200x128xf32>
    %sub3A_40 = arith.subf %add3A_34, %sub3A_39 : vector<16x200x128xf32>
    %mul3A_41 = arith.mulf %sub3A_40, %sub3A_40 : vector<16x200x128xf32>
    %reduce_sum3A_42 = arith.constant dense<0.000000e+00> : vector<16x200xf32>
    %reduce_sum3A_43 = vector.multi_reduction <add>, %mul3A_41, %reduce_sum3A_42 [2] : vector<16x200x128xf32> to vector<16x200xf32>
    %broadcast_in_dim3A_44 = vector.shape_cast %reduce_sum3A_43 : vector<16x200xf32> to vector<16x200x1xf32>
    %div3A_45 = arith.constant 1.280000e+02 : f32
    %div3A_46 = vector.broadcast %div3A_45 : f32 to vector<16x200x1xf32>
    %div3A_47 = arith.divf %broadcast_in_dim3A_44, %div3A_46 : vector<16x200x1xf32>
    %add3A_48 = arith.constant 9.99999974E-6 : f32
    %add3A_49 = vector.broadcast %add3A_48 : f32 to vector<16x200x1xf32>
    %add3A_50 = arith.addf %div3A_47, %add3A_49 : vector<16x200x1xf32>
    %rsqrt3A = math.rsqrt %add3A_50 : vector<16x200x1xf32>
    %mul3A_51 = vector.broadcast %rsqrt3A : vector<16x200x1xf32> to vector<16x200x128xf32>
    %mul3A_52 = arith.mulf %sub3A_40, %mul3A_51 : vector<16x200x128xf32>
    %get3A_53 = arith.constant 0 : index
    %get3A_54 = arith.constant 0 : index
    %get3A_55 = vector.load %arg6[%get3A_53, %get3A_54] : memref<1x128xf32, #tpu.memory_space<vmem>>, vector<1x128xf32>
    %broadcast_in_dim3A_56 = vector.shape_cast %get3A_55 : vector<1x128xf32> to vector<1x1x128xf32>
    %mul3A_57 = vector.broadcast %broadcast_in_dim3A_56 : vector<1x1x128xf32> to vector<16x200x128xf32>
    %mul3A_58 = arith.mulf %mul3A_52, %mul3A_57 : vector<16x200x128xf32>
    %get3A_59 = arith.constant 0 : index
    %get3A_60 = arith.constant 0 : index
    %get3A_61 = vector.load %arg7[%get3A_59, %get3A_60] : memref<1x128xf32, #tpu.memory_space<vmem>>, vector<1x128xf32>
    %broadcast_in_dim3A_62 = vector.shape_cast %get3A_61 : vector<1x128xf32> to vector<1x1x128xf32>
    %add3A_63 = vector.broadcast %broadcast_in_dim3A_62 : vector<1x1x128xf32> to vector<16x200x128xf32>
    %add3A_64 = arith.addf %mul3A_58, %add3A_63 : vector<16x200x128xf32>
    %swap3A = arith.constant 0 : index
    %swap3A_65 = arith.constant 0 : index
    %swap3A_66 = arith.constant 0 : index
    %swap3A_67 = vector.load %arg8[%swap3A, %swap3A_65, %swap3A_66] : memref<16x200x128xf32, #tpu.memory_space<vmem>>, vector<16x200x128xf32>
    tpu.vector_store %arg8[%swap3A, %swap3A_65, %swap3A_66], %add3A_64 {strides = array<i32>} : memref<16x200x128xf32, #tpu.memory_space<vmem>>, vector<16x200x128xf32>,
    return
  }
  func.func @transform_0(%arg0: i32) -> (i32, i32, i32) {
    %c0_i32 = arith.constant 0 : i32
    %c0_i32_0 = arith.constant 0 : i32
    %c0_i32_1 = arith.constant 0 : i32
    return %arg0, %c0_i32, %c0_i32_0 : i32, i32, i32
  }
  func.func @transform_1(%arg0: i32) -> (i32, i32) {
    %add3A = arith.constant 0 : i32
    %add3A_0 = arith.addi %arg0, %add3A : i32
    %c0_i32 = arith.constant 0 : i32
    %c0_i32_1 = arith.constant 0 : i32
    return %add3A_0, %c0_i32 : i32, i32
  }
  func.func @transform_2(%arg0: i32) -> (i32, i32) {
    %c0_i32 = arith.constant 0 : i32
    %c0_i32_0 = arith.constant 0 : i32
    %c0_i32_1 = arith.constant 0 : i32
    return %c0_i32, %c0_i32_0 : i32, i32
  }
  func.func @transform_3(%arg0: i32) -> (i32, i32) {
    %c0_i32 = arith.constant 0 : i32
    %c0_i32_0 = arith.constant 0 : i32
    %c0_i32_1 = arith.constant 0 : i32
    return %c0_i32, %c0_i32_0 : i32, i32
  }
  func.func @transform_4(%arg0: i32) -> (i32, i32) {
    %c0_i32 = arith.constant 0 : i32
    %c0_i32_0 = arith.constant 0 : i32
    %c0_i32_1 = arith.constant 0 : i32
    return %c0_i32, %c0_i32_0 : i32, i32
  }
  func.func @transform_5(%arg0: i32) -> (i32, i32) {
    %c0_i32 = arith.constant 0 : i32
    %c0_i32_0 = arith.constant 0 : i32
    %c0_i32_1 = arith.constant 0 : i32
    return %c0_i32, %c0_i32_0 : i32, i32
  }
  func.func @transform_6(%arg0: i32) -> (i32, i32) {
    %c0_i32 = arith.constant 0 : i32
    %c0_i32_0 = arith.constant 0 : i32
    %c0_i32_1 = arith.constant 0 : i32
    return %c0_i32, %c0_i32_0 : i32, i32
  }
  func.func @transform_7(%arg0: i32) -> (i32, i32, i32) {
    %add3A = arith.constant 0 : i32
    %add3A_0 = arith.addi %arg0, %add3A : i32
    %c0_i32 = arith.constant 0 : i32
    %c0_i32_1 = arith.constant 0 : i32
    %c0_i32_2 = arith.constant 0 : i32
    return %add3A_0, %c0_i32, %c0_i32_1 : i32, i32, i32
  }
}

module attributes {stable_mosaic.version = 14 : i64} {
  func.func @_fin_body_alias(%arg0: i32, %arg1: memref<16x200x128xf32, #tpu.memory_space<vmem>>, %arg2: memref<16x200xi32, #tpu.memory_space<vmem>>, %arg3: memref<200x50xf32, #tpu.memory_space<vmem>>, %arg4: memref<2x50xf32, #tpu.memory_space<vmem>>, %arg5: memref<50x128xf32, #tpu.memory_space<vmem>>, %arg6: memref<1x128xf32, #tpu.memory_space<vmem>>, %arg7: memref<1x128xf32, #tpu.memory_space<vmem>>, %arg8: memref<1024x200x128xf32, #tpu.memory_space<any>>, %arg9: memref<16x200x128xf32, #tpu.memory_space<vmem>>) attributes {dimension_semantics = [#tpu.dimension_semantics<arbitrary>], iteration_bounds = array<i64: 16>, scalar_prefetch = 0 : i64, scratch_operands = 0 : i64, tpu.core_type = #tpu.core_type<tc>, window_params = [{transform_indices = @transform_0, window_bounds = array<i64: 16, 200, 128>}, {transform_indices = @transform_1, window_bounds = array<i64: 16, 200>}, {pipeline_mode = #tpu.pipeline_mode<synchronous>, transform_indices = @transform_2, window_bounds = array<i64: 200, 50>}, {pipeline_mode = #tpu.pipeline_mode<synchronous>, transform_indices = @transform_3, window_bounds = array<i64: 2, 50>}, {pipeline_mode = #tpu.pipeline_mode<synchronous>, transform_indices = @transform_4, window_bounds = array<i64: 50, 128>}, {pipeline_mode = #tpu.pipeline_mode<synchronous>, transform_indices = @transform_5, window_bounds = array<i64: 1, 128>}, {pipeline_mode = #tpu.pipeline_mode<synchronous>, transform_indices = @transform_6, window_bounds = array<i64: 1, 128>}, {}, {transform_indices = @transform_8, window_bounds = array<i64: 16, 200, 128>}]} {
    %get3A = arith.constant 0 : index
    %get3A_0 = arith.constant 0 : index
    %get3A_1 = vector.load %arg3[%get3A, %get3A_0] : memref<200x50xf32, #tpu.memory_space<vmem>>, vector<200x50xf32>
    %get3A_2 = arith.constant 0 : index
    %get3A_3 = arith.constant 0 : index
    %get3A_4 = vector.load %arg4[%get3A_2, %get3A_3] : memref<2x50xf32, #tpu.memory_space<vmem>>, vector<1x50xf32>
    %add3A = vector.broadcast %get3A_4 : vector<1x50xf32> to vector<200x50xf32>
    %add3A_5 = arith.addf %get3A_1, %add3A : vector<200x50xf32>
    %get3A_6 = arith.constant 0 : index
    %get3A_7 = arith.constant 0 : index
    %get3A_8 = vector.load %arg5[%get3A_6, %get3A_7] : memref<50x128xf32, #tpu.memory_space<vmem>>, vector<50x128xf32>
    %dot_general3A = arith.constant dense<0.000000e+00> : vector<200x128xf32>
    %dot_general3A_9 = tpu.matmul %add3A_5, %get3A_8, %dot_general3A {dimension_numbers = #tpu.dot_dimension_numbers<[1], [0], [0], [1], [0, 0, 1, 1], [], []>, transpose_lhs_hint = false} : vector<200x50xf32>, vector<50x128xf32>, vector<200x128xf32> -> vector<200x128xf32>
    %get3A_10 = arith.constant 1 : index
    %get3A_11 = arith.constant 0 : index
    %get3A_12 = vector.load %arg4[%get3A_10, %get3A_11] : memref<2x50xf32, #tpu.memory_space<vmem>>, vector<1x50xf32>
    %get3A_13 = arith.constant 0 : index
    %get3A_14 = arith.constant 0 : index
    %get3A_15 = vector.load %arg4[%get3A_13, %get3A_14] : memref<2x50xf32, #tpu.memory_space<vmem>>, vector<1x50xf32>
    %sub3A = arith.subf %get3A_12, %get3A_15 : vector<1x50xf32>
    %get3A_16 = arith.constant 0 : index
    %get3A_17 = arith.constant 0 : index
    %get3A_18 = vector.load %arg5[%get3A_16, %get3A_17] : memref<50x128xf32, #tpu.memory_space<vmem>>, vector<50x128xf32>
    %dot_general3A_19 = arith.constant dense<0.000000e+00> : vector<1x128xf32>
    %dot_general3A_20 = tpu.matmul %sub3A, %get3A_18, %dot_general3A_19 {dimension_numbers = #tpu.dot_dimension_numbers<[1], [0], [0], [1], [0, 0, 1, 1], [], []>, transpose_lhs_hint = false} : vector<1x50xf32>, vector<50x128xf32>, vector<1x128xf32> -> vector<1x128xf32>
    %get3A_21 = arith.constant 0 : index
    %get3A_22 = arith.constant 0 : index
    %get3A_23 = vector.load %arg2[%get3A_21, %get3A_22] : memref<16x200xi32, #tpu.memory_space<vmem>>, vector<16x200xi32>
    %convert_element_type3A = arith.sitofp %get3A_23 : vector<16x200xi32> to vector<16x200xf32>
    %get3A_24 = arith.constant 0 : index
    %get3A_25 = arith.constant 0 : index
    %get3A_26 = arith.constant 0 : index
    %get3A_27 = vector.load %arg1[%get3A_24, %get3A_25, %get3A_26] : memref<16x200x128xf32, #tpu.memory_space<vmem>>, vector<16x200x128xf32>
    %broadcast_in_dim3A = vector.shape_cast %dot_general3A_9 : vector<200x128xf32> to vector<1x200x128xf32>
    %add3A_28 = vector.broadcast %broadcast_in_dim3A : vector<1x200x128xf32> to vector<16x200x128xf32>
    %add3A_29 = arith.addf %get3A_27, %add3A_28 : vector<16x200x128xf32>
    %broadcast_in_dim3A_30 = vector.shape_cast %convert_element_type3A : vector<16x200xf32> to vector<16x200x1xf32>
    %broadcast_in_dim3A_31 = vector.shape_cast %dot_general3A_20 : vector<1x128xf32> to vector<1x1x128xf32>
    %mul3A = vector.broadcast %broadcast_in_dim3A_30 : vector<16x200x1xf32> to vector<16x200x128xf32>
    %mul3A_32 = vector.broadcast %broadcast_in_dim3A_31 : vector<1x1x128xf32> to vector<16x200x128xf32>
    %mul3A_33 = arith.mulf %mul3A, %mul3A_32 : vector<16x200x128xf32>
    %add3A_34 = arith.addf %add3A_29, %mul3A_33 : vector<16x200x128xf32>
    %reduce_sum3A = arith.constant dense<0.000000e+00> : vector<16x200xf32>
    %reduce_sum3A_35 = vector.multi_reduction <add>, %add3A_34, %reduce_sum3A [2] : vector<16x200x128xf32> to vector<16x200xf32>
    %broadcast_in_dim3A_36 = vector.shape_cast %reduce_sum3A_35 : vector<16x200xf32> to vector<16x200x1xf32>
    %div3A = arith.constant 1.280000e+02 : f32
    %div3A_37 = vector.broadcast %div3A : f32 to vector<16x200x1xf32>
    %div3A_38 = arith.divf %broadcast_in_dim3A_36, %div3A_37 : vector<16x200x1xf32>
    %sub3A_39 = vector.broadcast %div3A_38 : vector<16x200x1xf32> to vector<16x200x128xf32>
    %sub3A_40 = arith.subf %add3A_34, %sub3A_39 : vector<16x200x128xf32>
    %mul3A_41 = arith.mulf %sub3A_40, %sub3A_40 : vector<16x200x128xf32>
    %reduce_sum3A_42 = arith.constant dense<0.000000e+00> : vector<16x200xf32>
    %reduce_sum3A_43 = vector.multi_reduction <add>, %mul3A_41, %reduce_sum3A_42 [2] : vector<16x200x128xf32> to vector<16x200xf32>
    %broadcast_in_dim3A_44 = vector.shape_cast %reduce_sum3A_43 : vector<16x200xf32> to vector<16x200x1xf32>
    %div3A_45 = arith.constant 1.280000e+02 : f32
    %div3A_46 = vector.broadcast %div3A_45 : f32 to vector<16x200x1xf32>
    %div3A_47 = arith.divf %broadcast_in_dim3A_44, %div3A_46 : vector<16x200x1xf32>
    %add3A_48 = arith.constant 9.99999974E-6 : f32
    %add3A_49 = vector.broadcast %add3A_48 : f32 to vector<16x200x1xf32>
    %add3A_50 = arith.addf %div3A_47, %add3A_49 : vector<16x200x1xf32>
    %rsqrt3A = math.rsqrt %add3A_50 : vector<16x200x1xf32>
    %mul3A_51 = vector.broadcast %rsqrt3A : vector<16x200x1xf32> to vector<16x200x128xf32>
    %mul3A_52 = arith.mulf %sub3A_40, %mul3A_51 : vector<16x200x128xf32>
    %get3A_53 = arith.constant 0 : index
    %get3A_54 = arith.constant 0 : index
    %get3A_55 = vector.load %arg6[%get3A_53, %get3A_54] : memref<1x128xf32, #tpu.memory_space<vmem>>, vector<1x128xf32>
    %broadcast_in_dim3A_56 = vector.shape_cast %get3A_55 : vector<1x128xf32> to vector<1x1x128xf32>
    %mul3A_57 = vector.broadcast %broadcast_in_dim3A_56 : vector<1x1x128xf32> to vector<16x200x128xf32>
    %mul3A_58 = arith.mulf %mul3A_52, %mul3A_57 : vector<16x200x128xf32>
    %get3A_59 = arith.constant 0 : index
    %get3A_60 = arith.constant 0 : index
    %get3A_61 = vector.load %arg7[%get3A_59, %get3A_60] : memref<1x128xf32, #tpu.memory_space<vmem>>, vector<1x128xf32>
    %broadcast_in_dim3A_62 = vector.shape_cast %get3A_61 : vector<1x128xf32> to vector<1x1x128xf32>
    %add3A_63 = vector.broadcast %broadcast_in_dim3A_62 : vector<1x1x128xf32> to vector<16x200x128xf32>
    %add3A_64 = arith.addf %mul3A_58, %add3A_63 : vector<16x200x128xf32>
    %swap3A = arith.constant 0 : index
    %swap3A_65 = arith.constant 0 : index
    %swap3A_66 = arith.constant 0 : index
    %swap3A_67 = vector.load %arg9[%swap3A, %swap3A_65, %swap3A_66] : memref<16x200x128xf32, #tpu.memory_space<vmem>>, vector<16x200x128xf32>
    tpu.vector_store %arg9[%swap3A, %swap3A_65, %swap3A_66], %add3A_64 {strides = array<i32>} : memref<16x200x128xf32, #tpu.memory_space<vmem>>, vector<16x200x128xf32>,
    return
  }
  func.func @transform_0(%arg0: i32) -> (i32, i32, i32) {
    %c0_i32 = arith.constant 0 : i32
    %c0_i32_0 = arith.constant 0 : i32
    %c0_i32_1 = arith.constant 0 : i32
    return %arg0, %c0_i32, %c0_i32_0 : i32, i32, i32
  }
  func.func @transform_1(%arg0: i32) -> (i32, i32) {
    %add3A = arith.constant 16 : i32
    %add3A_0 = arith.addi %arg0, %add3A : i32
    %c0_i32 = arith.constant 0 : i32
    %c0_i32_1 = arith.constant 0 : i32
    return %add3A_0, %c0_i32 : i32, i32
  }
  func.func @transform_2(%arg0: i32) -> (i32, i32) {
    %c0_i32 = arith.constant 0 : i32
    %c0_i32_0 = arith.constant 0 : i32
    %c0_i32_1 = arith.constant 0 : i32
    return %c0_i32, %c0_i32_0 : i32, i32
  }
  func.func @transform_3(%arg0: i32) -> (i32, i32) {
    %c0_i32 = arith.constant 0 : i32
    %c0_i32_0 = arith.constant 0 : i32
    %c0_i32_1 = arith.constant 0 : i32
    return %c0_i32, %c0_i32_0 : i32, i32
  }
  func.func @transform_4(%arg0: i32) -> (i32, i32) {
    %c0_i32 = arith.constant 0 : i32
    %c0_i32_0 = arith.constant 0 : i32
    %c0_i32_1 = arith.constant 0 : i32
    return %c0_i32, %c0_i32_0 : i32, i32
  }
  func.func @transform_5(%arg0: i32) -> (i32, i32) {
    %c0_i32 = arith.constant 0 : i32
    %c0_i32_0 = arith.constant 0 : i32
    %c0_i32_1 = arith.constant 0 : i32
    return %c0_i32, %c0_i32_0 : i32, i32
  }
  func.func @transform_6(%arg0: i32) -> (i32, i32) {
    %c0_i32 = arith.constant 0 : i32
    %c0_i32_0 = arith.constant 0 : i32
    %c0_i32_1 = arith.constant 0 : i32
    return %c0_i32, %c0_i32_0 : i32, i32
  }
  func.func @transform_8(%arg0: i32) -> (i32, i32, i32) {
    %add3A = arith.constant 16 : i32
    %add3A_0 = arith.addi %arg0, %add3A : i32
    %c0_i32 = arith.constant 0 : i32
    %c0_i32_1 = arith.constant 0 : i32
    %c0_i32_2 = arith.constant 0 : i32
    return %add3A_0, %c0_i32, %c0_i32_1 : i32, i32, i32
  }
}

module attributes {stable_mosaic.version = 14 : i64} {
  func.func @_fin_body_alias(%arg0: i32, %arg1: memref<16x200x128xf32, #tpu.memory_space<vmem>>, %arg2: memref<16x200xi32, #tpu.memory_space<vmem>>, %arg3: memref<200x50xf32, #tpu.memory_space<vmem>>, %arg4: memref<2x50xf32, #tpu.memory_space<vmem>>, %arg5: memref<50x128xf32, #tpu.memory_space<vmem>>, %arg6: memref<1x128xf32, #tpu.memory_space<vmem>>, %arg7: memref<1x128xf32, #tpu.memory_space<vmem>>, %arg8: memref<1024x200x128xf32, #tpu.memory_space<any>>, %arg9: memref<16x200x128xf32, #tpu.memory_space<vmem>>) attributes {dimension_semantics = [#tpu.dimension_semantics<arbitrary>], iteration_bounds = array<i64: 16>, scalar_prefetch = 0 : i64, scratch_operands = 0 : i64, tpu.core_type = #tpu.core_type<tc>, window_params = [{transform_indices = @transform_0, window_bounds = array<i64: 16, 200, 128>}, {transform_indices = @transform_1, window_bounds = array<i64: 16, 200>}, {pipeline_mode = #tpu.pipeline_mode<synchronous>, transform_indices = @transform_2, window_bounds = array<i64: 200, 50>}, {pipeline_mode = #tpu.pipeline_mode<synchronous>, transform_indices = @transform_3, window_bounds = array<i64: 2, 50>}, {pipeline_mode = #tpu.pipeline_mode<synchronous>, transform_indices = @transform_4, window_bounds = array<i64: 50, 128>}, {pipeline_mode = #tpu.pipeline_mode<synchronous>, transform_indices = @transform_5, window_bounds = array<i64: 1, 128>}, {pipeline_mode = #tpu.pipeline_mode<synchronous>, transform_indices = @transform_6, window_bounds = array<i64: 1, 128>}, {}, {transform_indices = @transform_8, window_bounds = array<i64: 16, 200, 128>}]} {
    %get3A = arith.constant 0 : index
    %get3A_0 = arith.constant 0 : index
    %get3A_1 = vector.load %arg3[%get3A, %get3A_0] : memref<200x50xf32, #tpu.memory_space<vmem>>, vector<200x50xf32>
    %get3A_2 = arith.constant 0 : index
    %get3A_3 = arith.constant 0 : index
    %get3A_4 = vector.load %arg4[%get3A_2, %get3A_3] : memref<2x50xf32, #tpu.memory_space<vmem>>, vector<1x50xf32>
    %add3A = vector.broadcast %get3A_4 : vector<1x50xf32> to vector<200x50xf32>
    %add3A_5 = arith.addf %get3A_1, %add3A : vector<200x50xf32>
    %get3A_6 = arith.constant 0 : index
    %get3A_7 = arith.constant 0 : index
    %get3A_8 = vector.load %arg5[%get3A_6, %get3A_7] : memref<50x128xf32, #tpu.memory_space<vmem>>, vector<50x128xf32>
    %dot_general3A = arith.constant dense<0.000000e+00> : vector<200x128xf32>
    %dot_general3A_9 = tpu.matmul %add3A_5, %get3A_8, %dot_general3A {dimension_numbers = #tpu.dot_dimension_numbers<[1], [0], [0], [1], [0, 0, 1, 1], [], []>, transpose_lhs_hint = false} : vector<200x50xf32>, vector<50x128xf32>, vector<200x128xf32> -> vector<200x128xf32>
    %get3A_10 = arith.constant 1 : index
    %get3A_11 = arith.constant 0 : index
    %get3A_12 = vector.load %arg4[%get3A_10, %get3A_11] : memref<2x50xf32, #tpu.memory_space<vmem>>, vector<1x50xf32>
    %get3A_13 = arith.constant 0 : index
    %get3A_14 = arith.constant 0 : index
    %get3A_15 = vector.load %arg4[%get3A_13, %get3A_14] : memref<2x50xf32, #tpu.memory_space<vmem>>, vector<1x50xf32>
    %sub3A = arith.subf %get3A_12, %get3A_15 : vector<1x50xf32>
    %get3A_16 = arith.constant 0 : index
    %get3A_17 = arith.constant 0 : index
    %get3A_18 = vector.load %arg5[%get3A_16, %get3A_17] : memref<50x128xf32, #tpu.memory_space<vmem>>, vector<50x128xf32>
    %dot_general3A_19 = arith.constant dense<0.000000e+00> : vector<1x128xf32>
    %dot_general3A_20 = tpu.matmul %sub3A, %get3A_18, %dot_general3A_19 {dimension_numbers = #tpu.dot_dimension_numbers<[1], [0], [0], [1], [0, 0, 1, 1], [], []>, transpose_lhs_hint = false} : vector<1x50xf32>, vector<50x128xf32>, vector<1x128xf32> -> vector<1x128xf32>
    %get3A_21 = arith.constant 0 : index
    %get3A_22 = arith.constant 0 : index
    %get3A_23 = vector.load %arg2[%get3A_21, %get3A_22] : memref<16x200xi32, #tpu.memory_space<vmem>>, vector<16x200xi32>
    %convert_element_type3A = arith.sitofp %get3A_23 : vector<16x200xi32> to vector<16x200xf32>
    %get3A_24 = arith.constant 0 : index
    %get3A_25 = arith.constant 0 : index
    %get3A_26 = arith.constant 0 : index
    %get3A_27 = vector.load %arg1[%get3A_24, %get3A_25, %get3A_26] : memref<16x200x128xf32, #tpu.memory_space<vmem>>, vector<16x200x128xf32>
    %broadcast_in_dim3A = vector.shape_cast %dot_general3A_9 : vector<200x128xf32> to vector<1x200x128xf32>
    %add3A_28 = vector.broadcast %broadcast_in_dim3A : vector<1x200x128xf32> to vector<16x200x128xf32>
    %add3A_29 = arith.addf %get3A_27, %add3A_28 : vector<16x200x128xf32>
    %broadcast_in_dim3A_30 = vector.shape_cast %convert_element_type3A : vector<16x200xf32> to vector<16x200x1xf32>
    %broadcast_in_dim3A_31 = vector.shape_cast %dot_general3A_20 : vector<1x128xf32> to vector<1x1x128xf32>
    %mul3A = vector.broadcast %broadcast_in_dim3A_30 : vector<16x200x1xf32> to vector<16x200x128xf32>
    %mul3A_32 = vector.broadcast %broadcast_in_dim3A_31 : vector<1x1x128xf32> to vector<16x200x128xf32>
    %mul3A_33 = arith.mulf %mul3A, %mul3A_32 : vector<16x200x128xf32>
    %add3A_34 = arith.addf %add3A_29, %mul3A_33 : vector<16x200x128xf32>
    %reduce_sum3A = arith.constant dense<0.000000e+00> : vector<16x200xf32>
    %reduce_sum3A_35 = vector.multi_reduction <add>, %add3A_34, %reduce_sum3A [2] : vector<16x200x128xf32> to vector<16x200xf32>
    %broadcast_in_dim3A_36 = vector.shape_cast %reduce_sum3A_35 : vector<16x200xf32> to vector<16x200x1xf32>
    %div3A = arith.constant 1.280000e+02 : f32
    %div3A_37 = vector.broadcast %div3A : f32 to vector<16x200x1xf32>
    %div3A_38 = arith.divf %broadcast_in_dim3A_36, %div3A_37 : vector<16x200x1xf32>
    %sub3A_39 = vector.broadcast %div3A_38 : vector<16x200x1xf32> to vector<16x200x128xf32>
    %sub3A_40 = arith.subf %add3A_34, %sub3A_39 : vector<16x200x128xf32>
    %mul3A_41 = arith.mulf %sub3A_40, %sub3A_40 : vector<16x200x128xf32>
    %reduce_sum3A_42 = arith.constant dense<0.000000e+00> : vector<16x200xf32>
    %reduce_sum3A_43 = vector.multi_reduction <add>, %mul3A_41, %reduce_sum3A_42 [2] : vector<16x200x128xf32> to vector<16x200xf32>
    %broadcast_in_dim3A_44 = vector.shape_cast %reduce_sum3A_43 : vector<16x200xf32> to vector<16x200x1xf32>
    %div3A_45 = arith.constant 1.280000e+02 : f32
    %div3A_46 = vector.broadcast %div3A_45 : f32 to vector<16x200x1xf32>
    %div3A_47 = arith.divf %broadcast_in_dim3A_44, %div3A_46 : vector<16x200x1xf32>
    %add3A_48 = arith.constant 9.99999974E-6 : f32
    %add3A_49 = vector.broadcast %add3A_48 : f32 to vector<16x200x1xf32>
    %add3A_50 = arith.addf %div3A_47, %add3A_49 : vector<16x200x1xf32>
    %rsqrt3A = math.rsqrt %add3A_50 : vector<16x200x1xf32>
    %mul3A_51 = vector.broadcast %rsqrt3A : vector<16x200x1xf32> to vector<16x200x128xf32>
    %mul3A_52 = arith.mulf %sub3A_40, %mul3A_51 : vector<16x200x128xf32>
    %get3A_53 = arith.constant 0 : index
    %get3A_54 = arith.constant 0 : index
    %get3A_55 = vector.load %arg6[%get3A_53, %get3A_54] : memref<1x128xf32, #tpu.memory_space<vmem>>, vector<1x128xf32>
    %broadcast_in_dim3A_56 = vector.shape_cast %get3A_55 : vector<1x128xf32> to vector<1x1x128xf32>
    %mul3A_57 = vector.broadcast %broadcast_in_dim3A_56 : vector<1x1x128xf32> to vector<16x200x128xf32>
    %mul3A_58 = arith.mulf %mul3A_52, %mul3A_57 : vector<16x200x128xf32>
    %get3A_59 = arith.constant 0 : index
    %get3A_60 = arith.constant 0 : index
    %get3A_61 = vector.load %arg7[%get3A_59, %get3A_60] : memref<1x128xf32, #tpu.memory_space<vmem>>, vector<1x128xf32>
    %broadcast_in_dim3A_62 = vector.shape_cast %get3A_61 : vector<1x128xf32> to vector<1x1x128xf32>
    %add3A_63 = vector.broadcast %broadcast_in_dim3A_62 : vector<1x1x128xf32> to vector<16x200x128xf32>
    %add3A_64 = arith.addf %mul3A_58, %add3A_63 : vector<16x200x128xf32>
    %swap3A = arith.constant 0 : index
    %swap3A_65 = arith.constant 0 : index
    %swap3A_66 = arith.constant 0 : index
    %swap3A_67 = vector.load %arg9[%swap3A, %swap3A_65, %swap3A_66] : memref<16x200x128xf32, #tpu.memory_space<vmem>>, vector<16x200x128xf32>
    tpu.vector_store %arg9[%swap3A, %swap3A_65, %swap3A_66], %add3A_64 {strides = array<i32>} : memref<16x200x128xf32, #tpu.memory_space<vmem>>, vector<16x200x128xf32>,
    return
  }
  func.func @transform_0(%arg0: i32) -> (i32, i32, i32) {
    %c0_i32 = arith.constant 0 : i32
    %c0_i32_0 = arith.constant 0 : i32
    %c0_i32_1 = arith.constant 0 : i32
    return %arg0, %c0_i32, %c0_i32_0 : i32, i32, i32
  }
  func.func @transform_1(%arg0: i32) -> (i32, i32) {
    %add3A = arith.constant 32 : i32
    %add3A_0 = arith.addi %arg0, %add3A : i32
    %c0_i32 = arith.constant 0 : i32
    %c0_i32_1 = arith.constant 0 : i32
    return %add3A_0, %c0_i32 : i32, i32
  }
  func.func @transform_2(%arg0: i32) -> (i32, i32) {
    %c0_i32 = arith.constant 0 : i32
    %c0_i32_0 = arith.constant 0 : i32
    %c0_i32_1 = arith.constant 0 : i32
    return %c0_i32, %c0_i32_0 : i32, i32
  }
  func.func @transform_3(%arg0: i32) -> (i32, i32) {
    %c0_i32 = arith.constant 0 : i32
    %c0_i32_0 = arith.constant 0 : i32
    %c0_i32_1 = arith.constant 0 : i32
    return %c0_i32, %c0_i32_0 : i32, i32
  }
  func.func @transform_4(%arg0: i32) -> (i32, i32) {
    %c0_i32 = arith.constant 0 : i32
    %c0_i32_0 = arith.constant 0 : i32
    %c0_i32_1 = arith.constant 0 : i32
    return %c0_i32, %c0_i32_0 : i32, i32
  }
  func.func @transform_5(%arg0: i32) -> (i32, i32) {
    %c0_i32 = arith.constant 0 : i32
    %c0_i32_0 = arith.constant 0 : i32
    %c0_i32_1 = arith.constant 0 : i32
    return %c0_i32, %c0_i32_0 : i32, i32
  }
  func.func @transform_6(%arg0: i32) -> (i32, i32) {
    %c0_i32 = arith.constant 0 : i32
    %c0_i32_0 = arith.constant 0 : i32
    %c0_i32_1 = arith.constant 0 : i32
    return %c0_i32, %c0_i32_0 : i32, i32
  }
  func.func @transform_8(%arg0: i32) -> (i32, i32, i32) {
    %add3A = arith.constant 32 : i32
    %add3A_0 = arith.addi %arg0, %add3A : i32
    %c0_i32 = arith.constant 0 : i32
    %c0_i32_1 = arith.constant 0 : i32
    %c0_i32_2 = arith.constant 0 : i32
    return %add3A_0, %c0_i32, %c0_i32_1 : i32, i32, i32
  }
}

module attributes {stable_mosaic.version = 14 : i64} {
  func.func @_fin_body_alias(%arg0: i32, %arg1: memref<16x200x128xf32, #tpu.memory_space<vmem>>, %arg2: memref<16x200xi32, #tpu.memory_space<vmem>>, %arg3: memref<200x50xf32, #tpu.memory_space<vmem>>, %arg4: memref<2x50xf32, #tpu.memory_space<vmem>>, %arg5: memref<50x128xf32, #tpu.memory_space<vmem>>, %arg6: memref<1x128xf32, #tpu.memory_space<vmem>>, %arg7: memref<1x128xf32, #tpu.memory_space<vmem>>, %arg8: memref<1024x200x128xf32, #tpu.memory_space<any>>, %arg9: memref<16x200x128xf32, #tpu.memory_space<vmem>>) attributes {dimension_semantics = [#tpu.dimension_semantics<arbitrary>], iteration_bounds = array<i64: 16>, scalar_prefetch = 0 : i64, scratch_operands = 0 : i64, tpu.core_type = #tpu.core_type<tc>, window_params = [{transform_indices = @transform_0, window_bounds = array<i64: 16, 200, 128>}, {transform_indices = @transform_1, window_bounds = array<i64: 16, 200>}, {pipeline_mode = #tpu.pipeline_mode<synchronous>, transform_indices = @transform_2, window_bounds = array<i64: 200, 50>}, {pipeline_mode = #tpu.pipeline_mode<synchronous>, transform_indices = @transform_3, window_bounds = array<i64: 2, 50>}, {pipeline_mode = #tpu.pipeline_mode<synchronous>, transform_indices = @transform_4, window_bounds = array<i64: 50, 128>}, {pipeline_mode = #tpu.pipeline_mode<synchronous>, transform_indices = @transform_5, window_bounds = array<i64: 1, 128>}, {pipeline_mode = #tpu.pipeline_mode<synchronous>, transform_indices = @transform_6, window_bounds = array<i64: 1, 128>}, {}, {transform_indices = @transform_8, window_bounds = array<i64: 16, 200, 128>}]} {
    %get3A = arith.constant 0 : index
    %get3A_0 = arith.constant 0 : index
    %get3A_1 = vector.load %arg3[%get3A, %get3A_0] : memref<200x50xf32, #tpu.memory_space<vmem>>, vector<200x50xf32>
    %get3A_2 = arith.constant 0 : index
    %get3A_3 = arith.constant 0 : index
    %get3A_4 = vector.load %arg4[%get3A_2, %get3A_3] : memref<2x50xf32, #tpu.memory_space<vmem>>, vector<1x50xf32>
    %add3A = vector.broadcast %get3A_4 : vector<1x50xf32> to vector<200x50xf32>
    %add3A_5 = arith.addf %get3A_1, %add3A : vector<200x50xf32>
    %get3A_6 = arith.constant 0 : index
    %get3A_7 = arith.constant 0 : index
    %get3A_8 = vector.load %arg5[%get3A_6, %get3A_7] : memref<50x128xf32, #tpu.memory_space<vmem>>, vector<50x128xf32>
    %dot_general3A = arith.constant dense<0.000000e+00> : vector<200x128xf32>
    %dot_general3A_9 = tpu.matmul %add3A_5, %get3A_8, %dot_general3A {dimension_numbers = #tpu.dot_dimension_numbers<[1], [0], [0], [1], [0, 0, 1, 1], [], []>, transpose_lhs_hint = false} : vector<200x50xf32>, vector<50x128xf32>, vector<200x128xf32> -> vector<200x128xf32>
    %get3A_10 = arith.constant 1 : index
    %get3A_11 = arith.constant 0 : index
    %get3A_12 = vector.load %arg4[%get3A_10, %get3A_11] : memref<2x50xf32, #tpu.memory_space<vmem>>, vector<1x50xf32>
    %get3A_13 = arith.constant 0 : index
    %get3A_14 = arith.constant 0 : index
    %get3A_15 = vector.load %arg4[%get3A_13, %get3A_14] : memref<2x50xf32, #tpu.memory_space<vmem>>, vector<1x50xf32>
    %sub3A = arith.subf %get3A_12, %get3A_15 : vector<1x50xf32>
    %get3A_16 = arith.constant 0 : index
    %get3A_17 = arith.constant 0 : index
    %get3A_18 = vector.load %arg5[%get3A_16, %get3A_17] : memref<50x128xf32, #tpu.memory_space<vmem>>, vector<50x128xf32>
    %dot_general3A_19 = arith.constant dense<0.000000e+00> : vector<1x128xf32>
    %dot_general3A_20 = tpu.matmul %sub3A, %get3A_18, %dot_general3A_19 {dimension_numbers = #tpu.dot_dimension_numbers<[1], [0], [0], [1], [0, 0, 1, 1], [], []>, transpose_lhs_hint = false} : vector<1x50xf32>, vector<50x128xf32>, vector<1x128xf32> -> vector<1x128xf32>
    %get3A_21 = arith.constant 0 : index
    %get3A_22 = arith.constant 0 : index
    %get3A_23 = vector.load %arg2[%get3A_21, %get3A_22] : memref<16x200xi32, #tpu.memory_space<vmem>>, vector<16x200xi32>
    %convert_element_type3A = arith.sitofp %get3A_23 : vector<16x200xi32> to vector<16x200xf32>
    %get3A_24 = arith.constant 0 : index
    %get3A_25 = arith.constant 0 : index
    %get3A_26 = arith.constant 0 : index
    %get3A_27 = vector.load %arg1[%get3A_24, %get3A_25, %get3A_26] : memref<16x200x128xf32, #tpu.memory_space<vmem>>, vector<16x200x128xf32>
    %broadcast_in_dim3A = vector.shape_cast %dot_general3A_9 : vector<200x128xf32> to vector<1x200x128xf32>
    %add3A_28 = vector.broadcast %broadcast_in_dim3A : vector<1x200x128xf32> to vector<16x200x128xf32>
    %add3A_29 = arith.addf %get3A_27, %add3A_28 : vector<16x200x128xf32>
    %broadcast_in_dim3A_30 = vector.shape_cast %convert_element_type3A : vector<16x200xf32> to vector<16x200x1xf32>
    %broadcast_in_dim3A_31 = vector.shape_cast %dot_general3A_20 : vector<1x128xf32> to vector<1x1x128xf32>
    %mul3A = vector.broadcast %broadcast_in_dim3A_30 : vector<16x200x1xf32> to vector<16x200x128xf32>
    %mul3A_32 = vector.broadcast %broadcast_in_dim3A_31 : vector<1x1x128xf32> to vector<16x200x128xf32>
    %mul3A_33 = arith.mulf %mul3A, %mul3A_32 : vector<16x200x128xf32>
    %add3A_34 = arith.addf %add3A_29, %mul3A_33 : vector<16x200x128xf32>
    %reduce_sum3A = arith.constant dense<0.000000e+00> : vector<16x200xf32>
    %reduce_sum3A_35 = vector.multi_reduction <add>, %add3A_34, %reduce_sum3A [2] : vector<16x200x128xf32> to vector<16x200xf32>
    %broadcast_in_dim3A_36 = vector.shape_cast %reduce_sum3A_35 : vector<16x200xf32> to vector<16x200x1xf32>
    %div3A = arith.constant 1.280000e+02 : f32
    %div3A_37 = vector.broadcast %div3A : f32 to vector<16x200x1xf32>
    %div3A_38 = arith.divf %broadcast_in_dim3A_36, %div3A_37 : vector<16x200x1xf32>
    %sub3A_39 = vector.broadcast %div3A_38 : vector<16x200x1xf32> to vector<16x200x128xf32>
    %sub3A_40 = arith.subf %add3A_34, %sub3A_39 : vector<16x200x128xf32>
    %mul3A_41 = arith.mulf %sub3A_40, %sub3A_40 : vector<16x200x128xf32>
    %reduce_sum3A_42 = arith.constant dense<0.000000e+00> : vector<16x200xf32>
    %reduce_sum3A_43 = vector.multi_reduction <add>, %mul3A_41, %reduce_sum3A_42 [2] : vector<16x200x128xf32> to vector<16x200xf32>
    %broadcast_in_dim3A_44 = vector.shape_cast %reduce_sum3A_43 : vector<16x200xf32> to vector<16x200x1xf32>
    %div3A_45 = arith.constant 1.280000e+02 : f32
    %div3A_46 = vector.broadcast %div3A_45 : f32 to vector<16x200x1xf32>
    %div3A_47 = arith.divf %broadcast_in_dim3A_44, %div3A_46 : vector<16x200x1xf32>
    %add3A_48 = arith.constant 9.99999974E-6 : f32
    %add3A_49 = vector.broadcast %add3A_48 : f32 to vector<16x200x1xf32>
    %add3A_50 = arith.addf %div3A_47, %add3A_49 : vector<16x200x1xf32>
    %rsqrt3A = math.rsqrt %add3A_50 : vector<16x200x1xf32>
    %mul3A_51 = vector.broadcast %rsqrt3A : vector<16x200x1xf32> to vector<16x200x128xf32>
    %mul3A_52 = arith.mulf %sub3A_40, %mul3A_51 : vector<16x200x128xf32>
    %get3A_53 = arith.constant 0 : index
    %get3A_54 = arith.constant 0 : index
    %get3A_55 = vector.load %arg6[%get3A_53, %get3A_54] : memref<1x128xf32, #tpu.memory_space<vmem>>, vector<1x128xf32>
    %broadcast_in_dim3A_56 = vector.shape_cast %get3A_55 : vector<1x128xf32> to vector<1x1x128xf32>
    %mul3A_57 = vector.broadcast %broadcast_in_dim3A_56 : vector<1x1x128xf32> to vector<16x200x128xf32>
    %mul3A_58 = arith.mulf %mul3A_52, %mul3A_57 : vector<16x200x128xf32>
    %get3A_59 = arith.constant 0 : index
    %get3A_60 = arith.constant 0 : index
    %get3A_61 = vector.load %arg7[%get3A_59, %get3A_60] : memref<1x128xf32, #tpu.memory_space<vmem>>, vector<1x128xf32>
    %broadcast_in_dim3A_62 = vector.shape_cast %get3A_61 : vector<1x128xf32> to vector<1x1x128xf32>
    %add3A_63 = vector.broadcast %broadcast_in_dim3A_62 : vector<1x1x128xf32> to vector<16x200x128xf32>
    %add3A_64 = arith.addf %mul3A_58, %add3A_63 : vector<16x200x128xf32>
    %swap3A = arith.constant 0 : index
    %swap3A_65 = arith.constant 0 : index
    %swap3A_66 = arith.constant 0 : index
    %swap3A_67 = vector.load %arg9[%swap3A, %swap3A_65, %swap3A_66] : memref<16x200x128xf32, #tpu.memory_space<vmem>>, vector<16x200x128xf32>
    tpu.vector_store %arg9[%swap3A, %swap3A_65, %swap3A_66], %add3A_64 {strides = array<i32>} : memref<16x200x128xf32, #tpu.memory_space<vmem>>, vector<16x200x128xf32>,
    return
  }
  func.func @transform_0(%arg0: i32) -> (i32, i32, i32) {
    %c0_i32 = arith.constant 0 : i32
    %c0_i32_0 = arith.constant 0 : i32
    %c0_i32_1 = arith.constant 0 : i32
    return %arg0, %c0_i32, %c0_i32_0 : i32, i32, i32
  }
  func.func @transform_1(%arg0: i32) -> (i32, i32) {
    %add3A = arith.constant 48 : i32
    %add3A_0 = arith.addi %arg0, %add3A : i32
    %c0_i32 = arith.constant 0 : i32
    %c0_i32_1 = arith.constant 0 : i32
    return %add3A_0, %c0_i32 : i32, i32
  }
  func.func @transform_2(%arg0: i32) -> (i32, i32) {
    %c0_i32 = arith.constant 0 : i32
    %c0_i32_0 = arith.constant 0 : i32
    %c0_i32_1 = arith.constant 0 : i32
    return %c0_i32, %c0_i32_0 : i32, i32
  }
  func.func @transform_3(%arg0: i32) -> (i32, i32) {
    %c0_i32 = arith.constant 0 : i32
    %c0_i32_0 = arith.constant 0 : i32
    %c0_i32_1 = arith.constant 0 : i32
    return %c0_i32, %c0_i32_0 : i32, i32
  }
  func.func @transform_4(%arg0: i32) -> (i32, i32) {
    %c0_i32 = arith.constant 0 : i32
    %c0_i32_0 = arith.constant 0 : i32
    %c0_i32_1 = arith.constant 0 : i32
    return %c0_i32, %c0_i32_0 : i32, i32
  }
  func.func @transform_5(%arg0: i32) -> (i32, i32) {
    %c0_i32 = arith.constant 0 : i32
    %c0_i32_0 = arith.constant 0 : i32
    %c0_i32_1 = arith.constant 0 : i32
    return %c0_i32, %c0_i32_0 : i32, i32
  }
  func.func @transform_6(%arg0: i32) -> (i32, i32) {
    %c0_i32 = arith.constant 0 : i32
    %c0_i32_0 = arith.constant 0 : i32
    %c0_i32_1 = arith.constant 0 : i32
    return %c0_i32, %c0_i32_0 : i32, i32
  }
  func.func @transform_8(%arg0: i32) -> (i32, i32, i32) {
    %add3A = arith.constant 48 : i32
    %add3A_0 = arith.addi %arg0, %add3A : i32
    %c0_i32 = arith.constant 0 : i32
    %c0_i32_1 = arith.constant 0 : i32
    %c0_i32_2 = arith.constant 0 : i32
    return %add3A_0, %c0_i32, %c0_i32_1 : i32, i32, i32
  }
}

</mosaic_0001>

<sc_bundles>
// kernel: kernel.11.cloned.1.call-start
scs
__scs_entry_jumppad:
0x0: {  	(pc) =	sbr.rel $0x88, $3  }
0x1: {  	(tag) =	ssettag $0x0;
	lr =	simm.s32 $0x1  }
0x2: {  	[smem:$0x3F98] =	sst lr;
	_ =	strace $0xD0000000  }
0x3: {  	_ = 	snop  }
0x4: {  	_ = 	snop  }
0x5: {  	_ = 	snop  }
0x6: {  	_ = 	snop  }
0x7: {  	_ = 	snop  }
__scs_overlays_trampoline_lowered:
0x8: {  	[smem:$0x3FA7] =	sst s0  }
0x9: {  	[smem:$0x3FA8] =	sst s1  }
0xa: {  	[smem:$0x3FA9] =	sst s2  }
0xb: {  	[smem:$0x3FAA] =	sst s3  }
0xc: {  	[smem:$0x3FAB] =	sst s4  }
0xd: {  	[smem:$0x3FAC] =	sst s5  }
0xe: {  	[smem:$0x3FAD] =	sst s6  }
0xf: {  	[smem:$0x3FAE] =	sst s7  }
0x10: {  	[smem:$0x3FAF] =	sst s8  }
0x11: {  	[smem:$0x3FB0] =	sst s9;
	s0 =	simm.s32 @!p0 $0x0  }
0x12: {  	s1 =	sld [smem:$0x3F96];
	s0 =	simm.s32 @p0 $0x1  }
0x13: {  	[smem:$0x3FB1] =	sst s0;
	s0 =	simm.s32 @!p1 $0x0  }
0x14: {  	s2 =	sld [smem:$0x3F95];
	s0 =	simm.s32 @p1 $0x1  }
0x15: {  	[smem:$0x3FB2] =	sst s0;
	s0 =	simm.s32 @!p2 $0x0  }
0x16: {  	s3 =	sld [smem:$0x3FDB];
	s0 =	simm.s32 @p2 $0x1  }
0x17: {  	s4 =	simm.s32 $0x1BF5;
	[smem:$0x3FB4] =	sst s0  }
0x18: {  	s0 =	sld [smem:$0x3F97];
	_ =	swait.ge [sflag:s4], $0x0  }
0x19: {  	s7 =	sld [smem:$0x3F98]  }
0x1a: {  	s8 =	sadd.s32 $0xFFFFE003, lr  }
0x1b: {  	s9 =	sadd.s32 $0xFFFFFEF7, lr;
	s5 =	simm.s32 $0xFFFFFFFF;
	p2 =	slt.u32 s8, $0xFFFFF086  }
0x1c: {  	p1 =	slt.u32 s9, $0xF7A;
	s5 =	simm.s32 @!p2 $0x0  }
0x1d: {  	s5 =	simm.s32 @p1 $0x1;
	p0 =	seq.s32 s7, s2  }
0x1e: {  	s7 =	smul.u32 @!p0 $0xF7A, s2;
	p2 =	seq.s32 @!p0 s5, $0x0  }
0x1f: {  	s9 =	smul.u32 $0xF7A, s1;
	s8 =	simm.s32 @!p0 $0x1BF5;
	p2 =	por !p2, p0  }
0x20: {  	[sflag:s8] =	ssyncset.s32 @!p0 $0xFFFFF086;
	s6 =	sadd.s32 @!p0 s3, s7;
	s7 =	simm.s32 @!p0 $0x108  }
0x21: {  	s3 =	sadd.s32 s3, s9;
	s6 =	sadd.s32 @!p0 $0x88, s6;
	s7 =	simm.s32 @p2 $0x1082  }
0x22: {  	[simem:s7], [sflag:s8] =	dma.local @!p0 [hbm:s6], $0xF7A  }
0x23: {  	s9 =	sor.u32 $0xD0000000, s2;
	s6 =	simm.s32 $0x108;
	_ =	swait.ge @!p0 [sflag:s8], $0x0  }
0x24: {  	s3 =	sadd.s32 $0x88, s3;
	s6 =	simm.s32 @!p1 $0x1082;
	[sflag:s4] =	ssyncset.s32 $0xFFFFF086  }
0x25: {  	[simem:s6], [sflag:s4] =	dma.local [hbm:s3], $0xF7A  }
0x26: {  	[smem:$0x3F98] =	sst s1;
	(tag) =	ssettag s2;
	_ =	strace s9  }
0x27: {  	s1 =	sld [smem:$0x3FA8]  }
0x28: {  	s2 =	sld [smem:$0x3FA9]  }
0x29: {  	s4 =	sld [smem:$0x3FAB]  }
0x2a: {  	p0 =	seq.s32 s5, $0x0;
	s5 =	sld [smem:$0x3FAC]  }
0x2b: {  	s6 =	sld [smem:$0x3FAD]  }
0x2c: {  	s7 =	sld [smem:$0x3FAE]  }
0x2d: {  	s3 =	simm.s32 $0x108;
	s8 =	sld [smem:$0x3FAF]  }
0x2e: {  	s3 =	simm.s32 @!p0 $0x1082;
	s9 =	sld [smem:$0x3FB0]  }
0x2f: {  	lr =	sadd.s32 s0, s3;
	s0 =	sld [smem:$0x3FA7]  }
0x30: {  	s3 =	sld [smem:$0x3FAA]  }
0x31: {  	[smem:$0x3FB3] =	sst s10  }
0x32: {  	s10 =	sld [smem:$0x3FB1];
	_ =	sdelay $0x3  }
0x33: {  	p0 =	seq.s32 s10, $0x1;
	s10 =	sld [smem:$0x3FB3];
	_ =	sdelay $0x3  }
0x34: {  	[smem:$0x3FB3] =	sst s10  }
0x35: {  	s10 =	sld [smem:$0x3FB2];
	_ =	sdelay $0x3  }
0x36: {  	p1 =	seq.s32 s10, $0x1;
	s10 =	sld [smem:$0x3FB3];
	_ =	sdelay $0x3  }
0x37: {  	[smem:$0x3FB3] =	sst s10  }
0x38: {  	s10 =	sld [smem:$0x3FB4]  }
0x39: {  	_ = 	snop;
	(pc) =	sbr.ind lr, $3  }
0x3a: {  	_ = 	snop  }
0x3b: {  	_ = 	snop  }
0x3c: {  	p2 =	seq.s32 s10, $0x1;
	s10 =	sld [smem:$0x3FB3]  }
0x3d: {  	_ =	shalt  }
0x3e: {  	_ =	shalt  }
0x3f: {  	_ =	shalt  }
0x40: {  	_ =	shalt  }
0x41: {  	_ =	shalt  }
0x42: {  	_ =	shalt  }
0x43: {  	_ =	shalt  }
0x44: {  	_ =	shalt  }
0x45: {  	_ =	shalt  }
0x46: {  	_ =	shalt  }
0x47: {  	_ =	shalt  }
0x48: {  	_ =	shalt  }
0x49: {  	_ =	shalt  }
0x4a: {  	_ =	shalt  }
0x4b: {  	_ =	shalt  }
0x4c: {  	_ =	shalt  }
0x4d: {  	_ =	shalt  }
0x4e: {  	_ =	shalt  }
0x4f: {  	_ =	shalt  }
0x50: {  	_ =	shalt  }
0x51: {  	_ =	shalt  }
0x52: {  	_ =	shalt  }
0x53: {  	_ =	shalt  }
0x54: {  	_ =	shalt  }
0x55: {  	_ =	shalt  }
0x56: {  	_ =	shalt  }
0x57: {  	_ =	shalt  }
0x58: {  	_ =	shalt  }
0x59: {  	_ =	shalt  }
0x5a: {  	_ =	shalt  }
0x5b: {  	_ =	shalt  }
0x5c: {  	_ =	shalt  }
0x5d: {  	_ =	shalt  }
0x5e: {  	_ =	shalt  }
0x5f: {  	_ =	shalt  }
0x60: {  	_ =	shalt  }
0x61: {  	_ =	shalt  }
0x62: {  	_ =	shalt  }
0x63: {  	_ =	shalt  }
0x64: {  	_ =	shalt  }
0x65: {  	_ =	shalt  }
0x66: {  	_ =	shalt  }
0x67: {  	_ =	shalt  }
0x68: {  	_ =	shalt  }
0x69: {  	_ =	shalt  }
0x6a: {  	_ =	shalt  }
0x6b: {  	_ =	shalt  }
0x6c: {  	_ =	shalt  }
0x6d: {  	_ =	shalt  }
0x6e: {  	_ =	shalt  }
0x6f: {  	_ =	shalt  }
0x70: {  	_ =	shalt  }
0x71: {  	_ =	shalt  }
0x72: {  	_ =	shalt  }
0x73: {  	_ =	shalt  }
0x74: {  	_ =	shalt  }
0x75: {  	_ =	shalt  }
0x76: {  	_ =	shalt  }
0x77: {  	_ =	shalt  }
0x78: {  	_ =	shalt  }
0x79: {  	_ =	shalt  }
0x7a: {  	_ =	shalt  }
0x7b: {  	_ =	shalt  }
0x7c: {  	_ =	shalt  }
0x7d: {  	_ =	shalt  }
0x7e: {  	_ =	shalt  }
0x7f: {  	_ =	shalt  }
0x80: {  	_ =	shalt  }
0x81: {  	_ =	shalt  }
0x82: {  	_ =	shalt  }
0x83: {  	_ =	shalt  }
0x84: {  	_ =	shalt  }
0x85: {  	_ =	shalt  }
0x86: {  	_ =	shalt  }
0x87: {  	_ =	shalt  }
.Lfunc_end0:
.L_simem_size_0:
called_computation_lowered:
.L_overlay_start_0:
0x88: {  	s2 =	sld [smem:$0x3FD9]  }
0x89: {  	s3 =	sld [smem:$0x3FFE];
	_ =	sdelay $0x1  }
0x8a: {  	s1 =	srdreg.scid  }
0x8b: {  	s0 =	sand.u32 $0x1, s1  }
0x8c: {  	s17 =	sshll.u32 s0, $0xA;
	s2 =	sadd.s32 s3, s2  }
0x8d: {  	s2 =	sadd.s32 s2, s17  }
0x8e: {  	[smem:$0x3FBF] =	sst s2  }
0x8f: {  	_ = 	snop  }
0x90: {  	s2 =	sld [smem:$0x3FD0];
	(tm) =	ssettm $0x1  }
0x91: {  	s18 =	sld [smem:$0x3FFB];
	_ =	sdelay $0x3  }
0x92: {  	_ =	strace s18  }
0x93: {  	s3 =	sld [smem:$0x3FFC];
	_ =	sdelay $0x3  }
0x94: {  	_ =	strace s3  }
0x95: {  	s3 =	sld [smem:$0x3FFD];
	_ =	sdelay $0x3  }
0x96: {  	_ =	strace s3  }
0x97: {  	_ =	strace $0x8FFFFFFF  }
0x98: {  	s19 =	sld [smem:$0x3FDB];
	_ =	sdelay $0x1  }
0x99: {  	s4 =	simm.s32 $_scs_section_size  }
0x9a: {  	s5 =	simm.s32 $_size__tile_overlayer_lowered;
	s6 =	simm.s32 $_tile_overlayer_lowered  }
0x9b: {  	s22 =	simm.s32 $0x1BFF;
	s21 =	sshll.u32 s6, $0x1;
	s3 =	sadd.s32 s4, s19  }
0x9c: {  	s7 =	simm.s32 $0x0;
	s20 =	sshll.u32 s5, $0x1;
	s5 =	sadd.s32 s21, s3  }
0x9d: {  	[timem:s7], [sflag:s22] =	dma.local [hbm:s5], s20  }
0x9e: {  	_ =	swait.ge [sflag:s22], s20  }
0x9f: {  	s4 =	ssub.s32 $0x0, s20;
	[sflag:s22] =	ssyncset.done $0x0  }
0xa0: {  	[sflag:s22] =	ssyncadd.s32 s4;
	_ =	sdelay $0x1  }
0xa1: {  	s23 =	simm.s32 $0x1B8B  }
0xa2: {  	_ =	swait.ge [sflag:s23], $0x1  }
0xa3: {  	[sflag:s23] =	ssyncset.done $0x0  }
0xa4: {  	s25 =	simm.s32 $0x1B8E;
	s24 =	sld [smem:$0x3FFE];
	[sflag:s23] =	ssyncadd.s32 $0xFFFFFFFF  }
0xa5: {  	s26 =	simm.s32 $execute0_lowered;
	[smem:$0x3FD2] =	sst s25  }
0xa6: {  	s5 =	sshll.u32 s26, $0x1;
	_ =	strace $0x80000046;
	[dreg:$0x1] =	wrdreg $0xFFFFFFFF  }
0xa7: {  	s28 =	simm.s32 $_size_execute0_lowered;
	s3 =	sadd.s32 s3, s5;
	[dreg:$0x0] =	wrdreg $0x0  }
0xa8: {  	s5 =	sshll.u32 s28, $0x1;
	[dreg:$0x2] =	wrdreg s3  }
0xa9: {  	[dreg:$0x3] =	wrdreg s5  }
0xaa: {  	[dreg:$0x4] =	wrdreg $0xC0  }
0xab: {  	_ =	task [dreg:s7], $0x5FFFF  }
0xac: {  	[dreg:$0x1] =	wrdreg $0xFFFFFFFF  }
0xad: {  	[dreg:$0x0] =	wrdreg $0x60  }
0xae: {  	[dreg:$0x2] =	wrdreg s24  }
0xaf: {  	[dreg:$0x3] =	wrdreg s2  }
0xb0: {  	[dreg:$0x4] =	wrdreg $0x9  }
0xb1: {  	_ =	task.clear_ibuf [dreg:s7], $0x5FFFF;
	_ =	strace $0x90000046  }
0xb2: {  	s29 =	simm.s32 $0x9;
	_ =	strace $0x80000048  }
0xb3: {  	_ =	swait.ge [sflag:s29], $0x1  }
0xb4: {  	[sflag:s29] =	ssyncadd.s32 $0xFFFFFFFF  }
0xb5: {  	_ =	strace $0x90000048  }
0xb6: {  	_ =	sfence  }
0xb7: {  	s30 =	sld [smem:$0x0];
	_ =	sdelay $0x2  }
0xb8: {  	s31 =	sshll.u32 s1, $0xD;
	s1 =	sshrl.u32 s1, $0x2  }
0xb9: {  	s3 =	sand.u32 $0x4000, s31;
	s1 =	sadd.s32 s1, s30  }
0xba: {  	s0 =	sor.u32 s3, s0;
	s1 =	sshll.u32 s1, $0x11  }
0xbb: {  	s0 =	sor.u32 s1, s0  }
0xbc: {  	s0 =	sadd.s32 $0x8F2B, s0  }
0xbd: {  	[sflag:s0] =	ssyncadd.remote.s32 $0x1  }
0xbe: {  	_ =	sfence.sel $0xFFFF  }
0xbf: {  	[dreg:$0x0] =	wrdreg $0xFFFFFFFF;
	(pc) =	sbr.abs _section_cstart, $3  }
0xc0: {  	[dreg:$0x1] =	wrdreg $0xFFFFFFFF  }
0xc1: {  	_ =	task.clear_ibuf [dreg:s7], $0x2FFFF;
	_ =	strace $0x9FFFFFFF  }
0xc2: {  	(tm) =	ssettm $0x7FFFFFFF  }
0xc3: {  	_ =	shalt  }
tec
execute0_lowered:
.L_overlay_start_1:
0x0: {  	(tag) =	ssettag $0x1  }
0x1: {  	s4 =	rddreg [dreg:$0x0]  }
0x2: {  	s5 =	rddreg [dreg:$0x1]  }
0x3: {  	s1 =	stileid.u32;
	s2 =	srdreg.scid  }
0x4: {  	s0 =	rddreg [dreg:$0x2];
	s11 =	simm.s32 $0x6;
	s12 =	simm.s32 $0x4  }
0x5: {  	s13 =	simm.s32 $0x5;
	s14 =	simm.s32 $0x0;
	s3 =	sand.u32 $0x1, s2  }
0x6: {  	s6 =	sshll.u32 s1, $0x1;
	s2 =	simm.s32 $0x0;
	s7 =	smul.u32 $0xC800, s1  }
0x7: {  	s6 =	sor.u32 s3, s6;
	[smem:$0x7FF] =	sst s2;
	s10 =	smul.u32 $0x6400, s3  }
0x8: {  	s8 =	ssub.s32 $0x2, s3;
	s3 =	sadd.s32 $0x2600, s4;
	s6 =	smul.u32 $0xC8, s6  }
0x9: {  	_ =	strace $0x80000047;
	s9 =	sshrl.u32 s8, $0x1;
	s7 =	sadd.s32 s7, s4  }
0xa: {  	s8 =	ssub.s32 s8, s9;
	s31 =	sadd.s32 s10, s7;
	s7 =	simm.s32 $0x7  }
0xb: {  	s9 =	simm.s32 $0x640;
	s10 =	simm.s32 $0x2E40;
	s4 =	sadd.s32 s5, s6  }
0xc: {  	s5 =	smax.u32 s8, $0x1;
	s6 =	sadd.s32 $0x192600, s31;
	s8 =	simm.s32 $0x50  }
.LBB2_1:
0xd: {  	[tilespmem:s2], [sflag:$0x7] =	stream.linear.gather [hbm4b:s4+s2], $0x640, $0x38;
	[tilespmem:$0x7E40] =	vst v63  }
0xe: {  	p0 =	por $0x0, $0x0;
	s15 =	simm.s32 $0x2  }
0xf: {  	_ =	swait.ge [sflag:s7], $0x640;
	s15 =	smul.u32 @!p0 $0xAB, s15  }
0x10: {  	p0 =	por p0, p0;
	[sflag:s7] =	ssyncset.done $0x0  }
0x11: {  	s16 =	smul.u32 $0xAB, s2;
	[sflag:s7] =	ssyncadd.s32 $0xFFFFF9C0;
	s15 =	sshrl.u32 @!p0 s15, $0x9  }
0x12: {  	[tilespmem:s9], [sflag:$0x1] =	stream.indirect.gather [hbm4b:s3+s8], $0x80, s2, s8, $0xb8;
	[tilespmem:$0x7E40] =	vst v63  }
0x13: {  	s18 =	simm.s32 $0xA0;
	s17 =	simm.s32 $0x1;
	s15 =	sand.u32 @!p0 $0x7F, s15  }
0x14: {  	s19 =	simm.s32 $0x2;
	s16 =	sshrl.u32 s16, $0x9;
	s15 =	smul.u32 @!p0 $0x3, s15  }
0x15: {  	[tilespmem:s10], [sflag:$0x2] =	stream.indirect.gather [hbm4b:s3+s8], $0x80, s8, s8, $0xb8;
	[tilespmem:$0x7E40] =	vst v63  }
0x16: {  	p1 =	por @!p0 $0x1, $0x1;
	s16 =	sand.u32 $0x7F, s16;
	s15 =	ssub.s32 @!p0 $0x2, s15  }
0x17: {  	p1 =	por p1, p0;
	s16 =	smul.u32 $0x3, s16;
	s20 =	sand.u32 @!p0 $0xFF, s15  }
0x18: {  	p2 =	por $0x0, $0x0;
	s21 =	sadd.s32 @!p1 $0x4, s20;
	s22 =	smul.u32 @!p0 $0xA000, s20  }
0x19: {  	s23 =	ssub.s32 $0x0, s16;
	s20 =	sadd.s32 @!p0 $0x1, s20;
	_ =	swait.ge @!p1 [sflag:s21], $0x2800  }
0x1a: {  	s16 =	sshrl.u32 @!p0 s22, $0x2;
	s22 =	simm.s32 @!p0 $0x50;
	[sflag:s21] =	ssyncset.done @!p1 $0x0  }
0x1b: {  	[sflag:s21] =	ssyncadd.s32 @!p1 $0xFFFFD800;
	s16 =	sor.u32 @!p0 $0x640, s16;
	s21 =	sand.u32 $0xFF, s23  }
0x1c: {  	[tilespmem:s16], [sflag:s20] =	stream.indirect.gather @!p0 [hbm4b:s3+s22], $0x80, s18, s22, $0xb8;
	[tilespmem:$0x7E40] =	vst v63  }
0x1d: {  	s15 =	simm.s32 $0xF0;
	s16 =	sadd.s32 $0x500, s6;
	s20 =	sadd.s32 $0x1, s21  }
0x1e: {  	s22 =	simm.s32 $0x3;
	s23 =	smul.u32 $0xA000, s21;
	s18 =	smov.u32 s6  }
.LBB2_2:
0x1f: {  	s24 =	smul.u32 @!p2 $0xAB, s22  }
0x20: {  	s23 =	sshrl.u32 s23, $0x2;
	s25 =	smov.u32 s17;
	s17 =	smov.u32 s19  }
0x21: {  	s19 =	sadd.s32 $0x1, s19;
	s26 =	smov.u32 s15;
	p0 =	por p2, p2  }
0x22: {  	s28 =	smov.u32 s18;
	p1 =	sne.s32 s19, $0x14;
	s23 =	sor.u32 $0x640, s23  }
0x23: {  	s18 =	smov.u32 s16;
	s24 =	sshrl.u32 @!p0 s24, $0x9  }
0x24: {  	s30 =	sadd.s32 $0x4, s21;
	s29 =	smul.u32 $0xAB, s25;
	s24 =	sand.u32 @!p0 $0x7F, s24  }
0x25: {  	s21 =	smul.u32 @!p0 $0x3, s24  }
0x26: {  	s15 =	sadd.s32 $0x50, s15;
	s24 =	sshrl.u32 s29, $0x9;
	_ =	swait.ge [sflag:s20], $0x2800  }
0x27: {  	p2 =	seq.s32 @!p0 s25, $0x0;
	s24 =	sand.u32 $0x7F, s24;
	s21 =	ssub.s32 @!p0 s22, s21  }
0x28: {  	p3 =	por p2, p0;
	s22 =	smul.u32 $0x3, s24;
	s24 =	sand.u32 @!p0 $0xFF, s21  }
0x29: {  	s29 =	sadd.s32 @!p3 $0x4, s24;
	s31 =	smul.u32 @!p0 $0xA000, s24;
	[sflag:s20] =	ssyncset.done $0x0  }
0x2a: {  	s16 =	sadd.s32 $0x500, s16;
	s21 =	ssub.s32 s25, s22;
	[sflag:s20] =	ssyncadd.s32 $0xFFFFD800  }
0x2b: {  	s21 =	sand.u32 $0xFF, s21;
	s25 =	sshrl.u32 @!p0 s31, $0x2;
	s31 =	simm.s32 @!p0 $0x50  }
0x2c: {  	[hbm4b:s28+s2] =	stream.linear.scatter [tilespmem:s23], [sflag:s30], $0x2800, $0x38;
	[tilespmem:$0x7E40] =	vst v63  }
.Ltmp0:
0x2d: {  	_ = 	snop;
	(pc) =	sbr.rel @p1 .LBB2_2-.Ltmp0, $4  }
0x2e: {  	p2 =	sgt.u32 s17, $0x11;
	s20 =	sadd.s32 $0x1, s21;
	_ =	swait.ge @!p3 [sflag:s29], $0x2800  }
0x2f: {  	s22 =	sadd.s32 $0x2, s17;
	s24 =	sadd.s32 @!p0 $0x1, s24;
	[sflag:s29] =	ssyncset.done @!p3 $0x0  }
0x30: {  	s25 =	sor.u32 @!p0 $0x640, s25;
	s23 =	smul.u32 $0xA000, s21;
	[sflag:s29] =	ssyncadd.s32 @!p3 $0xFFFFD800  }
0x31: {  	[tilespmem:s25], [sflag:s24] =	stream.indirect.gather @!p0 [hbm4b:s3+s31], $0x80, s26, s31, $0xb8;
	[tilespmem:$0x7E40] =	vst v63  }
0x32: {  	s19 =	smul.u32 @!p2 $0xAB, s22  }
0x33: {  	p0 =	por p2, p2;
	s24 =	smul.u32 $0xAB, s17  }
0x34: {  	s23 =	sshrl.u32 s23, $0x2;
	s21 =	sadd.s32 $0x4, s21;
	_ =	swait.ge [sflag:s20], $0x2800  }
0x35: {  	s23 =	sor.u32 $0x640, s23;
	[sflag:s20] =	ssyncset.done $0x0;
	s19 =	sshrl.u32 @!p0 s19, $0x9  }
0x36: {  	s24 =	sshrl.u32 s24, $0x9;
	[sflag:s20] =	ssyncadd.s32 $0xFFFFD800;
	s19 =	sand.u32 @!p0 $0x7F, s19  }
0x37: {  	[hbm4b:s18+s2] =	stream.linear.scatter [tilespmem:s23], [sflag:s21], $0x2800, $0x38;
	[tilespmem:$0x7E40] =	vst v63  }
0x38: {  	s24 =	sand.u32 $0x7F, s24;
	s19 =	smul.u32 @!p0 $0x3, s19  }
0x39: {  	s26 =	smul.u32 $0x3, s24  }
0x3a: {  	p1 =	seq.s32 @!p0 s17, $0x0;
	s19 =	ssub.s32 @!p0 s22, s19  }
0x3b: {  	p1 =	por p1, p0;
	s28 =	ssub.s32 s17, s26;
	s19 =	sand.u32 @!p0 $0xFF, s19  }
0x3c: {  	s17 =	sand.u32 $0xFF, s28;
	s24 =	sadd.s32 @!p1 $0x4, s19;
	s22 =	smul.u32 @!p0 $0xA000, s19  }
0x3d: {  	s20 =	simm.s32 @!p0 $0x50;
	s29 =	sadd.s32 $0x1, s17;
	_ =	swait.ge @!p1 [sflag:s24], $0x2800  }
0x3e: {  	s19 =	sadd.s32 @!p0 $0x1, s19;
	s18 =	sshrl.u32 @!p0 s22, $0x2;
	[sflag:s24] =	ssyncset.done @!p1 $0x0  }
0x3f: {  	s30 =	smul.u32 $0xA000, s17;
	[sflag:s24] =	ssyncadd.s32 @!p1 $0xFFFFD800;
	s18 =	sor.u32 @!p0 $0x640, s18  }
0x40: {  	[tilespmem:s18], [sflag:s19] =	stream.indirect.gather @!p0 [hbm4b:s3+s20], $0x80, s15, s20, $0xb8;
	[tilespmem:$0x7E40] =	vst v63  }
0x41: {  	_ =	swait.ge [sflag:s29], $0x2800  }
0x42: {  	s31 =	sshrl.u32 s30, $0x2;
	[sflag:s29] =	ssyncset.done $0x0  }
0x43: {  	s17 =	sadd.s32 $0x4, s17;
	s15 =	sor.u32 $0x640, s31;
	[sflag:s29] =	ssyncadd.s32 $0xFFFFD800  }
0x44: {  	[hbm4b:s16+s2] =	stream.linear.scatter [tilespmem:s15], [sflag:s17], $0x2800, $0x38;
	[tilespmem:$0x7E40] =	vst v63  }
0x45: {  	_ =	swait.ge [sflag:s11], $0x2800  }
0x46: {  	[sflag:s11] =	ssyncset.done $0x0  }
0x47: {  	s14 =	sadd.s32 $0x1, s14;
	[sflag:s11] =	ssyncadd.s32 $0xFFFFD800  }
0x48: {  	p0 =	sne.s32 s14, s5;
	_ =	swait.ge [sflag:s12], $0x2800  }
.Ltmp1:
0x49: {  	[sflag:s12] =	ssyncset.done $0x0;
	(pc) =	sbr.rel @p0 .LBB2_1-.Ltmp1, $4  }
0x4a: {  	[sflag:s12] =	ssyncadd.s32 $0xFFFFD800  }
0x4b: {  	_ =	swait.ge [sflag:s13], $0x2800  }
0x4c: {  	[sflag:s13] =	ssyncset.done $0x0  }
0x4d: {  	[sflag:s13] =	ssyncadd.s32 $0xFFFFD800  }
0x4e: {  	_ =	sfence.sel $0x180000  }
0x4f: {  	[bflag:$0x0] =	sbarrier.arrive $0xFFFF  }
0x50: {  	p0 =	sne.s32 s1, $0x0;
	_ =	strace $0x90000047  }
0x51: {  	s0 =	sadd.s32 @!p0 $0x100000, s0;
	[bflag:$0x2] =	sbarrier.arrive $0xFFFF  }
0x52: {  	[sflag:s0] =	ssyncadd.tile.s32 @!p0 $0x1;
	_ =	shalt  }
.Lfunc_end2:
_tile_overlayer_lowered:
.L_overlay_start_2:
0x53: {  	(tag) =	ssettag $0x2  }
0x54: {  	s0 =	rddreg [dreg:$0x0];
	s2 =	stileid.u32  }
0x55: {  	s1 =	rddreg [dreg:$0x1];
	p0 =	sne.s32 s2, $0x0  }
0x56: {  	s3 =	rddreg [dreg:$0x2];
	[bflag:$0x3] =	sbarrier.arrive $0xFFFF;
	s2 =	simm.s32 @!p0 $0x1C07  }
0x57: {  	[timem:s3], [sflag:s2] =	dma.local @!p0 [hbm:s0], s1  }
0x58: {  	s0 =	simm.s32 @!p0 $0x7  }
0x59: {  	_ =	swait.ge @!p0 [sflag:s0], s1  }
0x5a: {  	s1 =	ssub.s32 @!p0 $0x0, s1;
	[sflag:s0] =	ssyncset.done @!p0 $0x0  }
0x5b: {  	[sflag:s0] =	ssyncadd.s32 @!p0 s1  }
0x5c: {  	[bflag:$0x3] =	sbarrier.arrive $0xFFFF  }
0x5d: {  	_ =	shalt  }

// kernel: kernel.14.cloned.1.call-start
scs
__scs_entry_jumppad:
0x0: {  	(pc) =	sbr.rel $0x88, $3  }
0x1: {  	(tag) =	ssettag $0x0;
	lr =	simm.s32 $0x1  }
0x2: {  	[smem:$0x3F98] =	sst lr;
	_ =	strace $0xD0000000  }
0x3: {  	_ = 	snop  }
0x4: {  	_ = 	snop  }
0x5: {  	_ = 	snop  }
0x6: {  	_ = 	snop  }
0x7: {  	_ = 	snop  }
__scs_overlays_trampoline_lowered:
0x8: {  	[smem:$0x3FA7] =	sst s0  }
0x9: {  	[smem:$0x3FA8] =	sst s1  }
0xa: {  	[smem:$0x3FA9] =	sst s2  }
0xb: {  	[smem:$0x3FAA] =	sst s3  }
0xc: {  	[smem:$0x3FAB] =	sst s4  }
0xd: {  	[smem:$0x3FAC] =	sst s5  }
0xe: {  	[smem:$0x3FAD] =	sst s6  }
0xf: {  	[smem:$0x3FAE] =	sst s7  }
0x10: {  	[smem:$0x3FAF] =	sst s8  }
0x11: {  	[smem:$0x3FB0] =	sst s9;
	s0 =	simm.s32 @!p0 $0x0  }
0x12: {  	s1 =	sld [smem:$0x3F96];
	s0 =	simm.s32 @p0 $0x1  }
0x13: {  	[smem:$0x3FB1] =	sst s0;
	s0 =	simm.s32 @!p1 $0x0  }
0x14: {  	s2 =	sld [smem:$0x3F95];
	s0 =	simm.s32 @p1 $0x1  }
0x15: {  	[smem:$0x3FB2] =	sst s0;
	s0 =	simm.s32 @!p2 $0x0  }
0x16: {  	s3 =	sld [smem:$0x3FDB];
	s0 =	simm.s32 @p2 $0x1  }
0x17: {  	s4 =	simm.s32 $0x1BF5;
	[smem:$0x3FB4] =	sst s0  }
0x18: {  	s0 =	sld [smem:$0x3F97];
	_ =	swait.ge [sflag:s4], $0x0  }
0x19: {  	s7 =	sld [smem:$0x3F98]  }
0x1a: {  	s8 =	sadd.s32 $0xFFFFE003, lr  }
0x1b: {  	s9 =	sadd.s32 $0xFFFFFEF7, lr;
	s5 =	simm.s32 $0xFFFFFFFF;
	p2 =	slt.u32 s8, $0xFFFFF086  }
0x1c: {  	p1 =	slt.u32 s9, $0xF7A;
	s5 =	simm.s32 @!p2 $0x0  }
0x1d: {  	s5 =	simm.s32 @p1 $0x1;
	p0 =	seq.s32 s7, s2  }
0x1e: {  	s7 =	smul.u32 @!p0 $0xF7A, s2;
	p2 =	seq.s32 @!p0 s5, $0x0  }
0x1f: {  	s9 =	smul.u32 $0xF7A, s1;
	s8 =	simm.s32 @!p0 $0x1BF5;
	p2 =	por !p2, p0  }
0x20: {  	[sflag:s8] =	ssyncset.s32 @!p0 $0xFFFFF086;
	s6 =	sadd.s32 @!p0 s3, s7;
	s7 =	simm.s32 @!p0 $0x108  }
0x21: {  	s3 =	sadd.s32 s3, s9;
	s6 =	sadd.s32 @!p0 $0x88, s6;
	s7 =	simm.s32 @p2 $0x1082  }
0x22: {  	[simem:s7], [sflag:s8] =	dma.local @!p0 [hbm:s6], $0xF7A  }
0x23: {  	s9 =	sor.u32 $0xD0000000, s2;
	s6 =	simm.s32 $0x108;
	_ =	swait.ge @!p0 [sflag:s8], $0x0  }
0x24: {  	s3 =	sadd.s32 $0x88, s3;
	s6 =	simm.s32 @!p1 $0x1082;
	[sflag:s4] =	ssyncset.s32 $0xFFFFF086  }
0x25: {  	[simem:s6], [sflag:s4] =	dma.local [hbm:s3], $0xF7A  }
0x26: {  	[smem:$0x3F98] =	sst s1;
	(tag) =	ssettag s2;
	_ =	strace s9  }
0x27: {  	s1 =	sld [smem:$0x3FA8]  }
0x28: {  	s2 =	sld [smem:$0x3FA9]  }
0x29: {  	s4 =	sld [smem:$0x3FAB]  }
0x2a: {  	p0 =	seq.s32 s5, $0x0;
	s5 =	sld [smem:$0x3FAC]  }
0x2b: {  	s6 =	sld [smem:$0x3FAD]  }
0x2c: {  	s7 =	sld [smem:$0x3FAE]  }
0x2d: {  	s3 =	simm.s32 $0x108;
	s8 =	sld [smem:$0x3FAF]  }
0x2e: {  	s3 =	simm.s32 @!p0 $0x1082;
	s9 =	sld [smem:$0x3FB0]  }
0x2f: {  	lr =	sadd.s32 s0, s3;
	s0 =	sld [smem:$0x3FA7]  }
0x30: {  	s3 =	sld [smem:$0x3FAA]  }
0x31: {  	[smem:$0x3FB3] =	sst s10  }
0x32: {  	s10 =	sld [smem:$0x3FB1];
	_ =	sdelay $0x3  }
0x33: {  	p0 =	seq.s32 s10, $0x1;
	s10 =	sld [smem:$0x3FB3];
	_ =	sdelay $0x3  }
0x34: {  	[smem:$0x3FB3] =	sst s10  }
0x35: {  	s10 =	sld [smem:$0x3FB2];
	_ =	sdelay $0x3  }
0x36: {  	p1 =	seq.s32 s10, $0x1;
	s10 =	sld [smem:$0x3FB3];
	_ =	sdelay $0x3  }
0x37: {  	[smem:$0x3FB3] =	sst s10  }
0x38: {  	s10 =	sld [smem:$0x3FB4]  }
0x39: {  	_ = 	snop;
	(pc) =	sbr.ind lr, $3  }
0x3a: {  	_ = 	snop  }
0x3b: {  	_ = 	snop  }
0x3c: {  	p2 =	seq.s32 s10, $0x1;
	s10 =	sld [smem:$0x3FB3]  }
0x3d: {  	_ =	shalt  }
0x3e: {  	_ =	shalt  }
0x3f: {  	_ =	shalt  }
0x40: {  	_ =	shalt  }
0x41: {  	_ =	shalt  }
0x42: {  	_ =	shalt  }
0x43: {  	_ =	shalt  }
0x44: {  	_ =	shalt  }
0x45: {  	_ =	shalt  }
0x46: {  	_ =	shalt  }
0x47: {  	_ =	shalt  }
0x48: {  	_ =	shalt  }
0x49: {  	_ =	shalt  }
0x4a: {  	_ =	shalt  }
0x4b: {  	_ =	shalt  }
0x4c: {  	_ =	shalt  }
0x4d: {  	_ =	shalt  }
0x4e: {  	_ =	shalt  }
0x4f: {  	_ =	shalt  }
0x50: {  	_ =	shalt  }
0x51: {  	_ =	shalt  }
0x52: {  	_ =	shalt  }
0x53: {  	_ =	shalt  }
0x54: {  	_ =	shalt  }
0x55: {  	_ =	shalt  }
0x56: {  	_ =	shalt  }
0x57: {  	_ =	shalt  }
0x58: {  	_ =	shalt  }
0x59: {  	_ =	shalt  }
0x5a: {  	_ =	shalt  }
0x5b: {  	_ =	shalt  }
0x5c: {  	_ =	shalt  }
0x5d: {  	_ =	shalt  }
0x5e: {  	_ =	shalt  }
0x5f: {  	_ =	shalt  }
0x60: {  	_ =	shalt  }
0x61: {  	_ =	shalt  }
0x62: {  	_ =	shalt  }
0x63: {  	_ =	shalt  }
0x64: {  	_ =	shalt  }
0x65: {  	_ =	shalt  }
0x66: {  	_ =	shalt  }
0x67: {  	_ =	shalt  }
0x68: {  	_ =	shalt  }
0x69: {  	_ =	shalt  }
0x6a: {  	_ =	shalt  }
0x6b: {  	_ =	shalt  }
0x6c: {  	_ =	shalt  }
0x6d: {  	_ =	shalt  }
0x6e: {  	_ =	shalt  }
0x6f: {  	_ =	shalt  }
0x70: {  	_ =	shalt  }
0x71: {  	_ =	shalt  }
0x72: {  	_ =	shalt  }
0x73: {  	_ =	shalt  }
0x74: {  	_ =	shalt  }
0x75: {  	_ =	shalt  }
0x76: {  	_ =	shalt  }
0x77: {  	_ =	shalt  }
0x78: {  	_ =	shalt  }
0x79: {  	_ =	shalt  }
0x7a: {  	_ =	shalt  }
0x7b: {  	_ =	shalt  }
0x7c: {  	_ =	shalt  }
0x7d: {  	_ =	shalt  }
0x7e: {  	_ =	shalt  }
0x7f: {  	_ =	shalt  }
0x80: {  	_ =	shalt  }
0x81: {  	_ =	shalt  }
0x82: {  	_ =	shalt  }
0x83: {  	_ =	shalt  }
0x84: {  	_ =	shalt  }
0x85: {  	_ =	shalt  }
0x86: {  	_ =	shalt  }
0x87: {  	_ =	shalt  }
.Lfunc_end0:
.L_simem_size_0:
called_computation.1_lowered:
.L_overlay_start_0:
0x88: {  	s2 =	sld [smem:$0x3FD9]  }
0x89: {  	s3 =	sld [smem:$0x3FFE];
	_ =	sdelay $0x1  }
0x8a: {  	s1 =	srdreg.scid  }
0x8b: {  	s0 =	sand.u32 $0x1, s1  }
0x8c: {  	s17 =	sshll.u32 s0, $0xA;
	s2 =	sadd.s32 s3, s2  }
0x8d: {  	s2 =	sadd.s32 s2, s17  }
0x8e: {  	[smem:$0x3FBF] =	sst s2  }
0x8f: {  	_ = 	snop  }
0x90: {  	(tm) =	ssettm $0x1  }
0x91: {  	s18 =	sld [smem:$0x3FFB];
	_ =	sdelay $0x3  }
0x92: {  	_ =	strace s18  }
0x93: {  	s2 =	sld [smem:$0x3FFC];
	_ =	sdelay $0x3  }
0x94: {  	_ =	strace s2  }
0x95: {  	s2 =	sld [smem:$0x3FFD];
	_ =	sdelay $0x3  }
0x96: {  	_ =	strace s2  }
0x97: {  	_ =	strace $0x8FFFFFFF  }
0x98: {  	s19 =	sld [smem:$0x3FDB];
	_ =	sdelay $0x1  }
0x99: {  	s20 =	simm.s32 $_scs_section_size  }
0x9a: {  	s4 =	simm.s32 $_size__tile_overlayer_lowered;
	s5 =	simm.s32 $_tile_overlayer_lowered  }
0x9b: {  	s6 =	simm.s32 $0x1BFF;
	s21 =	sshll.u32 s5, $0x1;
	s3 =	sadd.s32 s20, s19  }
0x9c: {  	s22 =	simm.s32 $0x0;
	s4 =	sshll.u32 s4, $0x1;
	s5 =	sadd.s32 s21, s3  }
0x9d: {  	[timem:s22], [sflag:s6] =	dma.local [hbm:s5], s4  }
0x9e: {  	_ =	swait.ge [sflag:s6], s4  }
0x9f: {  	s4 =	ssub.s32 $0x0, s4;
	[sflag:s6] =	ssyncset.done $0x0  }
0xa0: {  	[sflag:s6] =	ssyncadd.s32 s4;
	_ =	sdelay $0x1  }
0xa1: {  	s23 =	simm.s32 $0x1B8B  }
0xa2: {  	_ =	swait.ge [sflag:s23], $0x1  }
0xa3: {  	[sflag:s23] =	ssyncset.done $0x0  }
0xa4: {  	[sflag:s23] =	ssyncadd.s32 $0xFFFFFFFF  }
0xa5: {  	s4 =	sld [smem:$0x0]  }
0xa6: {  	s5 =	sand.u32 $0xFFFFFFFE, s1  }
0xa7: {  	p0 =	sne.s32 s1, s5  }
0xa8: {  	s5 =	sshll.u32 @p0 s5, $0xE  }
0xa9: {  	s5 =	sadd.s32 @p0 $0x11B8D, s5;
	s6 =	sshll.u32 @p0 s4, $0x11  }
0xaa: {  	s5 =	sor.u32 @p0 s6, s5  }
0xab: {  	[sflag:s5] =	ssyncadd.remote.s32 @p0 $0x1;
	_ =	sdelay $0x1  }
0xac: {  	s5 =	simm.s32 @p0 $0x1B8D  }
0xad: {  	_ =	swait.eq @p0 [sflag:s5], $0x1  }
0xae: {  	[sflag:s5] =	ssyncadd.s32 @p0 $0xFFFFFFFF  }
0xaf: {  	s6 =	sshll.u32 @!p0 s1, $0xE  }
0xb0: {  	s6 =	sor.u32 @!p0 $0x4000, s6;
	s5 =	simm.s32 @!p0 $0x1B8D  }
0xb1: {  	s4 =	sshll.u32 @!p0 s4, $0x11;
	s6 =	sadd.s32 @!p0 $0x11B8D, s6;
	_ =	swait.eq @!p0 [sflag:s5], $0x1  }
0xb2: {  	s4 =	sor.u32 @!p0 s4, s6;
	[sflag:s5] =	ssyncadd.s32 @!p0 $0xFFFFFFFF  }
0xb3: {  	s25 =	simm.s32 $0x1B8E;
	s24 =	sld [smem:$0x3FFE];
	[sflag:s4] =	ssyncadd.remote.s32 @!p0 $0x1  }
0xb4: {  	s26 =	simm.s32 $execute0_lowered;
	[smem:$0x3FD2] =	sst s25  }
0xb5: {  	s5 =	sshll.u32 s26, $0x1;
	_ =	strace $0x80000049;
	[dreg:$0x1] =	wrdreg $0xFFFFFFFF  }
0xb6: {  	s28 =	simm.s32 $_size_execute0_lowered;
	s3 =	sadd.s32 s3, s5;
	[dreg:$0x0] =	wrdreg $0x0  }
0xb7: {  	s5 =	sshll.u32 s28, $0x1;
	[dreg:$0x2] =	wrdreg s3  }
0xb8: {  	[dreg:$0x3] =	wrdreg s5  }
0xb9: {  	[dreg:$0x4] =	wrdreg $0xC0  }
0xba: {  	_ =	task [dreg:s22], $0x5FFFF  }
0xbb: {  	[dreg:$0x1] =	wrdreg $0xFFFFFFFF  }
0xbc: {  	[dreg:$0x0] =	wrdreg $0x60  }
0xbd: {  	[dreg:$0x2] =	wrdreg s24  }
0xbe: {  	[dreg:$0x3] =	wrdreg $0xA  }
0xbf: {  	_ =	task.clear_ibuf [dreg:s22], $0x4FFFF;
	_ =	strace $0x90000049  }
0xc0: {  	s29 =	simm.s32 $0xA;
	_ =	strace $0x8000004B  }
0xc1: {  	_ =	swait.ge [sflag:s29], $0x1  }
0xc2: {  	[sflag:s29] =	ssyncadd.s32 $0xFFFFFFFF  }
0xc3: {  	_ =	strace $0x9000004B  }
0xc4: {  	_ =	sfence  }
0xc5: {  	s30 =	sld [smem:$0x0];
	_ =	sdelay $0x2  }
0xc6: {  	s31 =	sshll.u32 s1, $0xD;
	s1 =	sshrl.u32 s1, $0x2  }
0xc7: {  	s4 =	sand.u32 $0x4000, s31;
	s1 =	sadd.s32 s1, s30  }
0xc8: {  	s0 =	sor.u32 s4, s0;
	s1 =	sshll.u32 s1, $0x11  }
0xc9: {  	s0 =	sor.u32 s1, s0  }
0xca: {  	s0 =	sadd.s32 $0x8F2B, s0  }
0xcb: {  	[sflag:s0] =	ssyncadd.remote.s32 $0x1  }
0xcc: {  	_ =	sfence.sel $0xFFFF  }
0xcd: {  	[dreg:$0x0] =	wrdreg $0xFFFFFFFF;
	(pc) =	sbr.abs _section_cstart, $3  }
0xce: {  	[dreg:$0x1] =	wrdreg $0xFFFFFFFF  }
0xcf: {  	_ =	task.clear_ibuf [dreg:s22], $0x2FFFF;
	_ =	strace $0x9FFFFFFF  }
0xd0: {  	(tm) =	ssettm $0x7FFFFFFF  }
0xd1: {  	_ =	shalt  }
tec
execute0_lowered:
.L_overlay_start_1:
0x0: {  	(tag) =	ssettag $0x1  }
0x1: {  	s1 =	srdreg.scid  }
0x2: {  	s0 =	stileid.u32;
	s4 =	rddreg [dreg:$0x0];
	s2 =	simm.s32 $0x0  }
0x3: {  	s11 =	simm.s32 $0x6;
	s12 =	simm.s32 $0x4;
	s13 =	simm.s32 $0x5  }
0x4: {  	s14 =	simm.s32 $0x0;
	s5 =	sand.u32 $0x1, s1;
	s1 =	rddreg [dreg:$0x1]  }
0x5: {  	s3 =	sshll.u32 s0, $0x1;
	[smem:$0x7FF] =	sst s2;
	s7 =	smul.u32 $0xC800, s0  }
0x6: {  	s3 =	sor.u32 s5, s3;
	_ =	strace $0x8000004A;
	s10 =	smul.u32 $0x6400, s5  }
0x7: {  	s8 =	ssub.s32 $0x2, s5;
	s6 =	smul.u32 $0xC8, s3;
	s3 =	sadd.s32 $0x2600, s4  }
0x8: {  	s9 =	sshrl.u32 s8, $0x1;
	s30 =	sadd.s32 s7, s4;
	s7 =	simm.s32 $0x7  }
0x9: {  	s31 =	ssub.s32 s8, s9;
	s8 =	simm.s32 $0x50;
	s9 =	simm.s32 $0x640  }
0xa: {  	s29 =	sadd.s32 s6, s4;
	s5 =	smax.u32 s31, $0x1;
	s6 =	sadd.s32 s10, s30  }
0xb: {  	s10 =	simm.s32 $0x2E40;
	s4 =	sadd.s32 $0x25A600, s29;
	s6 =	sadd.s32 $0x25C000, s6  }
.LBB2_1:
0xc: {  	[tilespmem:s2], [sflag:$0x7] =	stream.linear.gather [hbm4b:s4+s2], $0x640, $0x38;
	[tilespmem:$0x7E40] =	vst v63  }
0xd: {  	p0 =	por $0x0, $0x0;
	s15 =	simm.s32 $0x2  }
0xe: {  	_ =	swait.ge [sflag:s7], $0x640;
	s15 =	smul.u32 @!p0 $0xAB, s15  }
0xf: {  	p0 =	por p0, p0;
	[sflag:s7] =	ssyncset.done $0x0  }
0x10: {  	s16 =	smul.u32 $0xAB, s2;
	[sflag:s7] =	ssyncadd.s32 $0xFFFFF9C0;
	s15 =	sshrl.u32 @!p0 s15, $0x9  }
0x11: {  	[tilespmem:s9], [sflag:$0x1] =	stream.indirect.gather [hbm4b:s3+s8], $0x80, s2, s8, $0xb8;
	[tilespmem:$0x7E40] =	vst v63  }
0x12: {  	s18 =	simm.s32 $0xA0;
	s17 =	simm.s32 $0x1;
	s15 =	sand.u32 @!p0 $0x7F, s15  }
0x13: {  	s19 =	simm.s32 $0x2;
	s16 =	sshrl.u32 s16, $0x9;
	s15 =	smul.u32 @!p0 $0x3, s15  }
0x14: {  	[tilespmem:s10], [sflag:$0x2] =	stream.indirect.gather [hbm4b:s3+s8], $0x80, s8, s8, $0xb8;
	[tilespmem:$0x7E40] =	vst v63  }
0x15: {  	p1 =	por @!p0 $0x1, $0x1;
	s16 =	sand.u32 $0x7F, s16;
	s15 =	ssub.s32 @!p0 $0x2, s15  }
0x16: {  	p1 =	por p1, p0;
	s16 =	smul.u32 $0x3, s16;
	s20 =	sand.u32 @!p0 $0xFF, s15  }
0x17: {  	p2 =	por $0x0, $0x0;
	s21 =	sadd.s32 @!p1 $0x4, s20;
	s22 =	smul.u32 @!p0 $0xA000, s20  }
0x18: {  	s23 =	ssub.s32 $0x0, s16;
	s20 =	sadd.s32 @!p0 $0x1, s20;
	_ =	swait.ge @!p1 [sflag:s21], $0x2800  }
0x19: {  	s16 =	sshrl.u32 @!p0 s22, $0x2;
	s22 =	simm.s32 @!p0 $0x50;
	[sflag:s21] =	ssyncset.done @!p1 $0x0  }
0x1a: {  	[sflag:s21] =	ssyncadd.s32 @!p1 $0xFFFFD800;
	s16 =	sor.u32 @!p0 $0x640, s16;
	s21 =	sand.u32 $0xFF, s23  }
0x1b: {  	[tilespmem:s16], [sflag:s20] =	stream.indirect.gather @!p0 [hbm4b:s3+s22], $0x80, s18, s22, $0xb8;
	[tilespmem:$0x7E40] =	vst v63  }
0x1c: {  	s15 =	simm.s32 $0xF0;
	s16 =	sadd.s32 $0x500, s6;
	s20 =	sadd.s32 $0x1, s21  }
0x1d: {  	s22 =	simm.s32 $0x3;
	s23 =	smul.u32 $0xA000, s21;
	s18 =	smov.u32 s6  }
.LBB2_2:
0x1e: {  	s24 =	smul.u32 @!p2 $0xAB, s22  }
0x1f: {  	s23 =	sshrl.u32 s23, $0x2;
	s25 =	smov.u32 s17;
	s17 =	smov.u32 s19  }
0x20: {  	s19 =	sadd.s32 $0x1, s19;
	s26 =	smov.u32 s15;
	p0 =	por p2, p2  }
0x21: {  	s28 =	smov.u32 s18;
	p1 =	sne.s32 s19, $0x14;
	s23 =	sor.u32 $0x640, s23  }
0x22: {  	s18 =	smov.u32 s16;
	s24 =	sshrl.u32 @!p0 s24, $0x9  }
0x23: {  	s30 =	sadd.s32 $0x4, s21;
	s29 =	smul.u32 $0xAB, s25;
	s24 =	sand.u32 @!p0 $0x7F, s24  }
0x24: {  	s21 =	smul.u32 @!p0 $0x3, s24  }
0x25: {  	s15 =	sadd.s32 $0x50, s15;
	s24 =	sshrl.u32 s29, $0x9;
	_ =	swait.ge [sflag:s20], $0x2800  }
0x26: {  	p2 =	seq.s32 @!p0 s25, $0x0;
	s24 =	sand.u32 $0x7F, s24;
	s21 =	ssub.s32 @!p0 s22, s21  }
0x27: {  	p3 =	por p2, p0;
	s22 =	smul.u32 $0x3, s24;
	s24 =	sand.u32 @!p0 $0xFF, s21  }
0x28: {  	s29 =	sadd.s32 @!p3 $0x4, s24;
	s31 =	smul.u32 @!p0 $0xA000, s24;
	[sflag:s20] =	ssyncset.done $0x0  }
0x29: {  	s16 =	sadd.s32 $0x500, s16;
	s21 =	ssub.s32 s25, s22;
	[sflag:s20] =	ssyncadd.s32 $0xFFFFD800  }
0x2a: {  	s21 =	sand.u32 $0xFF, s21;
	s25 =	sshrl.u32 @!p0 s31, $0x2;
	s31 =	simm.s32 @!p0 $0x50  }
0x2b: {  	[hbm4b:s28+s2] =	stream.linear.scatter [tilespmem:s23], [sflag:s30], $0x2800, $0x38;
	[tilespmem:$0x7E40] =	vst v63  }
.Ltmp0:
0x2c: {  	_ = 	snop;
	(pc) =	sbr.rel @p1 .LBB2_2-.Ltmp0, $4  }
0x2d: {  	p2 =	sgt.u32 s17, $0x11;
	s20 =	sadd.s32 $0x1, s21;
	_ =	swait.ge @!p3 [sflag:s29], $0x2800  }
0x2e: {  	s22 =	sadd.s32 $0x2, s17;
	s24 =	sadd.s32 @!p0 $0x1, s24;
	[sflag:s29] =	ssyncset.done @!p3 $0x0  }
0x2f: {  	s25 =	sor.u32 @!p0 $0x640, s25;
	s23 =	smul.u32 $0xA000, s21;
	[sflag:s29] =	ssyncadd.s32 @!p3 $0xFFFFD800  }
0x30: {  	[tilespmem:s25], [sflag:s24] =	stream.indirect.gather @!p0 [hbm4b:s3+s31], $0x80, s26, s31, $0xb8;
	[tilespmem:$0x7E40] =	vst v63  }
0x31: {  	s19 =	smul.u32 @!p2 $0xAB, s22  }
0x32: {  	p0 =	por p2, p2;
	s24 =	smul.u32 $0xAB, s17  }
0x33: {  	s23 =	sshrl.u32 s23, $0x2;
	s21 =	sadd.s32 $0x4, s21;
	_ =	swait.ge [sflag:s20], $0x2800  }
0x34: {  	s23 =	sor.u32 $0x640, s23;
	[sflag:s20] =	ssyncset.done $0x0;
	s19 =	sshrl.u32 @!p0 s19, $0x9  }
0x35: {  	s24 =	sshrl.u32 s24, $0x9;
	[sflag:s20] =	ssyncadd.s32 $0xFFFFD800;
	s19 =	sand.u32 @!p0 $0x7F, s19  }
0x36: {  	[hbm4b:s18+s2] =	stream.linear.scatter [tilespmem:s23], [sflag:s21], $0x2800, $0x38;
	[tilespmem:$0x7E40] =	vst v63  }
0x37: {  	s24 =	sand.u32 $0x7F, s24;
	s19 =	smul.u32 @!p0 $0x3, s19  }
0x38: {  	s26 =	smul.u32 $0x3, s24  }
0x39: {  	p1 =	seq.s32 @!p0 s17, $0x0;
	s19 =	ssub.s32 @!p0 s22, s19  }
0x3a: {  	p1 =	por p1, p0;
	s28 =	ssub.s32 s17, s26;
	s19 =	sand.u32 @!p0 $0xFF, s19  }
0x3b: {  	s17 =	sand.u32 $0xFF, s28;
	s24 =	sadd.s32 @!p1 $0x4, s19;
	s22 =	smul.u32 @!p0 $0xA000, s19  }
0x3c: {  	s20 =	simm.s32 @!p0 $0x50;
	s29 =	sadd.s32 $0x1, s17;
	_ =	swait.ge @!p1 [sflag:s24], $0x2800  }
0x3d: {  	s19 =	sadd.s32 @!p0 $0x1, s19;
	s18 =	sshrl.u32 @!p0 s22, $0x2;
	[sflag:s24] =	ssyncset.done @!p1 $0x0  }
0x3e: {  	s30 =	smul.u32 $0xA000, s17;
	[sflag:s24] =	ssyncadd.s32 @!p1 $0xFFFFD800;
	s18 =	sor.u32 @!p0 $0x640, s18  }
0x3f: {  	[tilespmem:s18], [sflag:s19] =	stream.indirect.gather @!p0 [hbm4b:s3+s20], $0x80, s15, s20, $0xb8;
	[tilespmem:$0x7E40] =	vst v63  }
0x40: {  	_ =	swait.ge [sflag:s29], $0x2800  }
0x41: {  	s31 =	sshrl.u32 s30, $0x2;
	[sflag:s29] =	ssyncset.done $0x0  }
0x42: {  	s17 =	sadd.s32 $0x4, s17;
	s15 =	sor.u32 $0x640, s31;
	[sflag:s29] =	ssyncadd.s32 $0xFFFFD800  }
0x43: {  	[hbm4b:s16+s2] =	stream.linear.scatter [tilespmem:s15], [sflag:s17], $0x2800, $0x38;
	[tilespmem:$0x7E40] =	vst v63  }
0x44: {  	_ =	swait.ge [sflag:s11], $0x2800  }
0x45: {  	[sflag:s11] =	ssyncset.done $0x0  }
0x46: {  	s14 =	sadd.s32 $0x1, s14;
	[sflag:s11] =	ssyncadd.s32 $0xFFFFD800  }
0x47: {  	p0 =	sne.s32 s14, s5;
	_ =	swait.ge [sflag:s12], $0x2800  }
.Ltmp1:
0x48: {  	[sflag:s12] =	ssyncset.done $0x0;
	(pc) =	sbr.rel @p0 .LBB2_1-.Ltmp1, $4  }
0x49: {  	[sflag:s12] =	ssyncadd.s32 $0xFFFFD800  }
0x4a: {  	_ =	swait.ge [sflag:s13], $0x2800  }
0x4b: {  	[sflag:s13] =	ssyncset.done $0x0  }
0x4c: {  	[sflag:s13] =	ssyncadd.s32 $0xFFFFD800  }
0x4d: {  	_ =	sfence.sel $0x180000  }
0x4e: {  	[bflag:$0x0] =	sbarrier.arrive $0xFFFF  }
0x4f: {  	p0 =	sne.s32 s0, $0x0;
	_ =	strace $0x9000004A  }
0x50: {  	s0 =	sadd.s32 @!p0 $0x100000, s1;
	[bflag:$0x2] =	sbarrier.arrive $0xFFFF  }
0x51: {  	[sflag:s0] =	ssyncadd.tile.s32 @!p0 $0x1;
	_ =	shalt  }
.Lfunc_end2:
_tile_overlayer_lowered:
.L_overlay_start_2:
0x52: {  	(tag) =	ssettag $0x2  }
0x53: {  	s0 =	rddreg [dreg:$0x0];
	s2 =	stileid.u32  }
0x54: {  	s1 =	rddreg [dreg:$0x1];
	p0 =	sne.s32 s2, $0x0  }
0x55: {  	s3 =	rddreg [dreg:$0x2];
	[bflag:$0x3] =	sbarrier.arrive $0xFFFF;
	s2 =	simm.s32 @!p0 $0x1C07  }
0x56: {  	[timem:s3], [sflag:s2] =	dma.local @!p0 [hbm:s0], s1  }
0x57: {  	s0 =	simm.s32 @!p0 $0x7  }
0x58: {  	_ =	swait.ge @!p0 [sflag:s0], s1  }
0x59: {  	s1 =	ssub.s32 @!p0 $0x0, s1;
	[sflag:s0] =	ssyncset.done @!p0 $0x0  }
0x5a: {  	[sflag:s0] =	ssyncadd.s32 @!p0 s1  }
0x5b: {  	[bflag:$0x3] =	sbarrier.arrive $0xFFFF  }
0x5c: {  	_ =	shalt  }

// kernel: kernel.17.cloned.1.call-start
scs
__scs_entry_jumppad:
0x0: {  	(pc) =	sbr.rel $0x88, $3  }
0x1: {  	(tag) =	ssettag $0x0;
	lr =	simm.s32 $0x1  }
0x2: {  	[smem:$0x3F98] =	sst lr;
	_ =	strace $0xD0000000  }
0x3: {  	_ = 	snop  }
0x4: {  	_ = 	snop  }
0x5: {  	_ = 	snop  }
0x6: {  	_ = 	snop  }
0x7: {  	_ = 	snop  }
__scs_overlays_trampoline_lowered:
0x8: {  	[smem:$0x3FA7] =	sst s0  }
0x9: {  	[smem:$0x3FA8] =	sst s1  }
0xa: {  	[smem:$0x3FA9] =	sst s2  }
0xb: {  	[smem:$0x3FAA] =	sst s3  }
0xc: {  	[smem:$0x3FAB] =	sst s4  }
0xd: {  	[smem:$0x3FAC] =	sst s5  }
0xe: {  	[smem:$0x3FAD] =	sst s6  }
0xf: {  	[smem:$0x3FAE] =	sst s7  }
0x10: {  	[smem:$0x3FAF] =	sst s8  }
0x11: {  	[smem:$0x3FB0] =	sst s9;
	s0 =	simm.s32 @!p0 $0x0  }
0x12: {  	s1 =	sld [smem:$0x3F96];
	s0 =	simm.s32 @p0 $0x1  }
0x13: {  	[smem:$0x3FB1] =	sst s0;
	s0 =	simm.s32 @!p1 $0x0  }
0x14: {  	s2 =	sld [smem:$0x3F95];
	s0 =	simm.s32 @p1 $0x1  }
0x15: {  	[smem:$0x3FB2] =	sst s0;
	s0 =	simm.s32 @!p2 $0x0  }
0x16: {  	s3 =	sld [smem:$0x3FDB];
	s0 =	simm.s32 @p2 $0x1  }
0x17: {  	s4 =	simm.s32 $0x1BF5;
	[smem:$0x3FB4] =	sst s0  }
0x18: {  	s0 =	sld [smem:$0x3F97];
	_ =	swait.ge [sflag:s4], $0x0  }
0x19: {  	s7 =	sld [smem:$0x3F98]  }
0x1a: {  	s8 =	sadd.s32 $0xFFFFE003, lr  }
0x1b: {  	s9 =	sadd.s32 $0xFFFFFEF7, lr;
	s5 =	simm.s32 $0xFFFFFFFF;
	p2 =	slt.u32 s8, $0xFFFFF086  }
0x1c: {  	p1 =	slt.u32 s9, $0xF7A;
	s5 =	simm.s32 @!p2 $0x0  }
0x1d: {  	s5 =	simm.s32 @p1 $0x1;
	p0 =	seq.s32 s7, s2  }
0x1e: {  	s7 =	smul.u32 @!p0 $0xF7A, s2;
	p2 =	seq.s32 @!p0 s5, $0x0  }
0x1f: {  	s9 =	smul.u32 $0xF7A, s1;
	s8 =	simm.s32 @!p0 $0x1BF5;
	p2 =	por !p2, p0  }
0x20: {  	[sflag:s8] =	ssyncset.s32 @!p0 $0xFFFFF086;
	s6 =	sadd.s32 @!p0 s3, s7;
	s7 =	simm.s32 @!p0 $0x108  }
0x21: {  	s3 =	sadd.s32 s3, s9;
	s6 =	sadd.s32 @!p0 $0x88, s6;
	s7 =	simm.s32 @p2 $0x1082  }
0x22: {  	[simem:s7], [sflag:s8] =	dma.local @!p0 [hbm:s6], $0xF7A  }
0x23: {  	s9 =	sor.u32 $0xD0000000, s2;
	s6 =	simm.s32 $0x108;
	_ =	swait.ge @!p0 [sflag:s8], $0x0  }
0x24: {  	s3 =	sadd.s32 $0x88, s3;
	s6 =	simm.s32 @!p1 $0x1082;
	[sflag:s4] =	ssyncset.s32 $0xFFFFF086  }
0x25: {  	[simem:s6], [sflag:s4] =	dma.local [hbm:s3], $0xF7A  }
0x26: {  	[smem:$0x3F98] =	sst s1;
	(tag) =	ssettag s2;
	_ =	strace s9  }
0x27: {  	s1 =	sld [smem:$0x3FA8]  }
0x28: {  	s2 =	sld [smem:$0x3FA9]  }
0x29: {  	s4 =	sld [smem:$0x3FAB]  }
0x2a: {  	p0 =	seq.s32 s5, $0x0;
	s5 =	sld [smem:$0x3FAC]  }
0x2b: {  	s6 =	sld [smem:$0x3FAD]  }
0x2c: {  	s7 =	sld [smem:$0x3FAE]  }
0x2d: {  	s3 =	simm.s32 $0x108;
	s8 =	sld [smem:$0x3FAF]  }
0x2e: {  	s3 =	simm.s32 @!p0 $0x1082;
	s9 =	sld [smem:$0x3FB0]  }
0x2f: {  	lr =	sadd.s32 s0, s3;
	s0 =	sld [smem:$0x3FA7]  }
0x30: {  	s3 =	sld [smem:$0x3FAA]  }
0x31: {  	[smem:$0x3FB3] =	sst s10  }
0x32: {  	s10 =	sld [smem:$0x3FB1];
	_ =	sdelay $0x3  }
0x33: {  	p0 =	seq.s32 s10, $0x1;
	s10 =	sld [smem:$0x3FB3];
	_ =	sdelay $0x3  }
0x34: {  	[smem:$0x3FB3] =	sst s10  }
0x35: {  	s10 =	sld [smem:$0x3FB2];
	_ =	sdelay $0x3  }
0x36: {  	p1 =	seq.s32 s10, $0x1;
	s10 =	sld [smem:$0x3FB3];
	_ =	sdelay $0x3  }
0x37: {  	[smem:$0x3FB3] =	sst s10  }
0x38: {  	s10 =	sld [smem:$0x3FB4]  }
0x39: {  	_ = 	snop;
	(pc) =	sbr.ind lr, $3  }
0x3a: {  	_ = 	snop  }
0x3b: {  	_ = 	snop  }
0x3c: {  	p2 =	seq.s32 s10, $0x1;
	s10 =	sld [smem:$0x3FB3]  }
0x3d: {  	_ =	shalt  }
0x3e: {  	_ =	shalt  }
0x3f: {  	_ =	shalt  }
0x40: {  	_ =	shalt  }
0x41: {  	_ =	shalt  }
0x42: {  	_ =	shalt  }
0x43: {  	_ =	shalt  }
0x44: {  	_ =	shalt  }
0x45: {  	_ =	shalt  }
0x46: {  	_ =	shalt  }
0x47: {  	_ =	shalt  }
0x48: {  	_ =	shalt  }
0x49: {  	_ =	shalt  }
0x4a: {  	_ =	shalt  }
0x4b: {  	_ =	shalt  }
0x4c: {  	_ =	shalt  }
0x4d: {  	_ =	shalt  }
0x4e: {  	_ =	shalt  }
0x4f: {  	_ =	shalt  }
0x50: {  	_ =	shalt  }
0x51: {  	_ =	shalt  }
0x52: {  	_ =	shalt  }
0x53: {  	_ =	shalt  }
0x54: {  	_ =	shalt  }
0x55: {  	_ =	shalt  }
0x56: {  	_ =	shalt  }
0x57: {  	_ =	shalt  }
0x58: {  	_ =	shalt  }
0x59: {  	_ =	shalt  }
0x5a: {  	_ =	shalt  }
0x5b: {  	_ =	shalt  }
0x5c: {  	_ =	shalt  }
0x5d: {  	_ =	shalt  }
0x5e: {  	_ =	shalt  }
0x5f: {  	_ =	shalt  }
0x60: {  	_ =	shalt  }
0x61: {  	_ =	shalt  }
0x62: {  	_ =	shalt  }
0x63: {  	_ =	shalt  }
0x64: {  	_ =	shalt  }
0x65: {  	_ =	shalt  }
0x66: {  	_ =	shalt  }
0x67: {  	_ =	shalt  }
0x68: {  	_ =	shalt  }
0x69: {  	_ =	shalt  }
0x6a: {  	_ =	shalt  }
0x6b: {  	_ =	shalt  }
0x6c: {  	_ =	shalt  }
0x6d: {  	_ =	shalt  }
0x6e: {  	_ =	shalt  }
0x6f: {  	_ =	shalt  }
0x70: {  	_ =	shalt  }
0x71: {  	_ =	shalt  }
0x72: {  	_ =	shalt  }
0x73: {  	_ =	shalt  }
0x74: {  	_ =	shalt  }
0x75: {  	_ =	shalt  }
0x76: {  	_ =	shalt  }
0x77: {  	_ =	shalt  }
0x78: {  	_ =	shalt  }
0x79: {  	_ =	shalt  }
0x7a: {  	_ =	shalt  }
0x7b: {  	_ =	shalt  }
0x7c: {  	_ =	shalt  }
0x7d: {  	_ =	shalt  }
0x7e: {  	_ =	shalt  }
0x7f: {  	_ =	shalt  }
0x80: {  	_ =	shalt  }
0x81: {  	_ =	shalt  }
0x82: {  	_ =	shalt  }
0x83: {  	_ =	shalt  }
0x84: {  	_ =	shalt  }
0x85: {  	_ =	shalt  }
0x86: {  	_ =	shalt  }
0x87: {  	_ =	shalt  }
.Lfunc_end0:
.L_simem_size_0:
called_computation.2_lowered:
.L_overlay_start_0:
0x88: {  	s2 =	sld [smem:$0x3FD9]  }
0x89: {  	s3 =	sld [smem:$0x3FFE];
	_ =	sdelay $0x1  }
0x8a: {  	s1 =	srdreg.scid  }
0x8b: {  	s0 =	sand.u32 $0x1, s1  }
0x8c: {  	s17 =	sshll.u32 s0, $0xA;
	s2 =	sadd.s32 s3, s2  }
0x8d: {  	s2 =	sadd.s32 s2, s17  }
0x8e: {  	[smem:$0x3FBF] =	sst s2  }
0x8f: {  	_ = 	snop  }
0x90: {  	(tm) =	ssettm $0x1  }
0x91: {  	s18 =	sld [smem:$0x3FFB];
	_ =	sdelay $0x3  }
0x92: {  	_ =	strace s18  }
0x93: {  	s2 =	sld [smem:$0x3FFC];
	_ =	sdelay $0x3  }
0x94: {  	_ =	strace s2  }
0x95: {  	s2 =	sld [smem:$0x3FFD];
	_ =	sdelay $0x3  }
0x96: {  	_ =	strace s2  }
0x97: {  	_ =	strace $0x8FFFFFFF  }
0x98: {  	s19 =	sld [smem:$0x3FDB];
	_ =	sdelay $0x1  }
0x99: {  	s20 =	simm.s32 $_scs_section_size  }
0x9a: {  	s4 =	simm.s32 $_size__tile_overlayer_lowered;
	s5 =	simm.s32 $_tile_overlayer_lowered  }
0x9b: {  	s6 =	simm.s32 $0x1BFF;
	s21 =	sshll.u32 s5, $0x1;
	s3 =	sadd.s32 s20, s19  }
0x9c: {  	s22 =	simm.s32 $0x0;
	s4 =	sshll.u32 s4, $0x1;
	s5 =	sadd.s32 s21, s3  }
0x9d: {  	[timem:s22], [sflag:s6] =	dma.local [hbm:s5], s4  }
0x9e: {  	_ =	swait.ge [sflag:s6], s4  }
0x9f: {  	s4 =	ssub.s32 $0x0, s4;
	[sflag:s6] =	ssyncset.done $0x0  }
0xa0: {  	[sflag:s6] =	ssyncadd.s32 s4;
	_ =	sdelay $0x1  }
0xa1: {  	s23 =	simm.s32 $0x1B8B  }
0xa2: {  	_ =	swait.ge [sflag:s23], $0x1  }
0xa3: {  	[sflag:s23] =	ssyncset.done $0x0  }
0xa4: {  	[sflag:s23] =	ssyncadd.s32 $0xFFFFFFFF  }
0xa5: {  	s4 =	sld [smem:$0x0]  }
0xa6: {  	s5 =	sand.u32 $0xFFFFFFFE, s1  }
0xa7: {  	p0 =	sne.s32 s1, s5  }
0xa8: {  	s5 =	sshll.u32 @p0 s5, $0xE  }
0xa9: {  	s5 =	sadd.s32 @p0 $0x11B8D, s5;
	s6 =	sshll.u32 @p0 s4, $0x11  }
0xaa: {  	s5 =	sor.u32 @p0 s6, s5  }
0xab: {  	[sflag:s5] =	ssyncadd.remote.s32 @p0 $0x1;
	_ =	sdelay $0x1  }
0xac: {  	s5 =	simm.s32 @p0 $0x1B8D  }
0xad: {  	_ =	swait.eq @p0 [sflag:s5], $0x1  }
0xae: {  	[sflag:s5] =	ssyncadd.s32 @p0 $0xFFFFFFFF  }
0xaf: {  	s6 =	sshll.u32 @!p0 s1, $0xE  }
0xb0: {  	s6 =	sor.u32 @!p0 $0x4000, s6;
	s5 =	simm.s32 @!p0 $0x1B8D  }
0xb1: {  	s4 =	sshll.u32 @!p0 s4, $0x11;
	s6 =	sadd.s32 @!p0 $0x11B8D, s6;
	_ =	swait.eq @!p0 [sflag:s5], $0x1  }
0xb2: {  	s4 =	sor.u32 @!p0 s4, s6;
	[sflag:s5] =	ssyncadd.s32 @!p0 $0xFFFFFFFF  }
0xb3: {  	s25 =	simm.s32 $0x1B8E;
	s24 =	sld [smem:$0x3FFE];
	[sflag:s4] =	ssyncadd.remote.s32 @!p0 $0x1  }
0xb4: {  	s26 =	simm.s32 $execute0_lowered;
	[smem:$0x3FD2] =	sst s25  }
0xb5: {  	s5 =	sshll.u32 s26, $0x1;
	_ =	strace $0x8000004C;
	[dreg:$0x1] =	wrdreg $0xFFFFFFFF  }
0xb6: {  	s28 =	simm.s32 $_size_execute0_lowered;
	s3 =	sadd.s32 s3, s5;
	[dreg:$0x0] =	wrdreg $0x0  }
0xb7: {  	s5 =	sshll.u32 s28, $0x1;
	[dreg:$0x2] =	wrdreg s3  }
0xb8: {  	[dreg:$0x3] =	wrdreg s5  }
0xb9: {  	[dreg:$0x4] =	wrdreg $0xC0  }
0xba: {  	_ =	task [dreg:s22], $0x5FFFF  }
0xbb: {  	[dreg:$0x1] =	wrdreg $0xFFFFFFFF  }
0xbc: {  	[dreg:$0x0] =	wrdreg $0x60  }
0xbd: {  	[dreg:$0x2] =	wrdreg s24  }
0xbe: {  	[dreg:$0x3] =	wrdreg $0xB  }
0xbf: {  	_ =	task.clear_ibuf [dreg:s22], $0x4FFFF;
	_ =	strace $0x9000004C  }
0xc0: {  	s29 =	simm.s32 $0xB;
	_ =	strace $0x8000004E  }
0xc1: {  	_ =	swait.ge [sflag:s29], $0x1  }
0xc2: {  	[sflag:s29] =	ssyncadd.s32 $0xFFFFFFFF  }
0xc3: {  	_ =	strace $0x9000004E  }
0xc4: {  	_ =	sfence  }
0xc5: {  	s30 =	sld [smem:$0x0];
	_ =	sdelay $0x2  }
0xc6: {  	s31 =	sshll.u32 s1, $0xD;
	s1 =	sshrl.u32 s1, $0x2  }
0xc7: {  	s4 =	sand.u32 $0x4000, s31;
	s1 =	sadd.s32 s1, s30  }
0xc8: {  	s0 =	sor.u32 s4, s0;
	s1 =	sshll.u32 s1, $0x11  }
0xc9: {  	s0 =	sor.u32 s1, s0  }
0xca: {  	s0 =	sadd.s32 $0x8F2B, s0  }
0xcb: {  	[sflag:s0] =	ssyncadd.remote.s32 $0x1  }
0xcc: {  	_ =	sfence.sel $0xFFFF  }
0xcd: {  	[dreg:$0x0] =	wrdreg $0xFFFFFFFF;
	(pc) =	sbr.abs _section_cstart, $3  }
0xce: {  	[dreg:$0x1] =	wrdreg $0xFFFFFFFF  }
0xcf: {  	_ =	task.clear_ibuf [dreg:s22], $0x2FFFF;
	_ =	strace $0x9FFFFFFF  }
0xd0: {  	(tm) =	ssettm $0x7FFFFFFF  }
0xd1: {  	_ =	shalt  }
tec
execute0_lowered:
.L_overlay_start_1:
0x0: {  	(tag) =	ssettag $0x1  }
0x1: {  	s1 =	srdreg.scid  }
0x2: {  	s0 =	stileid.u32;
	s4 =	rddreg [dreg:$0x0];
	s2 =	simm.s32 $0x0  }
0x3: {  	s11 =	simm.s32 $0x6;
	s12 =	simm.s32 $0x4;
	s13 =	simm.s32 $0x5  }
0x4: {  	s14 =	simm.s32 $0x0;
	s5 =	sand.u32 $0x1, s1;
	s1 =	rddreg [dreg:$0x1]  }
0x5: {  	s3 =	sshll.u32 s0, $0x1;
	[smem:$0x7FF] =	sst s2;
	s7 =	smul.u32 $0xC800, s0  }
0x6: {  	s3 =	sor.u32 s5, s3;
	_ =	strace $0x8000004D;
	s10 =	smul.u32 $0x6400, s5  }
0x7: {  	s8 =	ssub.s32 $0x2, s5;
	s6 =	smul.u32 $0xC8, s3;
	s3 =	sadd.s32 $0x2600, s4  }
0x8: {  	s9 =	sshrl.u32 s8, $0x1;
	s30 =	sadd.s32 s7, s4;
	s7 =	simm.s32 $0x7  }
0x9: {  	s31 =	ssub.s32 s8, s9;
	s8 =	simm.s32 $0x50;
	s9 =	simm.s32 $0x640  }
0xa: {  	s29 =	sadd.s32 s6, s4;
	s5 =	smax.u32 s31, $0x1;
	s6 =	sadd.s32 s10, s30  }
0xb: {  	s10 =	simm.s32 $0x2E40;
	s4 =	sadd.s32 $0x324000, s29;
	s6 =	sadd.s32 $0x325A00, s6  }
.LBB2_1:
0xc: {  	[tilespmem:s2], [sflag:$0x7] =	stream.linear.gather [hbm4b:s4+s2], $0x640, $0x38;
	[tilespmem:$0x7E40] =	vst v63  }
0xd: {  	p0 =	por $0x0, $0x0;
	s15 =	simm.s32 $0x2  }
0xe: {  	_ =	swait.ge [sflag:s7], $0x640;
	s15 =	smul.u32 @!p0 $0xAB, s15  }
0xf: {  	p0 =	por p0, p0;
	[sflag:s7] =	ssyncset.done $0x0  }
0x10: {  	s16 =	smul.u32 $0xAB, s2;
	[sflag:s7] =	ssyncadd.s32 $0xFFFFF9C0;
	s15 =	sshrl.u32 @!p0 s15, $0x9  }
0x11: {  	[tilespmem:s9], [sflag:$0x1] =	stream.indirect.gather [hbm4b:s3+s8], $0x80, s2, s8, $0xb8;
	[tilespmem:$0x7E40] =	vst v63  }
0x12: {  	s18 =	simm.s32 $0xA0;
	s17 =	simm.s32 $0x1;
	s15 =	sand.u32 @!p0 $0x7F, s15  }
0x13: {  	s19 =	simm.s32 $0x2;
	s16 =	sshrl.u32 s16, $0x9;
	s15 =	smul.u32 @!p0 $0x3, s15  }
0x14: {  	[tilespmem:s10], [sflag:$0x2] =	stream.indirect.gather [hbm4b:s3+s8], $0x80, s8, s8, $0xb8;
	[tilespmem:$0x7E40] =	vst v63  }
0x15: {  	p1 =	por @!p0 $0x1, $0x1;
	s16 =	sand.u32 $0x7F, s16;
	s15 =	ssub.s32 @!p0 $0x2, s15  }
0x16: {  	p1 =	por p1, p0;
	s16 =	smul.u32 $0x3, s16;
	s20 =	sand.u32 @!p0 $0xFF, s15  }
0x17: {  	p2 =	por $0x0, $0x0;
	s21 =	sadd.s32 @!p1 $0x4, s20;
	s22 =	smul.u32 @!p0 $0xA000, s20  }
0x18: {  	s23 =	ssub.s32 $0x0, s16;
	s20 =	sadd.s32 @!p0 $0x1, s20;
	_ =	swait.ge @!p1 [sflag:s21], $0x2800  }
0x19: {  	s16 =	sshrl.u32 @!p0 s22, $0x2;
	s22 =	simm.s32 @!p0 $0x50;
	[sflag:s21] =	ssyncset.done @!p1 $0x0  }
0x1a: {  	[sflag:s21] =	ssyncadd.s32 @!p1 $0xFFFFD800;
	s16 =	sor.u32 @!p0 $0x640, s16;
	s21 =	sand.u32 $0xFF, s23  }
0x1b: {  	[tilespmem:s16], [sflag:s20] =	stream.indirect.gather @!p0 [hbm4b:s3+s22], $0x80, s18, s22, $0xb8;
	[tilespmem:$0x7E40] =	vst v63  }
0x1c: {  	s15 =	simm.s32 $0xF0;
	s16 =	sadd.s32 $0x500, s6;
	s20 =	sadd.s32 $0x1, s21  }
0x1d: {  	s22 =	simm.s32 $0x3;
	s23 =	smul.u32 $0xA000, s21;
	s18 =	smov.u32 s6  }
.LBB2_2:
0x1e: {  	s24 =	smul.u32 @!p2 $0xAB, s22  }
0x1f: {  	s23 =	sshrl.u32 s23, $0x2;
	s25 =	smov.u32 s17;
	s17 =	smov.u32 s19  }
0x20: {  	s19 =	sadd.s32 $0x1, s19;
	s26 =	smov.u32 s15;
	p0 =	por p2, p2  }
0x21: {  	s28 =	smov.u32 s18;
	p1 =	sne.s32 s19, $0x14;
	s23 =	sor.u32 $0x640, s23  }
0x22: {  	s18 =	smov.u32 s16;
	s24 =	sshrl.u32 @!p0 s24, $0x9  }
0x23: {  	s30 =	sadd.s32 $0x4, s21;
	s29 =	smul.u32 $0xAB, s25;
	s24 =	sand.u32 @!p0 $0x7F, s24  }
0x24: {  	s21 =	smul.u32 @!p0 $0x3, s24  }
0x25: {  	s15 =	sadd.s32 $0x50, s15;
	s24 =	sshrl.u32 s29, $0x9;
	_ =	swait.ge [sflag:s20], $0x2800  }
0x26: {  	p2 =	seq.s32 @!p0 s25, $0x0;
	s24 =	sand.u32 $0x7F, s24;
	s21 =	ssub.s32 @!p0 s22, s21  }
0x27: {  	p3 =	por p2, p0;
	s22 =	smul.u32 $0x3, s24;
	s24 =	sand.u32 @!p0 $0xFF, s21  }
0x28: {  	s29 =	sadd.s32 @!p3 $0x4, s24;
	s31 =	smul.u32 @!p0 $0xA000, s24;
	[sflag:s20] =	ssyncset.done $0x0  }
0x29: {  	s16 =	sadd.s32 $0x500, s16;
	s21 =	ssub.s32 s25, s22;
	[sflag:s20] =	ssyncadd.s32 $0xFFFFD800  }
0x2a: {  	s21 =	sand.u32 $0xFF, s21;
	s25 =	sshrl.u32 @!p0 s31, $0x2;
	s31 =	simm.s32 @!p0 $0x50  }
0x2b: {  	[hbm4b:s28+s2] =	stream.linear.scatter [tilespmem:s23], [sflag:s30], $0x2800, $0x38;
	[tilespmem:$0x7E40] =	vst v63  }
.Ltmp0:
0x2c: {  	_ = 	snop;
	(pc) =	sbr.rel @p1 .LBB2_2-.Ltmp0, $4  }
0x2d: {  	p2 =	sgt.u32 s17, $0x11;
	s20 =	sadd.s32 $0x1, s21;
	_ =	swait.ge @!p3 [sflag:s29], $0x2800  }
0x2e: {  	s22 =	sadd.s32 $0x2, s17;
	s24 =	sadd.s32 @!p0 $0x1, s24;
	[sflag:s29] =	ssyncset.done @!p3 $0x0  }
0x2f: {  	s25 =	sor.u32 @!p0 $0x640, s25;
	s23 =	smul.u32 $0xA000, s21;
	[sflag:s29] =	ssyncadd.s32 @!p3 $0xFFFFD800  }
0x30: {  	[tilespmem:s25], [sflag:s24] =	stream.indirect.gather @!p0 [hbm4b:s3+s31], $0x80, s26, s31, $0xb8;
	[tilespmem:$0x7E40] =	vst v63  }
0x31: {  	s19 =	smul.u32 @!p2 $0xAB, s22  }
0x32: {  	p0 =	por p2, p2;
	s24 =	smul.u32 $0xAB, s17  }
0x33: {  	s23 =	sshrl.u32 s23, $0x2;
	s21 =	sadd.s32 $0x4, s21;
	_ =	swait.ge [sflag:s20], $0x2800  }
0x34: {  	s23 =	sor.u32 $0x640, s23;
	[sflag:s20] =	ssyncset.done $0x0;
	s19 =	sshrl.u32 @!p0 s19, $0x9  }
0x35: {  	s24 =	sshrl.u32 s24, $0x9;
	[sflag:s20] =	ssyncadd.s32 $0xFFFFD800;
	s19 =	sand.u32 @!p0 $0x7F, s19  }
0x36: {  	[hbm4b:s18+s2] =	stream.linear.scatter [tilespmem:s23], [sflag:s21], $0x2800, $0x38;
	[tilespmem:$0x7E40] =	vst v63  }
0x37: {  	s24 =	sand.u32 $0x7F, s24;
	s19 =	smul.u32 @!p0 $0x3, s19  }
0x38: {  	s26 =	smul.u32 $0x3, s24  }
0x39: {  	p1 =	seq.s32 @!p0 s17, $0x0;
	s19 =	ssub.s32 @!p0 s22, s19  }
0x3a: {  	p1 =	por p1, p0;
	s28 =	ssub.s32 s17, s26;
	s19 =	sand.u32 @!p0 $0xFF, s19  }
0x3b: {  	s17 =	sand.u32 $0xFF, s28;
	s24 =	sadd.s32 @!p1 $0x4, s19;
	s22 =	smul.u32 @!p0 $0xA000, s19  }
0x3c: {  	s20 =	simm.s32 @!p0 $0x50;
	s29 =	sadd.s32 $0x1, s17;
	_ =	swait.ge @!p1 [sflag:s24], $0x2800  }
0x3d: {  	s19 =	sadd.s32 @!p0 $0x1, s19;
	s18 =	sshrl.u32 @!p0 s22, $0x2;
	[sflag:s24] =	ssyncset.done @!p1 $0x0  }
0x3e: {  	s30 =	smul.u32 $0xA000, s17;
	[sflag:s24] =	ssyncadd.s32 @!p1 $0xFFFFD800;
	s18 =	sor.u32 @!p0 $0x640, s18  }
0x3f: {  	[tilespmem:s18], [sflag:s19] =	stream.indirect.gather @!p0 [hbm4b:s3+s20], $0x80, s15, s20, $0xb8;
	[tilespmem:$0x7E40] =	vst v63  }
0x40: {  	_ =	swait.ge [sflag:s29], $0x2800  }
0x41: {  	s31 =	sshrl.u32 s30, $0x2;
	[sflag:s29] =	ssyncset.done $0x0  }
0x42: {  	s17 =	sadd.s32 $0x4, s17;
	s15 =	sor.u32 $0x640, s31;
	[sflag:s29] =	ssyncadd.s32 $0xFFFFD800  }
0x43: {  	[hbm4b:s16+s2] =	stream.linear.scatter [tilespmem:s15], [sflag:s17], $0x2800, $0x38;
	[tilespmem:$0x7E40] =	vst v63  }
0x44: {  	_ =	swait.ge [sflag:s11], $0x2800  }
0x45: {  	[sflag:s11] =	ssyncset.done $0x0  }
0x46: {  	s14 =	sadd.s32 $0x1, s14;
	[sflag:s11] =	ssyncadd.s32 $0xFFFFD800  }
0x47: {  	p0 =	sne.s32 s14, s5;
	_ =	swait.ge [sflag:s12], $0x2800  }
.Ltmp1:
0x48: {  	[sflag:s12] =	ssyncset.done $0x0;
	(pc) =	sbr.rel @p0 .LBB2_1-.Ltmp1, $4  }
0x49: {  	[sflag:s12] =	ssyncadd.s32 $0xFFFFD800  }
0x4a: {  	_ =	swait.ge [sflag:s13], $0x2800  }
0x4b: {  	[sflag:s13] =	ssyncset.done $0x0  }
0x4c: {  	[sflag:s13] =	ssyncadd.s32 $0xFFFFD800  }
0x4d: {  	_ =	sfence.sel $0x180000  }
0x4e: {  	[bflag:$0x0] =	sbarrier.arrive $0xFFFF  }
0x4f: {  	p0 =	sne.s32 s0, $0x0;
	_ =	strace $0x9000004D  }
0x50: {  	s0 =	sadd.s32 @!p0 $0x100000, s1;
	[bflag:$0x2] =	sbarrier.arrive $0xFFFF  }
0x51: {  	[sflag:s0] =	ssyncadd.tile.s32 @!p0 $0x1;
	_ =	shalt  }
.Lfunc_end2:
_tile_overlayer_lowered:
.L_overlay_start_2:
0x52: {  	(tag) =	ssettag $0x2  }
0x53: {  	s0 =	rddreg [dreg:$0x0];
	s2 =	stileid.u32  }
0x54: {  	s1 =	rddreg [dreg:$0x1];
	p0 =	sne.s32 s2, $0x0  }
0x55: {  	s3 =	rddreg [dreg:$0x2];
	[bflag:$0x3] =	sbarrier.arrive $0xFFFF;
	s2 =	simm.s32 @!p0 $0x1C07  }
0x56: {  	[timem:s3], [sflag:s2] =	dma.local @!p0 [hbm:s0], s1  }
0x57: {  	s0 =	simm.s32 @!p0 $0x7  }
0x58: {  	_ =	swait.ge @!p0 [sflag:s0], s1  }
0x59: {  	s1 =	ssub.s32 @!p0 $0x0, s1;
	[sflag:s0] =	ssyncset.done @!p0 $0x0  }
0x5a: {  	[sflag:s0] =	ssyncadd.s32 @!p0 s1  }
0x5b: {  	[bflag:$0x3] =	sbarrier.arrive $0xFFFF  }
0x5c: {  	_ =	shalt  }

// kernel: kernel.20.cloned.1.call-start
scs
__scs_entry_jumppad:
0x0: {  	(pc) =	sbr.rel $0x88, $3  }
0x1: {  	(tag) =	ssettag $0x0;
	lr =	simm.s32 $0x1  }
0x2: {  	[smem:$0x3F98] =	sst lr;
	_ =	strace $0xD0000000  }
0x3: {  	_ = 	snop  }
0x4: {  	_ = 	snop  }
0x5: {  	_ = 	snop  }
0x6: {  	_ = 	snop  }
0x7: {  	_ = 	snop  }
__scs_overlays_trampoline_lowered:
0x8: {  	[smem:$0x3FA7] =	sst s0  }
0x9: {  	[smem:$0x3FA8] =	sst s1  }
0xa: {  	[smem:$0x3FA9] =	sst s2  }
0xb: {  	[smem:$0x3FAA] =	sst s3  }
0xc: {  	[smem:$0x3FAB] =	sst s4  }
0xd: {  	[smem:$0x3FAC] =	sst s5  }
0xe: {  	[smem:$0x3FAD] =	sst s6  }
0xf: {  	[smem:$0x3FAE] =	sst s7  }
0x10: {  	[smem:$0x3FAF] =	sst s8  }
0x11: {  	[smem:$0x3FB0] =	sst s9;
	s0 =	simm.s32 @!p0 $0x0  }
0x12: {  	s1 =	sld [smem:$0x3F96];
	s0 =	simm.s32 @p0 $0x1  }
0x13: {  	[smem:$0x3FB1] =	sst s0;
	s0 =	simm.s32 @!p1 $0x0  }
0x14: {  	s2 =	sld [smem:$0x3F95];
	s0 =	simm.s32 @p1 $0x1  }
0x15: {  	[smem:$0x3FB2] =	sst s0;
	s0 =	simm.s32 @!p2 $0x0  }
0x16: {  	s3 =	sld [smem:$0x3FDB];
	s0 =	simm.s32 @p2 $0x1  }
0x17: {  	s4 =	simm.s32 $0x1BF5;
	[smem:$0x3FB4] =	sst s0  }
0x18: {  	s0 =	sld [smem:$0x3F97];
	_ =	swait.ge [sflag:s4], $0x0  }
0x19: {  	s7 =	sld [smem:$0x3F98]  }
0x1a: {  	s8 =	sadd.s32 $0xFFFFE003, lr  }
0x1b: {  	s9 =	sadd.s32 $0xFFFFFEF7, lr;
	s5 =	simm.s32 $0xFFFFFFFF;
	p2 =	slt.u32 s8, $0xFFFFF086  }
0x1c: {  	p1 =	slt.u32 s9, $0xF7A;
	s5 =	simm.s32 @!p2 $0x0  }
0x1d: {  	s5 =	simm.s32 @p1 $0x1;
	p0 =	seq.s32 s7, s2  }
0x1e: {  	s7 =	smul.u32 @!p0 $0xF7A, s2;
	p2 =	seq.s32 @!p0 s5, $0x0  }
0x1f: {  	s9 =	smul.u32 $0xF7A, s1;
	s8 =	simm.s32 @!p0 $0x1BF5;
	p2 =	por !p2, p0  }
0x20: {  	[sflag:s8] =	ssyncset.s32 @!p0 $0xFFFFF086;
	s6 =	sadd.s32 @!p0 s3, s7;
	s7 =	simm.s32 @!p0 $0x108  }
0x21: {  	s3 =	sadd.s32 s3, s9;
	s6 =	sadd.s32 @!p0 $0x88, s6;
	s7 =	simm.s32 @p2 $0x1082  }
0x22: {  	[simem:s7], [sflag:s8] =	dma.local @!p0 [hbm:s6], $0xF7A  }
0x23: {  	s9 =	sor.u32 $0xD0000000, s2;
	s6 =	simm.s32 $0x108;
	_ =	swait.ge @!p0 [sflag:s8], $0x0  }
0x24: {  	s3 =	sadd.s32 $0x88, s3;
	s6 =	simm.s32 @!p1 $0x1082;
	[sflag:s4] =	ssyncset.s32 $0xFFFFF086  }
0x25: {  	[simem:s6], [sflag:s4] =	dma.local [hbm:s3], $0xF7A  }
0x26: {  	[smem:$0x3F98] =	sst s1;
	(tag) =	ssettag s2;
	_ =	strace s9  }
0x27: {  	s1 =	sld [smem:$0x3FA8]  }
0x28: {  	s2 =	sld [smem:$0x3FA9]  }
0x29: {  	s4 =	sld [smem:$0x3FAB]  }
0x2a: {  	p0 =	seq.s32 s5, $0x0;
	s5 =	sld [smem:$0x3FAC]  }
0x2b: {  	s6 =	sld [smem:$0x3FAD]  }
0x2c: {  	s7 =	sld [smem:$0x3FAE]  }
0x2d: {  	s3 =	simm.s32 $0x108;
	s8 =	sld [smem:$0x3FAF]  }
0x2e: {  	s3 =	simm.s32 @!p0 $0x1082;
	s9 =	sld [smem:$0x3FB0]  }
0x2f: {  	lr =	sadd.s32 s0, s3;
	s0 =	sld [smem:$0x3FA7]  }
0x30: {  	s3 =	sld [smem:$0x3FAA]  }
0x31: {  	[smem:$0x3FB3] =	sst s10  }
0x32: {  	s10 =	sld [smem:$0x3FB1];
	_ =	sdelay $0x3  }
0x33: {  	p0 =	seq.s32 s10, $0x1;
	s10 =	sld [smem:$0x3FB3];
	_ =	sdelay $0x3  }
0x34: {  	[smem:$0x3FB3] =	sst s10  }
0x35: {  	s10 =	sld [smem:$0x3FB2];
	_ =	sdelay $0x3  }
0x36: {  	p1 =	seq.s32 s10, $0x1;
	s10 =	sld [smem:$0x3FB3];
	_ =	sdelay $0x3  }
0x37: {  	[smem:$0x3FB3] =	sst s10  }
0x38: {  	s10 =	sld [smem:$0x3FB4]  }
0x39: {  	_ = 	snop;
	(pc) =	sbr.ind lr, $3  }
0x3a: {  	_ = 	snop  }
0x3b: {  	_ = 	snop  }
0x3c: {  	p2 =	seq.s32 s10, $0x1;
	s10 =	sld [smem:$0x3FB3]  }
0x3d: {  	_ =	shalt  }
0x3e: {  	_ =	shalt  }
0x3f: {  	_ =	shalt  }
0x40: {  	_ =	shalt  }
0x41: {  	_ =	shalt  }
0x42: {  	_ =	shalt  }
0x43: {  	_ =	shalt  }
0x44: {  	_ =	shalt  }
0x45: {  	_ =	shalt  }
0x46: {  	_ =	shalt  }
0x47: {  	_ =	shalt  }
0x48: {  	_ =	shalt  }
0x49: {  	_ =	shalt  }
0x4a: {  	_ =	shalt  }
0x4b: {  	_ =	shalt  }
0x4c: {  	_ =	shalt  }
0x4d: {  	_ =	shalt  }
0x4e: {  	_ =	shalt  }
0x4f: {  	_ =	shalt  }
0x50: {  	_ =	shalt  }
0x51: {  	_ =	shalt  }
0x52: {  	_ =	shalt  }
0x53: {  	_ =	shalt  }
0x54: {  	_ =	shalt  }
0x55: {  	_ =	shalt  }
0x56: {  	_ =	shalt  }
0x57: {  	_ =	shalt  }
0x58: {  	_ =	shalt  }
0x59: {  	_ =	shalt  }
0x5a: {  	_ =	shalt  }
0x5b: {  	_ =	shalt  }
0x5c: {  	_ =	shalt  }
0x5d: {  	_ =	shalt  }
0x5e: {  	_ =	shalt  }
0x5f: {  	_ =	shalt  }
0x60: {  	_ =	shalt  }
0x61: {  	_ =	shalt  }
0x62: {  	_ =	shalt  }
0x63: {  	_ =	shalt  }
0x64: {  	_ =	shalt  }
0x65: {  	_ =	shalt  }
0x66: {  	_ =	shalt  }
0x67: {  	_ =	shalt  }
0x68: {  	_ =	shalt  }
0x69: {  	_ =	shalt  }
0x6a: {  	_ =	shalt  }
0x6b: {  	_ =	shalt  }
0x6c: {  	_ =	shalt  }
0x6d: {  	_ =	shalt  }
0x6e: {  	_ =	shalt  }
0x6f: {  	_ =	shalt  }
0x70: {  	_ =	shalt  }
0x71: {  	_ =	shalt  }
0x72: {  	_ =	shalt  }
0x73: {  	_ =	shalt  }
0x74: {  	_ =	shalt  }
0x75: {  	_ =	shalt  }
0x76: {  	_ =	shalt  }
0x77: {  	_ =	shalt  }
0x78: {  	_ =	shalt  }
0x79: {  	_ =	shalt  }
0x7a: {  	_ =	shalt  }
0x7b: {  	_ =	shalt  }
0x7c: {  	_ =	shalt  }
0x7d: {  	_ =	shalt  }
0x7e: {  	_ =	shalt  }
0x7f: {  	_ =	shalt  }
0x80: {  	_ =	shalt  }
0x81: {  	_ =	shalt  }
0x82: {  	_ =	shalt  }
0x83: {  	_ =	shalt  }
0x84: {  	_ =	shalt  }
0x85: {  	_ =	shalt  }
0x86: {  	_ =	shalt  }
0x87: {  	_ =	shalt  }
.Lfunc_end0:
.L_simem_size_0:
called_computation.3_lowered:
.L_overlay_start_0:
0x88: {  	s2 =	sld [smem:$0x3FD9]  }
0x89: {  	s3 =	sld [smem:$0x3FFE];
	_ =	sdelay $0x1  }
0x8a: {  	s1 =	srdreg.scid  }
0x8b: {  	s0 =	sand.u32 $0x1, s1  }
0x8c: {  	s17 =	sshll.u32 s0, $0xA;
	s2 =	sadd.s32 s3, s2  }
0x8d: {  	s2 =	sadd.s32 s2, s17  }
0x8e: {  	[smem:$0x3FBF] =	sst s2  }
0x8f: {  	_ = 	snop  }
0x90: {  	(tm) =	ssettm $0x1  }
0x91: {  	s18 =	sld [smem:$0x3FFB];
	_ =	sdelay $0x3  }
0x92: {  	_ =	strace s18  }
0x93: {  	s2 =	sld [smem:$0x3FFC];
	_ =	sdelay $0x3  }
0x94: {  	_ =	strace s2  }
0x95: {  	s2 =	sld [smem:$0x3FFD];
	_ =	sdelay $0x3  }
0x96: {  	_ =	strace s2  }
0x97: {  	_ =	strace $0x8FFFFFFF  }
0x98: {  	s19 =	sld [smem:$0x3FDB];
	_ =	sdelay $0x1  }
0x99: {  	s20 =	simm.s32 $_scs_section_size  }
0x9a: {  	s4 =	simm.s32 $_size__tile_overlayer_lowered;
	s5 =	simm.s32 $_tile_overlayer_lowered  }
0x9b: {  	s6 =	simm.s32 $0x1BFF;
	s21 =	sshll.u32 s5, $0x1;
	s3 =	sadd.s32 s20, s19  }
0x9c: {  	s22 =	simm.s32 $0x0;
	s4 =	sshll.u32 s4, $0x1;
	s5 =	sadd.s32 s21, s3  }
0x9d: {  	[timem:s22], [sflag:s6] =	dma.local [hbm:s5], s4  }
0x9e: {  	_ =	swait.ge [sflag:s6], s4  }
0x9f: {  	s4 =	ssub.s32 $0x0, s4;
	[sflag:s6] =	ssyncset.done $0x0  }
0xa0: {  	[sflag:s6] =	ssyncadd.s32 s4;
	_ =	sdelay $0x1  }
0xa1: {  	s23 =	simm.s32 $0x1B8B  }
0xa2: {  	_ =	swait.ge [sflag:s23], $0x1  }
0xa3: {  	[sflag:s23] =	ssyncset.done $0x0  }
0xa4: {  	[sflag:s23] =	ssyncadd.s32 $0xFFFFFFFF  }
0xa5: {  	s4 =	sld [smem:$0x0]  }
0xa6: {  	s5 =	sand.u32 $0xFFFFFFFE, s1  }
0xa7: {  	p0 =	sne.s32 s1, s5  }
0xa8: {  	s5 =	sshll.u32 @p0 s5, $0xE  }
0xa9: {  	s5 =	sadd.s32 @p0 $0x11B8D, s5;
	s6 =	sshll.u32 @p0 s4, $0x11  }
0xaa: {  	s5 =	sor.u32 @p0 s6, s5  }
0xab: {  	[sflag:s5] =	ssyncadd.remote.s32 @p0 $0x1;
	_ =	sdelay $0x1  }
0xac: {  	s5 =	simm.s32 @p0 $0x1B8D  }
0xad: {  	_ =	swait.eq @p0 [sflag:s5], $0x1  }
0xae: {  	[sflag:s5] =	ssyncadd.s32 @p0 $0xFFFFFFFF  }
0xaf: {  	s6 =	sshll.u32 @!p0 s1, $0xE  }
0xb0: {  	s6 =	sor.u32 @!p0 $0x4000, s6;
	s5 =	simm.s32 @!p0 $0x1B8D  }
0xb1: {  	s4 =	sshll.u32 @!p0 s4, $0x11;
	s6 =	sadd.s32 @!p0 $0x11B8D, s6;
	_ =	swait.eq @!p0 [sflag:s5], $0x1  }
0xb2: {  	s4 =	sor.u32 @!p0 s4, s6;
	[sflag:s5] =	ssyncadd.s32 @!p0 $0xFFFFFFFF  }
0xb3: {  	s25 =	simm.s32 $0x1B8E;
	s24 =	sld [smem:$0x3FFE];
	[sflag:s4] =	ssyncadd.remote.s32 @!p0 $0x1  }
0xb4: {  	s26 =	simm.s32 $execute0_lowered;
	[smem:$0x3FD2] =	sst s25  }
0xb5: {  	s5 =	sshll.u32 s26, $0x1;
	_ =	strace $0x8000004F;
	[dreg:$0x1] =	wrdreg $0xFFFFFFFF  }
0xb6: {  	s28 =	simm.s32 $_size_execute0_lowered;
	s3 =	sadd.s32 s3, s5;
	[dreg:$0x0] =	wrdreg $0x0  }
0xb7: {  	s5 =	sshll.u32 s28, $0x1;
	[dreg:$0x2] =	wrdreg s3  }
0xb8: {  	[dreg:$0x3] =	wrdreg s5  }
0xb9: {  	[dreg:$0x4] =	wrdreg $0xC0  }
0xba: {  	_ =	task [dreg:s22], $0x5FFFF  }
0xbb: {  	[dreg:$0x1] =	wrdreg $0xFFFFFFFF  }
0xbc: {  	[dreg:$0x0] =	wrdreg $0x60  }
0xbd: {  	[dreg:$0x2] =	wrdreg s24  }
0xbe: {  	[dreg:$0x3] =	wrdreg $0xC  }
0xbf: {  	_ =	task.clear_ibuf [dreg:s22], $0x4FFFF;
	_ =	strace $0x9000004F  }
0xc0: {  	s29 =	simm.s32 $0xC;
	_ =	strace $0x80000051  }
0xc1: {  	_ =	swait.ge [sflag:s29], $0x1  }
0xc2: {  	[sflag:s29] =	ssyncadd.s32 $0xFFFFFFFF  }
0xc3: {  	_ =	strace $0x90000051  }
0xc4: {  	_ =	sfence  }
0xc5: {  	s30 =	sld [smem:$0x0];
	_ =	sdelay $0x2  }
0xc6: {  	s31 =	sshll.u32 s1, $0xD;
	s1 =	sshrl.u32 s1, $0x2  }
0xc7: {  	s4 =	sand.u32 $0x4000, s31;
	s1 =	sadd.s32 s1, s30  }
0xc8: {  	s0 =	sor.u32 s4, s0;
	s1 =	sshll.u32 s1, $0x11  }
0xc9: {  	s0 =	sor.u32 s1, s0  }
0xca: {  	s0 =	sadd.s32 $0x8F2B, s0  }
0xcb: {  	[sflag:s0] =	ssyncadd.remote.s32 $0x1  }
0xcc: {  	_ =	sfence.sel $0xFFFF  }
0xcd: {  	[dreg:$0x0] =	wrdreg $0xFFFFFFFF;
	(pc) =	sbr.abs _section_cstart, $3  }
0xce: {  	[dreg:$0x1] =	wrdreg $0xFFFFFFFF  }
0xcf: {  	_ =	task.clear_ibuf [dreg:s22], $0x2FFFF;
	_ =	strace $0x9FFFFFFF  }
0xd0: {  	(tm) =	ssettm $0x7FFFFFFF  }
0xd1: {  	_ =	shalt  }
tec
execute0_lowered:
.L_overlay_start_1:
0x0: {  	(tag) =	ssettag $0x1  }
0x1: {  	s1 =	srdreg.scid  }
0x2: {  	s0 =	stileid.u32;
	s4 =	rddreg [dreg:$0x0];
	s2 =	simm.s32 $0x0  }
0x3: {  	s11 =	simm.s32 $0x6;
	s12 =	simm.s32 $0x4;
	s13 =	simm.s32 $0x5  }
0x4: {  	s14 =	simm.s32 $0x0;
	s5 =	sand.u32 $0x1, s1;
	s1 =	rddreg [dreg:$0x1]  }
0x5: {  	s3 =	sshll.u32 s0, $0x1;
	[smem:$0x7FF] =	sst s2;
	s7 =	smul.u32 $0xC800, s0  }
0x6: {  	s3 =	sor.u32 s5, s3;
	_ =	strace $0x80000050;
	s10 =	smul.u32 $0x6400, s5  }
0x7: {  	s8 =	ssub.s32 $0x2, s5;
	s6 =	smul.u32 $0xC8, s3;
	s3 =	sadd.s32 $0x2600, s4  }
0x8: {  	s9 =	sshrl.u32 s8, $0x1;
	s30 =	sadd.s32 s7, s4;
	s7 =	simm.s32 $0x7  }
0x9: {  	s31 =	ssub.s32 s8, s9;
	s8 =	simm.s32 $0x50;
	s9 =	simm.s32 $0x640  }
0xa: {  	s29 =	sadd.s32 s6, s4;
	s6 =	sadd.s32 s10, s30;
	s10 =	simm.s32 $0x2E40  }
0xb: {  	s5 =	smax.u32 s31, $0x1;
	s4 =	sadd.s32 $0x3EDA00, s29;
	s6 =	sadd.s32 $0x3EF400, s6  }
.LBB2_1:
0xc: {  	[tilespmem:s2], [sflag:$0x7] =	stream.linear.gather [hbm4b:s4+s2], $0x640, $0x38;
	[tilespmem:$0x7E40] =	vst v63  }
0xd: {  	p0 =	por $0x0, $0x0;
	s15 =	simm.s32 $0x2  }
0xe: {  	_ =	swait.ge [sflag:s7], $0x640;
	s15 =	smul.u32 @!p0 $0xAB, s15  }
0xf: {  	p0 =	por p0, p0;
	[sflag:s7] =	ssyncset.done $0x0  }
0x10: {  	s16 =	smul.u32 $0xAB, s2;
	[sflag:s7] =	ssyncadd.s32 $0xFFFFF9C0;
	s15 =	sshrl.u32 @!p0 s15, $0x9  }
0x11: {  	[tilespmem:s9], [sflag:$0x1] =	stream.indirect.gather [hbm4b:s3+s8], $0x80, s2, s8, $0xb8;
	[tilespmem:$0x7E40] =	vst v63  }
0x12: {  	s18 =	simm.s32 $0xA0;
	s17 =	simm.s32 $0x1;
	s15 =	sand.u32 @!p0 $0x7F, s15  }
0x13: {  	s19 =	simm.s32 $0x2;
	s16 =	sshrl.u32 s16, $0x9;
	s15 =	smul.u32 @!p0 $0x3, s15  }
0x14: {  	[tilespmem:s10], [sflag:$0x2] =	stream.indirect.gather [hbm4b:s3+s8], $0x80, s8, s8, $0xb8;
	[tilespmem:$0x7E40] =	vst v63  }
0x15: {  	p1 =	por @!p0 $0x1, $0x1;
	s16 =	sand.u32 $0x7F, s16;
	s15 =	ssub.s32 @!p0 $0x2, s15  }
0x16: {  	p1 =	por p1, p0;
	s16 =	smul.u32 $0x3, s16;
	s20 =	sand.u32 @!p0 $0xFF, s15  }
0x17: {  	p2 =	por $0x0, $0x0;
	s21 =	sadd.s32 @!p1 $0x4, s20;
	s22 =	smul.u32 @!p0 $0xA000, s20  }
0x18: {  	s23 =	ssub.s32 $0x0, s16;
	s20 =	sadd.s32 @!p0 $0x1, s20;
	_ =	swait.ge @!p1 [sflag:s21], $0x2800  }
0x19: {  	s16 =	sshrl.u32 @!p0 s22, $0x2;
	s22 =	simm.s32 @!p0 $0x50;
	[sflag:s21] =	ssyncset.done @!p1 $0x0  }
0x1a: {  	[sflag:s21] =	ssyncadd.s32 @!p1 $0xFFFFD800;
	s16 =	sor.u32 @!p0 $0x640, s16;
	s21 =	sand.u32 $0xFF, s23  }
0x1b: {  	[tilespmem:s16], [sflag:s20] =	stream.indirect.gather @!p0 [hbm4b:s3+s22], $0x80, s18, s22, $0xb8;
	[tilespmem:$0x7E40] =	vst v63  }
0x1c: {  	s15 =	simm.s32 $0xF0;
	s16 =	sadd.s32 $0x500, s6;
	s20 =	sadd.s32 $0x1, s21  }
0x1d: {  	s22 =	simm.s32 $0x3;
	s23 =	smul.u32 $0xA000, s21;
	s18 =	smov.u32 s6  }
.LBB2_2:
0x1e: {  	s24 =	smul.u32 @!p2 $0xAB, s22  }
0x1f: {  	s23 =	sshrl.u32 s23, $0x2;
	s25 =	smov.u32 s17;
	s17 =	smov.u32 s19  }
0x20: {  	s19 =	sadd.s32 $0x1, s19;
	s26 =	smov.u32 s15;
	p0 =	por p2, p2  }
0x21: {  	s28 =	smov.u32 s18;
	p1 =	sne.s32 s19, $0x14;
	s23 =	sor.u32 $0x640, s23  }
0x22: {  	s18 =	smov.u32 s16;
	s24 =	sshrl.u32 @!p0 s24, $0x9  }
0x23: {  	s30 =	sadd.s32 $0x4, s21;
	s29 =	smul.u32 $0xAB, s25;
	s24 =	sand.u32 @!p0 $0x7F, s24  }
0x24: {  	s21 =	smul.u32 @!p0 $0x3, s24  }
0x25: {  	s15 =	sadd.s32 $0x50, s15;
	s24 =	sshrl.u32 s29, $0x9;
	_ =	swait.ge [sflag:s20], $0x2800  }
0x26: {  	p2 =	seq.s32 @!p0 s25, $0x0;
	s24 =	sand.u32 $0x7F, s24;
	s21 =	ssub.s32 @!p0 s22, s21  }
0x27: {  	p3 =	por p2, p0;
	s22 =	smul.u32 $0x3, s24;
	s24 =	sand.u32 @!p0 $0xFF, s21  }
0x28: {  	s29 =	sadd.s32 @!p3 $0x4, s24;
	s31 =	smul.u32 @!p0 $0xA000, s24;
	[sflag:s20] =	ssyncset.done $0x0  }
0x29: {  	s16 =	sadd.s32 $0x500, s16;
	s21 =	ssub.s32 s25, s22;
	[sflag:s20] =	ssyncadd.s32 $0xFFFFD800  }
0x2a: {  	s21 =	sand.u32 $0xFF, s21;
	s25 =	sshrl.u32 @!p0 s31, $0x2;
	s31 =	simm.s32 @!p0 $0x50  }
0x2b: {  	[hbm4b:s28+s2] =	stream.linear.scatter [tilespmem:s23], [sflag:s30], $0x2800, $0x38;
	[tilespmem:$0x7E40] =	vst v63  }
.Ltmp0:
0x2c: {  	_ = 	snop;
	(pc) =	sbr.rel @p1 .LBB2_2-.Ltmp0, $4  }
0x2d: {  	p2 =	sgt.u32 s17, $0x11;
	s20 =	sadd.s32 $0x1, s21;
	_ =	swait.ge @!p3 [sflag:s29], $0x2800  }
0x2e: {  	s22 =	sadd.s32 $0x2, s17;
	s24 =	sadd.s32 @!p0 $0x1, s24;
	[sflag:s29] =	ssyncset.done @!p3 $0x0  }
0x2f: {  	s25 =	sor.u32 @!p0 $0x640, s25;
	s23 =	smul.u32 $0xA000, s21;
	[sflag:s29] =	ssyncadd.s32 @!p3 $0xFFFFD800  }
0x30: {  	[tilespmem:s25], [sflag:s24] =	stream.indirect.gather @!p0 [hbm4b:s3+s31], $0x80, s26, s31, $0xb8;
	[tilespmem:$0x7E40] =	vst v63  }
0x31: {  	s19 =	smul.u32 @!p2 $0xAB, s22  }
0x32: {  	p0 =	por p2, p2;
	s24 =	smul.u32 $0xAB, s17  }
0x33: {  	s23 =	sshrl.u32 s23, $0x2;
	s21 =	sadd.s32 $0x4, s21;
	_ =	swait.ge [sflag:s20], $0x2800  }
0x34: {  	s23 =	sor.u32 $0x640, s23;
	[sflag:s20] =	ssyncset.done $0x0;
	s19 =	sshrl.u32 @!p0 s19, $0x9  }
0x35: {  	s24 =	sshrl.u32 s24, $0x9;
	[sflag:s20] =	ssyncadd.s32 $0xFFFFD800;
	s19 =	sand.u32 @!p0 $0x7F, s19  }
0x36: {  	[hbm4b:s18+s2] =	stream.linear.scatter [tilespmem:s23], [sflag:s21], $0x2800, $0x38;
	[tilespmem:$0x7E40] =	vst v63  }
0x37: {  	s24 =	sand.u32 $0x7F, s24;
	s19 =	smul.u32 @!p0 $0x3, s19  }
0x38: {  	s26 =	smul.u32 $0x3, s24  }
0x39: {  	p1 =	seq.s32 @!p0 s17, $0x0;
	s19 =	ssub.s32 @!p0 s22, s19  }
0x3a: {  	p1 =	por p1, p0;
	s28 =	ssub.s32 s17, s26;
	s19 =	sand.u32 @!p0 $0xFF, s19  }
0x3b: {  	s17 =	sand.u32 $0xFF, s28;
	s24 =	sadd.s32 @!p1 $0x4, s19;
	s22 =	smul.u32 @!p0 $0xA000, s19  }
0x3c: {  	s20 =	simm.s32 @!p0 $0x50;
	s29 =	sadd.s32 $0x1, s17;
	_ =	swait.ge @!p1 [sflag:s24], $0x2800  }
0x3d: {  	s19 =	sadd.s32 @!p0 $0x1, s19;
	s18 =	sshrl.u32 @!p0 s22, $0x2;
	[sflag:s24] =	ssyncset.done @!p1 $0x0  }
0x3e: {  	s30 =	smul.u32 $0xA000, s17;
	[sflag:s24] =	ssyncadd.s32 @!p1 $0xFFFFD800;
	s18 =	sor.u32 @!p0 $0x640, s18  }
0x3f: {  	[tilespmem:s18], [sflag:s19] =	stream.indirect.gather @!p0 [hbm4b:s3+s20], $0x80, s15, s20, $0xb8;
	[tilespmem:$0x7E40] =	vst v63  }
0x40: {  	_ =	swait.ge [sflag:s29], $0x2800  }
0x41: {  	s31 =	sshrl.u32 s30, $0x2;
	[sflag:s29] =	ssyncset.done $0x0  }
0x42: {  	s17 =	sadd.s32 $0x4, s17;
	s15 =	sor.u32 $0x640, s31;
	[sflag:s29] =	ssyncadd.s32 $0xFFFFD800  }
0x43: {  	[hbm4b:s16+s2] =	stream.linear.scatter [tilespmem:s15], [sflag:s17], $0x2800, $0x38;
	[tilespmem:$0x7E40] =	vst v63  }
0x44: {  	_ =	swait.ge [sflag:s11], $0x2800  }
0x45: {  	[sflag:s11] =	ssyncset.done $0x0  }
0x46: {  	s14 =	sadd.s32 $0x1, s14;
	[sflag:s11] =	ssyncadd.s32 $0xFFFFD800  }
0x47: {  	p0 =	sne.s32 s14, s5;
	_ =	swait.ge [sflag:s12], $0x2800  }
.Ltmp1:
0x48: {  	[sflag:s12] =	ssyncset.done $0x0;
	(pc) =	sbr.rel @p0 .LBB2_1-.Ltmp1, $4  }
0x49: {  	[sflag:s12] =	ssyncadd.s32 $0xFFFFD800  }
0x4a: {  	_ =	swait.ge [sflag:s13], $0x2800  }
0x4b: {  	[sflag:s13] =	ssyncset.done $0x0  }
0x4c: {  	[sflag:s13] =	ssyncadd.s32 $0xFFFFD800  }
0x4d: {  	_ =	sfence.sel $0x180000  }
0x4e: {  	[bflag:$0x0] =	sbarrier.arrive $0xFFFF  }
0x4f: {  	p0 =	sne.s32 s0, $0x0;
	_ =	strace $0x90000050  }
0x50: {  	s0 =	sadd.s32 @!p0 $0x100000, s1;
	[bflag:$0x2] =	sbarrier.arrive $0xFFFF  }
0x51: {  	[sflag:s0] =	ssyncadd.tile.s32 @!p0 $0x1;
	_ =	shalt  }
.Lfunc_end2:
_tile_overlayer_lowered:
.L_overlay_start_2:
0x52: {  	(tag) =	ssettag $0x2  }
0x53: {  	s0 =	rddreg [dreg:$0x0];
	s2 =	stileid.u32  }
0x54: {  	s1 =	rddreg [dreg:$0x1];
	p0 =	sne.s32 s2, $0x0  }
0x55: {  	s3 =	rddreg [dreg:$0x2];
	[bflag:$0x3] =	sbarrier.arrive $0xFFFF;
	s2 =	simm.s32 @!p0 $0x1C07  }
0x56: {  	[timem:s3], [sflag:s2] =	dma.local @!p0 [hbm:s0], s1  }
0x57: {  	s0 =	simm.s32 @!p0 $0x7  }
0x58: {  	_ =	swait.ge @!p0 [sflag:s0], s1  }
0x59: {  	s1 =	ssub.s32 @!p0 $0x0, s1;
	[sflag:s0] =	ssyncset.done @!p0 $0x0  }
0x5a: {  	[sflag:s0] =	ssyncadd.s32 @!p0 s1  }
0x5b: {  	[bflag:$0x3] =	sbarrier.arrive $0xFFFF  }
0x5c: {  	_ =	shalt  }

</sc_bundles>
